<compile_context>
chip_gen: v7x
topology: tpu7x:2x2x1
jax: 0.10.2.dev20260603
libtpu: 0.0.44.dev20260713+nightly
codegen_flags: <defaults>
</compile_context>

<pallas_src>
import functools

import jax
import jax.numpy as jnp
from jax import lax
from jax.experimental import pallas as pl
from jax.experimental.pallas import tpu as pltpu
from jax.experimental.pallas import tpu_sc as plsc

B, N, PDIM = 8, 2048, 3
KNN = 5
CH = 64
RB = 1024
NB = N // RB
BN = B * N
CNT = float(BN * KNN)
B2 = B // 2
BN_H = B2 * N

GROWS = KNN * BN_H
NWORK = 32
WROWS = GROWS // NWORK
TROW = 128
CHUNK = 128
NCH = WROWS // CHUNK
NBUF = 4


def _knn_idx_kernel(pt_ref, prow_ref, idx_ref, tab_ref):
    ptsT = pt_ref[0]
    rows = prow_ref[0]
    sq_all = jnp.sum(ptsT * ptsT, axis=0, keepdims=True)
    sq_row = jnp.sum(rows * rows, axis=1, keepdims=True)
    cross = jax.lax.dot_general(
        rows.astype(jnp.bfloat16), ptsT.astype(jnp.bfloat16),
        (((1,), (0,)), ((), ())),
        preferred_element_type=jnp.float32)
    d2 = sq_row + sq_all - 2.0 * cross

    fiota = jax.lax.broadcasted_iota(jnp.int32, (RB, N), 1).astype(jnp.float32)
    fn = jnp.float32(N)
    cols = []
    for r in range(KNN):
        mval = jnp.min(d2, axis=1, keepdims=True)
        fidx = jnp.min(jnp.where(d2 <= mval, fiota, fn),
                       axis=1, keepdims=True)
        cols.append(fidx)
        if r + 1 < KNN:
            d2 = jnp.where(fiota == fidx, jnp.inf, d2)
    base = jnp.float32(N) * pl.program_id(0).astype(jnp.float32)
    idxf = jnp.concatenate(cols, axis=1) + base
    idxf = jnp.concatenate([idxf, jnp.zeros((RB, 8 - KNN), jnp.float32)],
                           axis=1)
    idxT = jnp.transpose(idxf, (1, 0)).astype(jnp.int32)
    idx_ref[...] = idxT[0:KNN]
    tab_ref[0] = jnp.concatenate(
        [rows, jnp.zeros((RB, TROW - PDIM), jnp.float32)], axis=1)


def _sc_gather_body(tab_ref, idx_ref, out_ref, idx_v, rows_v, sem):
    wid = lax.axis_index("s") * 2 + lax.axis_index("c")
    pltpu.sync_copy(idx_ref.at[wid], idx_v)
    handles = [None] * NCH
    for j in range(NBUF):
        handles[j] = pltpu.async_copy(
            tab_ref.at[idx_v.at[j]], rows_v.at[j], sem.at[j])
    for j in range(NCH):
        buf = j % NBUF
        handles[j].wait()
        pltpu.sync_copy(rows_v.at[buf], out_ref.at[wid, j])
        nj = j + NBUF
        if nj < NCH:
            handles[nj] = pltpu.async_copy(
                tab_ref.at[idx_v.at[nj]], rows_v.at[buf], sem.at[buf])


_sc_gather = functools.partial(
    pl.kernel,
    mesh=plsc.VectorSubcoreMesh(core_axis_name="c", subcore_axis_name="s"),
    out_type=jax.ShapeDtypeStruct((NWORK, NCH, CHUNK, TROW), jnp.float32),
    scratch_types=[
        pltpu.VMEM((NCH, CHUNK), jnp.int32),
        pltpu.VMEM((NBUF, CHUNK, TROW), jnp.float32),
        pltpu.SemaphoreType.DMA((NBUF,)),
    ],
)(_sc_gather_body)

EB = 2048
NEB = BN_H // EB


def _edge_kernel(nbr_ref, p_ref, wt_ref, umax_ref, umin_ref, stats_ref):
    pts = p_ref[...]
    wT = wt_ref[...]
    umax = None
    umin = None
    m1 = jnp.zeros((1, PDIM), jnp.float32)
    m2 = jnp.zeros((PDIM, PDIM), jnp.float32)
    for k in range(KNN):
        e = nbr_ref[k][:, 0:PDIM] - pts
        ebf = e.astype(jnp.bfloat16).astype(jnp.float32)
        z = (ebf[:, 0:1] * wT[0:1, :]
             + ebf[:, 1:2] * wT[1:2, :]
             + ebf[:, 2:3] * wT[2:3, :])
        umax = z if k == 0 else jnp.maximum(umax, z)
        umin = z if k == 0 else jnp.minimum(umin, z)
        m1 = m1 + jnp.sum(e, axis=0, keepdims=True)
        m2 = m2 + jax.lax.dot_general(e, e, (((0,), (0,)), ((), ())),
                                      preferred_element_type=jnp.float32)
    umax_ref[...] = umax
    umin_ref[...] = umin
    blk = jnp.concatenate(
        [jnp.concatenate([m1, jnp.zeros((1, 128 - PDIM), jnp.float32)], axis=1),
         jnp.concatenate([m2, jnp.zeros((PDIM, 128 - PDIM), jnp.float32)], axis=1),
         jnp.zeros((4, 128), jnp.float32)], axis=0)
    first = pl.program_id(0) == 0

    @pl.when(first)
    def _():
        stats_ref[...] = blk

    @pl.when(jnp.logical_not(first))
    def _():
        stats_ref[...] = stats_ref[...] + blk


def _head_kernel(umax_ref, umin_ref, stats_ref, stats2_ref, wt_ref, g_ref,
                 bta_ref,
                 w1_ref, b1_ref, w2_ref, b2_ref, w3_ref, b3_ref,
                 w4_ref, b4_ref, w5_ref, b5_ref, w6_ref, b6_ref, out_ref):
    wT = wt_ref[...]
    st = stats_ref[...] + stats2_ref[...]
    m1 = st[0:1, 0:PDIM] * (1.0 / CNT)
    m2 = st[1:1 + PDIM, 0:PDIM] * (1.0 / CNT)
    mean = (m1[:, 0:1] * wT[0:1, :] + m1[:, 1:2] * wT[1:2, :]
            + m1[:, 2:3] * wT[2:3, :])
    t = (m2[:, 0:1] * wT[0:1, :] + m2[:, 1:2] * wT[1:2, :]
         + m2[:, 2:3] * wT[2:3, :])
    ey2 = jnp.sum(wT[0:PDIM, :] * t, axis=0, keepdims=True)
    var = ey2 - mean * mean
    s = g_ref[...] * jax.lax.rsqrt(var + 1e-5)
    c = bta_ref[...] - mean * s

    pre = jnp.where(s >= 0.0, umax_ref[0] * s, umin_ref[0] * s) + c
    h = jnp.where(pre >= 0.0, pre, 0.2 * pre)
    for wref, bref in ((w1_ref, b1_ref), (w2_ref, b2_ref), (w3_ref, b3_ref),
                       (w4_ref, b4_ref), (w5_ref, b5_ref)):
        h = jax.lax.dot_general(h.astype(jnp.bfloat16), wref[...],
                                (((1,), (0,)), ((), ())),
                                preferred_element_type=jnp.float32)
        h = jnp.maximum(h + bref[...], 0.0)
    out = jax.lax.dot_general(h.astype(jnp.bfloat16), w6_ref[...],
                              (((1,), (0,)), ((), ())),
                              preferred_element_type=jnp.float32) + b6_ref[...]
    out_ref[0] = out


def _half_front(points_h, wT):
    pt = jnp.transpose(points_h, (0, 2, 1))
    idxs, tab = pl.pallas_call(
        _knn_idx_kernel,
        grid=(B2, NB),
        in_specs=[
            pl.BlockSpec((1, PDIM, N), lambda b, nb: (b, 0, 0)),
            pl.BlockSpec((1, RB, PDIM), lambda b, nb: (b, nb, 0)),
        ],
        out_specs=[
            pl.BlockSpec((KNN, RB), lambda b, nb: (0, b * NB + nb)),
            pl.BlockSpec((1, RB, TROW), lambda b, nb: (b, nb, 0)),
        ],
        out_shape=[
            jax.ShapeDtypeStruct((KNN, BN_H), jnp.int32),
            jax.ShapeDtypeStruct((B2, N, TROW), jnp.float32),
        ],
        compiler_params=pltpu.CompilerParams(
            dimension_semantics=("parallel", "arbitrary")),
    )(pt, points_h)

    idx3 = idxs.reshape(NWORK, NCH, CHUNK)
    pflat = points_h.reshape(BN_H, PDIM)

    nbr = _sc_gather(tab.reshape(BN_H, TROW), idx3)
    nbr3 = nbr.reshape(KNN, BN_H, TROW)

    return pl.pallas_call(
        _edge_kernel,
        grid=(NEB,),
        in_specs=[
            pl.BlockSpec((KNN, EB, TROW), lambda i: (0, i, 0)),
            pl.BlockSpec((EB, PDIM), lambda i: (i, 0)),
            pl.BlockSpec((8, CH), lambda i: (0, 0)),
        ],
        out_specs=[
            pl.BlockSpec((EB, CH), lambda i: (i, 0)),
            pl.BlockSpec((EB, CH), lambda i: (i, 0)),
            pl.BlockSpec((8, 128), lambda i: (0, 0)),
        ],
        out_shape=[
            jax.ShapeDtypeStruct((BN_H, CH), jnp.float32),
            jax.ShapeDtypeStruct((BN_H, CH), jnp.float32),
            jax.ShapeDtypeStruct((8, 128), jnp.float32),
        ],
    )(nbr3, pflat, wT)


def kernel(x, conv1_w, bn1_gamma, bn1_beta, W1, b1, W2, b2, W3, b3,
           W4, b4, W5, b5, W6, b6):
    points = x[:, :, 0:PDIM]
    wbf = conv1_w.astype(jnp.bfloat16).astype(jnp.float32)
    wT = jnp.zeros((8, CH), jnp.float32).at[0:PDIM, :].set(wbf.T)

    umaxA, uminA, statsA = _half_front(points[0:B2], wT)
    umaxB, uminB, statsB = _half_front(points[B2:B], wT)

    dims = [(CH, 64), (64, 128), (128, 256), (256, 128), (128, 64), (64, 13)]
    ws = [W1.T.astype(jnp.bfloat16), W2.T.astype(jnp.bfloat16),
          W3.T.astype(jnp.bfloat16), W4.T.astype(jnp.bfloat16),
          W5.T.astype(jnp.bfloat16), W6.T.astype(jnp.bfloat16)]
    bs = [b1.reshape(1, -1), b2.reshape(1, -1), b3.reshape(1, -1),
          b4.reshape(1, -1), b5.reshape(1, -1), b6.reshape(1, -1)]

    def head(umax, umin, sA, sB):
        in_specs = [
            pl.BlockSpec((1, N, CH), lambda b: (b, 0, 0)),
            pl.BlockSpec((1, N, CH), lambda b: (b, 0, 0)),
            pl.BlockSpec((8, 128), lambda b: (0, 0)),
            pl.BlockSpec((8, 128), lambda b: (0, 0)),
            pl.BlockSpec((8, CH), lambda b: (0, 0)),
            pl.BlockSpec((1, CH), lambda b: (0, 0)),
            pl.BlockSpec((1, CH), lambda b: (0, 0)),
        ]
        operands = [umax.reshape(B2, N, CH), umin.reshape(B2, N, CH),
                    sA, sB, wT,
                    bn1_gamma.reshape(1, -1), bn1_beta.reshape(1, -1)]
        for (fi, fo), w, bb in zip(dims, ws, bs):
            in_specs.append(pl.BlockSpec((fi, fo), lambda b: (0, 0)))
            in_specs.append(pl.BlockSpec((1, fo), lambda b: (0, 0)))
            operands.append(w)
            operands.append(bb)
        return pl.pallas_call(
            _head_kernel,
            grid=(B2,),
            in_specs=in_specs,
            out_specs=pl.BlockSpec((1, N, 13), lambda b: (b, 0, 0)),
            out_shape=jax.ShapeDtypeStruct((B2, N, 13), jnp.float32),
        )(*operands)

    outA = head(umaxA, uminA, statsA, statsB)
    outB = head(umaxB, uminB, statsA, statsB)
    return jnp.concatenate([outA, outB], axis=0)

# --- scband reference (transcript-rebuilt; emitter-appended) ---
"""Pipeline reference for scband-nn-84679575208444 (READ-ONLY COPY).

The authoritative reference and input builder live on the scoring server;
editing this copy changes nothing except your own understanding.
"""

import jax, jax.numpy as jnp
import numpy as np

B, N, IN_DIM = 8, 2048, 6
HIDDEN, OUT, K = 64, 13, 5

def setup_inputs(seed: int = 0):
    key = jax.random.key(seed)
    ks = jax.random.split(key, 10)
    x = jax.random.normal(ks[0], (B, N, IN_DIM), dtype=jnp.float32)
    conv1_w = jax.random.uniform(ks[1], (64, 3), minval=-1.0/np.sqrt(3.0), maxval=1.0/np.sqrt(3.0), dtype=jnp.float32)
    bn1_gamma = jnp.ones((64,), dtype=jnp.float32)
    bn1_beta = jnp.zeros((64,), dtype=jnp.float32)
    dims = [(64, HIDDEN), (HIDDEN, 128), (128, 256), (256, 128), (128, HIDDEN), (HIDDEN, OUT)]
    inp = {"x": x, "conv1_w": conv1_w, "bn1_gamma": bn1_gamma, "bn1_beta": bn1_beta}
    for i, (fi, fo) in enumerate(dims):
        kw, kb = jax.random.split(ks[2 + i])
        bound = 1.0 / np.sqrt(fi)
        inp[f"W{i+1}"] = jax.random.uniform(kw, (fo, fi), minval=-bound, maxval=bound, dtype=jnp.float32)
        inp[f"b{i+1}"] = jax.random.uniform(kb, (fo,), minval=-bound, maxval=bound, dtype=jnp.float32)
    return inp

def reference(x, conv1_w, bn1_gamma, bn1_beta, W1, b1, W2, b2, W3, b3, W4, b4, W5, b5, W6, b6):
    points = x[:, :, 0:3]
    # brute-force exact L2 KNN (replaces faiss IndexFlatL2 search, k=5, self included)
    sq = jnp.sum(points * points, axis=-1)
    d2 = sq[:, :, None] + sq[:, None, :] - 2.0 * jnp.einsum('bnd,bmd->bnm', points, points)
    _, nbrs = jax.lax.top_k(-d2, K)
    knn = jax.vmap(lambda p, idx: p[idx])(points, nbrs)  # [B, N, K, 3]
    edge = knn - points[:, :, None, :]
    t = jnp.transpose(edge, (0, 3, 1, 2))  # [B, 3, N, K]
    # conv1: 1x1 Conv2d(3->64, bias=False) + BatchNorm2d(64, train mode) + LeakyReLU(0.2)
    y = jnp.einsum('oc,bcnk->bonk', conv1_w, t)
    mean = jnp.mean(y, axis=(0, 2, 3), keepdims=True)
    var = jnp.var(y, axis=(0, 2, 3), keepdims=True)
    y = (y - mean) / jnp.sqrt(var + 1e-5)
    y = y * bn1_gamma[None, :, None, None] + bn1_beta[None, :, None, None]
    y = jnp.where(y >= 0, y, 0.2 * y)
    x1 = jnp.transpose(jnp.max(y, axis=-1), (0, 2, 1))  # [B, N, 64]
    h = x1
    for W, b in ((W1, b1), (W2, b2), (W3, b3), (W4, b4), (W5, b5)):
        h = jax.nn.relu(h @ W.T + b)
    return h @ W6.T + b6

if __name__ == "__main__":
    import jax
    _d = setup_inputs()
    print(jax.jit(kernel)(*tuple(_d.values())))

</pallas_src>

<mosaic_0001>
#map = affine_map<(d0, d1) -> (0, 0)>
#map1 = affine_map<(d0, d1) -> (0, 0, 0)>
#map2 = affine_map<(d0, d1) -> (0, 0, 0, 0)>
module attributes {stable_mosaic.version = 14 : i64} {
  func.func @_sc_gather_body(%arg0: i32, %arg1: i32, %arg2: memref<8192x128xf32, #tpu.memory_space<hbm>>, %arg3: memref<32x10x128xi32, #tpu.memory_space<hbm>>, %arg4: memref<32x10x128x128xf32, #tpu.memory_space<hbm>>, %arg5: memref<10x128xi32, #tpu.memory_space<vmem>>, %arg6: memref<4x128x128xf32, #tpu.memory_space<vmem>>, %arg7: memref<4x!tpu.dma_semaphore, #tpu.memory_space<semaphore_mem>>) attributes {dimension_semantics = [#tpu.dimension_semantics<core_parallel>, #tpu.dimension_semantics<subcore_parallel>], iteration_bounds = array<i64: 2, 16>, scalar_prefetch = 0 : i64, scratch_operands = 3 : i64, tpu.core_type = #tpu.core_type<sc_vector_subcore>, window_params = [{transform_indices = #map}, {transform_indices = #map1}, {transform_indices = #map2}]} {
    %mul3A = arith.constant 2 : i32
    %mul3A_0 = arith.muli %arg1, %mul3A : i32
    %add3A = arith.addi %mul3A_0, %arg0 : i32
    "tpu.region"() ({
      %run_scoped3A_318 = tpu.sem_alloc : memref<!tpu.dma_semaphore, #tpu.memory_space<semaphore_mem>>
      %dma_start3A_319 = arith.constant 0 : i32
      %dma_start3A_320 = arith.constant 0 : i32
      %dma_start3A_321 = tpu.memref_slice %arg3[%add3A, %dma_start3A_319, %dma_start3A_320] : memref<32x10x128xi32, #tpu.memory_space<hbm>> -> memref<1x10x128xi32, #tpu.memory_space<hbm>>
      %dma_start3A_322 = tpu.memref_squeeze %dma_start3A_321 : memref<1x10x128xi32, #tpu.memory_space<hbm>> -> memref<10x128xi32, #tpu.memory_space<hbm>>
      %dma_start3A_323 = arith.constant 0 : i32
      %dma_start3A_324 = arith.constant 0 : i32
      %dma_start3A_325 = tpu.memref_slice %arg3[%add3A, %dma_start3A_323, %dma_start3A_324] : memref<32x10x128xi32, #tpu.memory_space<hbm>> -> memref<1x10x128xi32, #tpu.memory_space<hbm>>
      %dma_start3A_326 = tpu.memref_squeeze %dma_start3A_325 : memref<1x10x128xi32, #tpu.memory_space<hbm>> -> memref<10x128xi32, #tpu.memory_space<hbm>>
      tpu.enqueue_dma source(%dma_start3A_326 : memref<10x128xi32, #tpu.memory_space<hbm>>) target(%arg5 : memref<10x128xi32, #tpu.memory_space<vmem>>) target_semaphore(%run_scoped3A_318 : memref<!tpu.dma_semaphore, #tpu.memory_space<semaphore_mem>>)
      %dma_wait3A_327 = arith.constant 0 : i32
      %dma_wait3A_328 = arith.constant 0 : i32
      %dma_wait3A_329 = tpu.memref_slice %arg3[%add3A, %dma_wait3A_327, %dma_wait3A_328] : memref<32x10x128xi32, #tpu.memory_space<hbm>> -> memref<1x10x128xi32, #tpu.memory_space<hbm>>
      %dma_wait3A_330 = tpu.memref_squeeze %dma_wait3A_329 : memref<1x10x128xi32, #tpu.memory_space<hbm>> -> memref<10x128xi32, #tpu.memory_space<hbm>>
      %dma_wait3A_331 = arith.constant 0 : i32
      %dma_wait3A_332 = arith.constant 0 : i32
      %dma_wait3A_333 = tpu.memref_slice %arg3[%add3A, %dma_wait3A_331, %dma_wait3A_332] : memref<32x10x128xi32, #tpu.memory_space<hbm>> -> memref<1x10x128xi32, #tpu.memory_space<hbm>>
      %dma_wait3A_334 = tpu.memref_squeeze %dma_wait3A_333 : memref<1x10x128xi32, #tpu.memory_space<hbm>> -> memref<10x128xi32, #tpu.memory_space<hbm>>
      tpu.wait_dma2 semaphore(%run_scoped3A_318 : memref<!tpu.dma_semaphore, #tpu.memory_space<semaphore_mem>>) src(%dma_wait3A_334 : memref<10x128xi32, #tpu.memory_space<hbm>>) dst(%arg5 : memref<10x128xi32, #tpu.memory_space<vmem>>)
      tpu.yield
    }) : () -> ()
    %dma_start3A = arith.constant 0 : i32
    %dma_start3A_1 = arith.constant 0 : i32
    %dma_start3A_2 = arith.constant 0 : i32
    %dma_start3A_3 = arith.constant 0 : i32
    %dma_start3A_4 = arith.constant 0 : i32
    %dma_start3A_5 = tpu.memref_slice %arg6[%dma_start3A_1, %dma_start3A_3, %dma_start3A_4] : memref<4x128x128xf32, #tpu.memory_space<vmem>> -> memref<1x128x128xf32, #tpu.memory_space<vmem>>
    %dma_start3A_6 = tpu.memref_squeeze %dma_start3A_5 : memref<1x128x128xf32, #tpu.memory_space<vmem>> -> memref<128x128xf32, #tpu.memory_space<vmem>>
    %dma_start3A_7 = arith.constant 0 : i32
    %dma_start3A_8 = tpu.memref_slice %arg5[%dma_start3A, %dma_start3A_7] : memref<10x128xi32, #tpu.memory_space<vmem>> -> memref<1x128xi32, #tpu.memory_space<vmem>>
    %dma_start3A_9 = tpu.memref_squeeze %dma_start3A_8 : memref<1x128xi32, #tpu.memory_space<vmem>> -> memref<128xi32, #tpu.memory_space<vmem>>
    %dma_start3A_10 = arith.constant 0 : i32
    %dma_start3A_11 = arith.constant 0 : i32
    %dma_start3A_12 = tpu.memref_slice %arg2[%dma_start3A_10, %dma_start3A_11] : memref<8192x128xf32, #tpu.memory_space<hbm>> -> memref<8192x128xf32, #tpu.memory_space<hbm>>
    %dma_start3A_13 = tpu.memref_slice %arg7[%dma_start3A_2] : memref<4x!tpu.dma_semaphore, #tpu.memory_space<semaphore_mem>> -> memref<1x!tpu.dma_semaphore, #tpu.memory_space<semaphore_mem>>
    %dma_start3A_14 = tpu.memref_squeeze %dma_start3A_13 : memref<1x!tpu.dma_semaphore, #tpu.memory_space<semaphore_mem>> -> memref<!tpu.dma_semaphore, #tpu.memory_space<semaphore_mem>>
    tpu.enqueue_indirect_dma source(%dma_start3A_12 : memref<8192x128xf32, #tpu.memory_space<hbm>>) target(%dma_start3A_6 : memref<128x128xf32, #tpu.memory_space<vmem>>) offsets(%dma_start3A_9 : memref<128xi32, #tpu.memory_space<vmem>>) semaphore(%dma_start3A_14 : memref<!tpu.dma_semaphore, #tpu.memory_space<semaphore_mem>>)
    %dma_start3A_15 = arith.constant 1 : i32
    %dma_start3A_16 = arith.constant 1 : i32
    %dma_start3A_17 = arith.constant 1 : i32
    %dma_start3A_18 = arith.constant 0 : i32
    %dma_start3A_19 = arith.constant 0 : i32
    %dma_start3A_20 = tpu.memref_slice %arg6[%dma_start3A_16, %dma_start3A_18, %dma_start3A_19] : memref<4x128x128xf32, #tpu.memory_space<vmem>> -> memref<1x128x128xf32, #tpu.memory_space<vmem>>
    %dma_start3A_21 = tpu.memref_squeeze %dma_start3A_20 : memref<1x128x128xf32, #tpu.memory_space<vmem>> -> memref<128x128xf32, #tpu.memory_space<vmem>>
    %dma_start3A_22 = arith.constant 0 : i32
    %dma_start3A_23 = tpu.memref_slice %arg5[%dma_start3A_15, %dma_start3A_22] : memref<10x128xi32, #tpu.memory_space<vmem>> -> memref<1x128xi32, #tpu.memory_space<vmem>>
    %dma_start3A_24 = tpu.memref_squeeze %dma_start3A_23 : memref<1x128xi32, #tpu.memory_space<vmem>> -> memref<128xi32, #tpu.memory_space<vmem>>
    %dma_start3A_25 = arith.constant 0 : i32
    %dma_start3A_26 = arith.constant 0 : i32
    %dma_start3A_27 = tpu.memref_slice %arg2[%dma_start3A_25, %dma_start3A_26] : memref<8192x128xf32, #tpu.memory_space<hbm>> -> memref<8192x128xf32, #tpu.memory_space<hbm>>
    %dma_start3A_28 = tpu.memref_slice %arg7[%dma_start3A_17] : memref<4x!tpu.dma_semaphore, #tpu.memory_space<semaphore_mem>> -> memref<1x!tpu.dma_semaphore, #tpu.memory_space<semaphore_mem>>
    %dma_start3A_29 = tpu.memref_squeeze %dma_start3A_28 : memref<1x!tpu.dma_semaphore, #tpu.memory_space<semaphore_mem>> -> memref<!tpu.dma_semaphore, #tpu.memory_space<semaphore_mem>>
    tpu.enqueue_indirect_dma source(%dma_start3A_27 : memref<8192x128xf32, #tpu.memory_space<hbm>>) target(%dma_start3A_21 : memref<128x128xf32, #tpu.memory_space<vmem>>) offsets(%dma_start3A_24 : memref<128xi32, #tpu.memory_space<vmem>>) semaphore(%dma_start3A_29 : memref<!tpu.dma_semaphore, #tpu.memory_space<semaphore_mem>>)
    %dma_start3A_30 = arith.constant 2 : i32
    %dma_start3A_31 = arith.constant 2 : i32
    %dma_start3A_32 = arith.constant 2 : i32
    %dma_start3A_33 = arith.constant 0 : i32
    %dma_start3A_34 = arith.constant 0 : i32
    %dma_start3A_35 = tpu.memref_slice %arg6[%dma_start3A_31, %dma_start3A_33, %dma_start3A_34] : memref<4x128x128xf32, #tpu.memory_space<vmem>> -> memref<1x128x128xf32, #tpu.memory_space<vmem>>
    %dma_start3A_36 = tpu.memref_squeeze %dma_start3A_35 : memref<1x128x128xf32, #tpu.memory_space<vmem>> -> memref<128x128xf32, #tpu.memory_space<vmem>>
    %dma_start3A_37 = arith.constant 0 : i32
    %dma_start3A_38 = tpu.memref_slice %arg5[%dma_start3A_30, %dma_start3A_37] : memref<10x128xi32, #tpu.memory_space<vmem>> -> memref<1x128xi32, #tpu.memory_space<vmem>>
    %dma_start3A_39 = tpu.memref_squeeze %dma_start3A_38 : memref<1x128xi32, #tpu.memory_space<vmem>> -> memref<128xi32, #tpu.memory_space<vmem>>
    %dma_start3A_40 = arith.constant 0 : i32
    %dma_start3A_41 = arith.constant 0 : i32
    %dma_start3A_42 = tpu.memref_slice %arg2[%dma_start3A_40, %dma_start3A_41] : memref<8192x128xf32, #tpu.memory_space<hbm>> -> memref<8192x128xf32, #tpu.memory_space<hbm>>
    %dma_start3A_43 = tpu.memref_slice %arg7[%dma_start3A_32] : memref<4x!tpu.dma_semaphore, #tpu.memory_space<semaphore_mem>> -> memref<1x!tpu.dma_semaphore, #tpu.memory_space<semaphore_mem>>
    %dma_start3A_44 = tpu.memref_squeeze %dma_start3A_43 : memref<1x!tpu.dma_semaphore, #tpu.memory_space<semaphore_mem>> -> memref<!tpu.dma_semaphore, #tpu.memory_space<semaphore_mem>>
    tpu.enqueue_indirect_dma source(%dma_start3A_42 : memref<8192x128xf32, #tpu.memory_space<hbm>>) target(%dma_start3A_36 : memref<128x128xf32, #tpu.memory_space<vmem>>) offsets(%dma_start3A_39 : memref<128xi32, #tpu.memory_space<vmem>>) semaphore(%dma_start3A_44 : memref<!tpu.dma_semaphore, #tpu.memory_space<semaphore_mem>>)
    %dma_start3A_45 = arith.constant 3 : i32
    %dma_start3A_46 = arith.constant 3 : i32
    %dma_start3A_47 = arith.constant 3 : i32
    %dma_start3A_48 = arith.constant 0 : i32
    %dma_start3A_49 = arith.constant 0 : i32
    %dma_start3A_50 = tpu.memref_slice %arg6[%dma_start3A_46, %dma_start3A_48, %dma_start3A_49] : memref<4x128x128xf32, #tpu.memory_space<vmem>> -> memref<1x128x128xf32, #tpu.memory_space<vmem>>
    %dma_start3A_51 = tpu.memref_squeeze %dma_start3A_50 : memref<1x128x128xf32, #tpu.memory_space<vmem>> -> memref<128x128xf32, #tpu.memory_space<vmem>>
    %dma_start3A_52 = arith.constant 0 : i32
    %dma_start3A_53 = tpu.memref_slice %arg5[%dma_start3A_45, %dma_start3A_52] : memref<10x128xi32, #tpu.memory_space<vmem>> -> memref<1x128xi32, #tpu.memory_space<vmem>>
    %dma_start3A_54 = tpu.memref_squeeze %dma_start3A_53 : memref<1x128xi32, #tpu.memory_space<vmem>> -> memref<128xi32, #tpu.memory_space<vmem>>
    %dma_start3A_55 = arith.constant 0 : i32
    %dma_start3A_56 = arith.constant 0 : i32
    %dma_start3A_57 = tpu.memref_slice %arg2[%dma_start3A_55, %dma_start3A_56] : memref<8192x128xf32, #tpu.memory_space<hbm>> -> memref<8192x128xf32, #tpu.memory_space<hbm>>
    %dma_start3A_58 = tpu.memref_slice %arg7[%dma_start3A_47] : memref<4x!tpu.dma_semaphore, #tpu.memory_space<semaphore_mem>> -> memref<1x!tpu.dma_semaphore, #tpu.memory_space<semaphore_mem>>
    %dma_start3A_59 = tpu.memref_squeeze %dma_start3A_58 : memref<1x!tpu.dma_semaphore, #tpu.memory_space<semaphore_mem>> -> memref<!tpu.dma_semaphore, #tpu.memory_space<semaphore_mem>>
    tpu.enqueue_indirect_dma source(%dma_start3A_57 : memref<8192x128xf32, #tpu.memory_space<hbm>>) target(%dma_start3A_51 : memref<128x128xf32, #tpu.memory_space<vmem>>) offsets(%dma_start3A_54 : memref<128xi32, #tpu.memory_space<vmem>>) semaphore(%dma_start3A_59 : memref<!tpu.dma_semaphore, #tpu.memory_space<semaphore_mem>>)
    %dma_wait3A = arith.constant 0 : i32
    %dma_wait3A_60 = arith.constant 0 : i32
    %dma_wait3A_61 = arith.constant 0 : i32
    %dma_wait3A_62 = arith.constant 0 : i32
    %dma_wait3A_63 = arith.constant 0 : i32
    %dma_wait3A_64 = tpu.memref_slice %arg6[%dma_wait3A_60, %dma_wait3A_62, %dma_wait3A_63] : memref<4x128x128xf32, #tpu.memory_space<vmem>> -> memref<1x128x128xf32, #tpu.memory_space<vmem>>
    %dma_wait3A_65 = tpu.memref_squeeze %dma_wait3A_64 : memref<1x128x128xf32, #tpu.memory_space<vmem>> -> memref<128x128xf32, #tpu.memory_space<vmem>>
    %dma_wait3A_66 = arith.constant 0 : i32
    %dma_wait3A_67 = tpu.memref_slice %arg5[%dma_wait3A, %dma_wait3A_66] : memref<10x128xi32, #tpu.memory_space<vmem>> -> memref<1x128xi32, #tpu.memory_space<vmem>>
    %dma_wait3A_68 = tpu.memref_squeeze %dma_wait3A_67 : memref<1x128xi32, #tpu.memory_space<vmem>> -> memref<128xi32, #tpu.memory_space<vmem>>
    %dma_wait3A_69 = arith.constant 0 : i32
    %dma_wait3A_70 = arith.constant 0 : i32
    %dma_wait3A_71 = tpu.memref_slice %arg2[%dma_wait3A_69, %dma_wait3A_70] : memref<8192x128xf32, #tpu.memory_space<hbm>> -> memref<8192x128xf32, #tpu.memory_space<hbm>>
    %dma_wait3A_72 = tpu.memref_slice %arg7[%dma_wait3A_61] : memref<4x!tpu.dma_semaphore, #tpu.memory_space<semaphore_mem>> -> memref<1x!tpu.dma_semaphore, #tpu.memory_space<semaphore_mem>>
    %dma_wait3A_73 = tpu.memref_squeeze %dma_wait3A_72 : memref<1x!tpu.dma_semaphore, #tpu.memory_space<semaphore_mem>> -> memref<!tpu.dma_semaphore, #tpu.memory_space<semaphore_mem>>
    tpu.wait_indirect_dma semaphore(%dma_wait3A_73 : memref<!tpu.dma_semaphore, #tpu.memory_space<semaphore_mem>>) src(%dma_wait3A_71 : memref<8192x128xf32, #tpu.memory_space<hbm>>) dst(%dma_wait3A_65 : memref<128x128xf32, #tpu.memory_space<vmem>>)
    %run_scoped3A = arith.constant 0 : i32
    %run_scoped3A_74 = arith.constant 0 : i32
    "tpu.region"() ({
      %run_scoped3A_318 = tpu.sem_alloc : memref<!tpu.dma_semaphore, #tpu.memory_space<semaphore_mem>>
      %dma_start3A_319 = arith.constant 0 : i32
      %dma_start3A_320 = arith.constant 0 : i32
      %dma_start3A_321 = tpu.memref_slice %arg6[%run_scoped3A, %dma_start3A_319, %dma_start3A_320] : memref<4x128x128xf32, #tpu.memory_space<vmem>> -> memref<1x128x128xf32, #tpu.memory_space<vmem>>
      %dma_start3A_322 = tpu.memref_squeeze %dma_start3A_321 : memref<1x128x128xf32, #tpu.memory_space<vmem>> -> memref<128x128xf32, #tpu.memory_space<vmem>>
      %dma_start3A_323 = arith.constant 0 : i32
      %dma_start3A_324 = arith.constant 0 : i32
      %dma_start3A_325 = tpu.memref_slice %arg4[%add3A, %run_scoped3A_74, %dma_start3A_323, %dma_start3A_324] : memref<32x10x128x128xf32, #tpu.memory_space<hbm>> -> memref<1x1x128x128xf32, #tpu.memory_space<hbm>>
      %dma_start3A_326 = tpu.memref_squeeze %dma_start3A_325 : memref<1x1x128x128xf32, #tpu.memory_space<hbm>> -> memref<128x128xf32, #tpu.memory_space<hbm>>
      %dma_start3A_327 = arith.constant 0 : i32
      %dma_start3A_328 = arith.constant 0 : i32
      %dma_start3A_329 = tpu.memref_slice %arg4[%add3A, %run_scoped3A_74, %dma_start3A_327, %dma_start3A_328] : memref<32x10x128x128xf32, #tpu.memory_space<hbm>> -> memref<1x1x128x128xf32, #tpu.memory_space<hbm>>
      %dma_start3A_330 = tpu.memref_squeeze %dma_start3A_329 : memref<1x1x128x128xf32, #tpu.memory_space<hbm>> -> memref<128x128xf32, #tpu.memory_space<hbm>>
      %dma_start3A_331 = arith.constant 0 : i32
      %dma_start3A_332 = arith.constant 0 : i32
      %dma_start3A_333 = tpu.memref_slice %arg6[%run_scoped3A, %dma_start3A_331, %dma_start3A_332] : memref<4x128x128xf32, #tpu.memory_space<vmem>> -> memref<1x128x128xf32, #tpu.memory_space<vmem>>
      %dma_start3A_334 = tpu.memref_squeeze %dma_start3A_333 : memref<1x128x128xf32, #tpu.memory_space<vmem>> -> memref<128x128xf32, #tpu.memory_space<vmem>>
      tpu.enqueue_dma source(%dma_start3A_334 : memref<128x128xf32, #tpu.memory_space<vmem>>) target(%dma_start3A_330 : memref<128x128xf32, #tpu.memory_space<hbm>>) target_semaphore(%run_scoped3A_318 : memref<!tpu.dma_semaphore, #tpu.memory_space<semaphore_mem>>)
      %dma_wait3A_335 = arith.constant 0 : i32
      %dma_wait3A_336 = arith.constant 0 : i32
      %dma_wait3A_337 = tpu.memref_slice %arg6[%run_scoped3A, %dma_wait3A_335, %dma_wait3A_336] : memref<4x128x128xf32, #tpu.memory_space<vmem>> -> memref<1x128x128xf32, #tpu.memory_space<vmem>>
      %dma_wait3A_338 = tpu.memref_squeeze %dma_wait3A_337 : memref<1x128x128xf32, #tpu.memory_space<vmem>> -> memref<128x128xf32, #tpu.memory_space<vmem>>
      %dma_wait3A_339 = arith.constant 0 : i32
      %dma_wait3A_340 = arith.constant 0 : i32
      %dma_wait3A_341 = tpu.memref_slice %arg4[%add3A, %run_scoped3A_74, %dma_wait3A_339, %dma_wait3A_340] : memref<32x10x128x128xf32, #tpu.memory_space<hbm>> -> memref<1x1x128x128xf32, #tpu.memory_space<hbm>>
      %dma_wait3A_342 = tpu.memref_squeeze %dma_wait3A_341 : memref<1x1x128x128xf32, #tpu.memory_space<hbm>> -> memref<128x128xf32, #tpu.memory_space<hbm>>
      %dma_wait3A_343 = arith.constant 0 : i32
      %dma_wait3A_344 = arith.constant 0 : i32
      %dma_wait3A_345 = tpu.memref_slice %arg4[%add3A, %run_scoped3A_74, %dma_wait3A_343, %dma_wait3A_344] : memref<32x10x128x128xf32, #tpu.memory_space<hbm>> -> memref<1x1x128x128xf32, #tpu.memory_space<hbm>>
      %dma_wait3A_346 = tpu.memref_squeeze %dma_wait3A_345 : memref<1x1x128x128xf32, #tpu.memory_space<hbm>> -> memref<128x128xf32, #tpu.memory_space<hbm>>
      %dma_wait3A_347 = arith.constant 0 : i32
      %dma_wait3A_348 = arith.constant 0 : i32
      %dma_wait3A_349 = tpu.memref_slice %arg6[%run_scoped3A, %dma_wait3A_347, %dma_wait3A_348] : memref<4x128x128xf32, #tpu.memory_space<vmem>> -> memref<1x128x128xf32, #tpu.memory_space<vmem>>
      %dma_wait3A_350 = tpu.memref_squeeze %dma_wait3A_349 : memref<1x128x128xf32, #tpu.memory_space<vmem>> -> memref<128x128xf32, #tpu.memory_space<vmem>>
      tpu.wait_dma2 semaphore(%run_scoped3A_318 : memref<!tpu.dma_semaphore, #tpu.memory_space<semaphore_mem>>) src(%dma_wait3A_350 : memref<128x128xf32, #tpu.memory_space<vmem>>) dst(%dma_wait3A_346 : memref<128x128xf32, #tpu.memory_space<hbm>>)
      tpu.yield
    }) : () -> ()
    %dma_start3A_75 = arith.constant 4 : i32
    %dma_start3A_76 = arith.constant 0 : i32
    %dma_start3A_77 = arith.constant 0 : i32
    %dma_start3A_78 = arith.constant 0 : i32
    %dma_start3A_79 = arith.constant 0 : i32
    %dma_start3A_80 = tpu.memref_slice %arg6[%dma_start3A_76, %dma_start3A_78, %dma_start3A_79] : memref<4x128x128xf32, #tpu.memory_space<vmem>> -> memref<1x128x128xf32, #tpu.memory_space<vmem>>
    %dma_start3A_81 = tpu.memref_squeeze %dma_start3A_80 : memref<1x128x128xf32, #tpu.memory_space<vmem>> -> memref<128x128xf32, #tpu.memory_space<vmem>>
    %dma_start3A_82 = arith.constant 0 : i32
    %dma_start3A_83 = tpu.memref_slice %arg5[%dma_start3A_75, %dma_start3A_82] : memref<10x128xi32, #tpu.memory_space<vmem>> -> memref<1x128xi32, #tpu.memory_space<vmem>>
    %dma_start3A_84 = tpu.memref_squeeze %dma_start3A_83 : memref<1x128xi32, #tpu.memory_space<vmem>> -> memref<128xi32, #tpu.memory_space<vmem>>
    %dma_start3A_85 = arith.constant 0 : i32
    %dma_start3A_86 = arith.constant 0 : i32
    %dma_start3A_87 = tpu.memref_slice %arg2[%dma_start3A_85, %dma_start3A_86] : memref<8192x128xf32, #tpu.memory_space<hbm>> -> memref<8192x128xf32, #tpu.memory_space<hbm>>
    %dma_start3A_88 = tpu.memref_slice %arg7[%dma_start3A_77] : memref<4x!tpu.dma_semaphore, #tpu.memory_space<semaphore_mem>> -> memref<1x!tpu.dma_semaphore, #tpu.memory_space<semaphore_mem>>
    %dma_start3A_89 = tpu.memref_squeeze %dma_start3A_88 : memref<1x!tpu.dma_semaphore, #tpu.memory_space<semaphore_mem>> -> memref<!tpu.dma_semaphore, #tpu.memory_space<semaphore_mem>>
    tpu.enqueue_indirect_dma source(%dma_start3A_87 : memref<8192x128xf32, #tpu.memory_space<hbm>>) target(%dma_start3A_81 : memref<128x128xf32, #tpu.memory_space<vmem>>) offsets(%dma_start3A_84 : memref<128xi32, #tpu.memory_space<vmem>>) semaphore(%dma_start3A_89 : memref<!tpu.dma_semaphore, #tpu.memory_space<semaphore_mem>>)
    %dma_wait3A_90 = arith.constant 1 : i32
    %dma_wait3A_91 = arith.constant 1 : i32
    %dma_wait3A_92 = arith.constant 1 : i32
    %dma_wait3A_93 = arith.constant 0 : i32
    %dma_wait3A_94 = arith.constant 0 : i32
    %dma_wait3A_95 = tpu.memref_slice %arg6[%dma_wait3A_91, %dma_wait3A_93, %dma_wait3A_94] : memref<4x128x128xf32, #tpu.memory_space<vmem>> -> memref<1x128x128xf32, #tpu.memory_space<vmem>>
    %dma_wait3A_96 = tpu.memref_squeeze %dma_wait3A_95 : memref<1x128x128xf32, #tpu.memory_space<vmem>> -> memref<128x128xf32, #tpu.memory_space<vmem>>
    %dma_wait3A_97 = arith.constant 0 : i32
    %dma_wait3A_98 = tpu.memref_slice %arg5[%dma_wait3A_90, %dma_wait3A_97] : memref<10x128xi32, #tpu.memory_space<vmem>> -> memref<1x128xi32, #tpu.memory_space<vmem>>
    %dma_wait3A_99 = tpu.memref_squeeze %dma_wait3A_98 : memref<1x128xi32, #tpu.memory_space<vmem>> -> memref<128xi32, #tpu.memory_space<vmem>>
    %dma_wait3A_100 = arith.constant 0 : i32
    %dma_wait3A_101 = arith.constant 0 : i32
    %dma_wait3A_102 = tpu.memref_slice %arg2[%dma_wait3A_100, %dma_wait3A_101] : memref<8192x128xf32, #tpu.memory_space<hbm>> -> memref<8192x128xf32, #tpu.memory_space<hbm>>
    %dma_wait3A_103 = tpu.memref_slice %arg7[%dma_wait3A_92] : memref<4x!tpu.dma_semaphore, #tpu.memory_space<semaphore_mem>> -> memref<1x!tpu.dma_semaphore, #tpu.memory_space<semaphore_mem>>
    %dma_wait3A_104 = tpu.memref_squeeze %dma_wait3A_103 : memref<1x!tpu.dma_semaphore, #tpu.memory_space<semaphore_mem>> -> memref<!tpu.dma_semaphore, #tpu.memory_space<semaphore_mem>>
    tpu.wait_indirect_dma semaphore(%dma_wait3A_104 : memref<!tpu.dma_semaphore, #tpu.memory_space<semaphore_mem>>) src(%dma_wait3A_102 : memref<8192x128xf32, #tpu.memory_space<hbm>>) dst(%dma_wait3A_96 : memref<128x128xf32, #tpu.memory_space<vmem>>)
    %run_scoped3A_105 = arith.constant 1 : i32
    %run_scoped3A_106 = arith.constant 1 : i32
    "tpu.region"() ({
      %run_scoped3A_318 = tpu.sem_alloc : memref<!tpu.dma_semaphore, #tpu.memory_space<semaphore_mem>>
      %dma_start3A_319 = arith.constant 0 : i32
      %dma_start3A_320 = arith.constant 0 : i32
      %dma_start3A_321 = tpu.memref_slice %arg6[%run_scoped3A_105, %dma_start3A_319, %dma_start3A_320] : memref<4x128x128xf32, #tpu.memory_space<vmem>> -> memref<1x128x128xf32, #tpu.memory_space<vmem>>
      %dma_start3A_322 = tpu.memref_squeeze %dma_start3A_321 : memref<1x128x128xf32, #tpu.memory_space<vmem>> -> memref<128x128xf32, #tpu.memory_space<vmem>>
      %dma_start3A_323 = arith.constant 0 : i32
      %dma_start3A_324 = arith.constant 0 : i32
      %dma_start3A_325 = tpu.memref_slice %arg4[%add3A, %run_scoped3A_106, %dma_start3A_323, %dma_start3A_324] : memref<32x10x128x128xf32, #tpu.memory_space<hbm>> -> memref<1x1x128x128xf32, #tpu.memory_space<hbm>>
      %dma_start3A_326 = tpu.memref_squeeze %dma_start3A_325 : memref<1x1x128x128xf32, #tpu.memory_space<hbm>> -> memref<128x128xf32, #tpu.memory_space<hbm>>
      %dma_start3A_327 = arith.constant 0 : i32
      %dma_start3A_328 = arith.constant 0 : i32
      %dma_start3A_329 = tpu.memref_slice %arg4[%add3A, %run_scoped3A_106, %dma_start3A_327, %dma_start3A_328] : memref<32x10x128x128xf32, #tpu.memory_space<hbm>> -> memref<1x1x128x128xf32, #tpu.memory_space<hbm>>
      %dma_start3A_330 = tpu.memref_squeeze %dma_start3A_329 : memref<1x1x128x128xf32, #tpu.memory_space<hbm>> -> memref<128x128xf32, #tpu.memory_space<hbm>>
      %dma_start3A_331 = arith.constant 0 : i32
      %dma_start3A_332 = arith.constant 0 : i32
      %dma_start3A_333 = tpu.memref_slice %arg6[%run_scoped3A_105, %dma_start3A_331, %dma_start3A_332] : memref<4x128x128xf32, #tpu.memory_space<vmem>> -> memref<1x128x128xf32, #tpu.memory_space<vmem>>
      %dma_start3A_334 = tpu.memref_squeeze %dma_start3A_333 : memref<1x128x128xf32, #tpu.memory_space<vmem>> -> memref<128x128xf32, #tpu.memory_space<vmem>>
      tpu.enqueue_dma source(%dma_start3A_334 : memref<128x128xf32, #tpu.memory_space<vmem>>) target(%dma_start3A_330 : memref<128x128xf32, #tpu.memory_space<hbm>>) target_semaphore(%run_scoped3A_318 : memref<!tpu.dma_semaphore, #tpu.memory_space<semaphore_mem>>)
      %dma_wait3A_335 = arith.constant 0 : i32
      %dma_wait3A_336 = arith.constant 0 : i32
      %dma_wait3A_337 = tpu.memref_slice %arg6[%run_scoped3A_105, %dma_wait3A_335, %dma_wait3A_336] : memref<4x128x128xf32, #tpu.memory_space<vmem>> -> memref<1x128x128xf32, #tpu.memory_space<vmem>>
      %dma_wait3A_338 = tpu.memref_squeeze %dma_wait3A_337 : memref<1x128x128xf32, #tpu.memory_space<vmem>> -> memref<128x128xf32, #tpu.memory_space<vmem>>
      %dma_wait3A_339 = arith.constant 0 : i32
      %dma_wait3A_340 = arith.constant 0 : i32
      %dma_wait3A_341 = tpu.memref_slice %arg4[%add3A, %run_scoped3A_106, %dma_wait3A_339, %dma_wait3A_340] : memref<32x10x128x128xf32, #tpu.memory_space<hbm>> -> memref<1x1x128x128xf32, #tpu.memory_space<hbm>>
      %dma_wait3A_342 = tpu.memref_squeeze %dma_wait3A_341 : memref<1x1x128x128xf32, #tpu.memory_space<hbm>> -> memref<128x128xf32, #tpu.memory_space<hbm>>
      %dma_wait3A_343 = arith.constant 0 : i32
      %dma_wait3A_344 = arith.constant 0 : i32
      %dma_wait3A_345 = tpu.memref_slice %arg4[%add3A, %run_scoped3A_106, %dma_wait3A_343, %dma_wait3A_344] : memref<32x10x128x128xf32, #tpu.memory_space<hbm>> -> memref<1x1x128x128xf32, #tpu.memory_space<hbm>>
      %dma_wait3A_346 = tpu.memref_squeeze %dma_wait3A_345 : memref<1x1x128x128xf32, #tpu.memory_space<hbm>> -> memref<128x128xf32, #tpu.memory_space<hbm>>
      %dma_wait3A_347 = arith.constant 0 : i32
      %dma_wait3A_348 = arith.constant 0 : i32
      %dma_wait3A_349 = tpu.memref_slice %arg6[%run_scoped3A_105, %dma_wait3A_347, %dma_wait3A_348] : memref<4x128x128xf32, #tpu.memory_space<vmem>> -> memref<1x128x128xf32, #tpu.memory_space<vmem>>
      %dma_wait3A_350 = tpu.memref_squeeze %dma_wait3A_349 : memref<1x128x128xf32, #tpu.memory_space<vmem>> -> memref<128x128xf32, #tpu.memory_space<vmem>>
      tpu.wait_dma2 semaphore(%run_scoped3A_318 : memref<!tpu.dma_semaphore, #tpu.memory_space<semaphore_mem>>) src(%dma_wait3A_350 : memref<128x128xf32, #tpu.memory_space<vmem>>) dst(%dma_wait3A_346 : memref<128x128xf32, #tpu.memory_space<hbm>>)
      tpu.yield
    }) : () -> ()
    %dma_start3A_107 = arith.constant 5 : i32
    %dma_start3A_108 = arith.constant 1 : i32
    %dma_start3A_109 = arith.constant 1 : i32
    %dma_start3A_110 = arith.constant 0 : i32
    %dma_start3A_111 = arith.constant 0 : i32
    %dma_start3A_112 = tpu.memref_slice %arg6[%dma_start3A_108, %dma_start3A_110, %dma_start3A_111] : memref<4x128x128xf32, #tpu.memory_space<vmem>> -> memref<1x128x128xf32, #tpu.memory_space<vmem>>
    %dma_start3A_113 = tpu.memref_squeeze %dma_start3A_112 : memref<1x128x128xf32, #tpu.memory_space<vmem>> -> memref<128x128xf32, #tpu.memory_space<vmem>>
    %dma_start3A_114 = arith.constant 0 : i32
    %dma_start3A_115 = tpu.memref_slice %arg5[%dma_start3A_107, %dma_start3A_114] : memref<10x128xi32, #tpu.memory_space<vmem>> -> memref<1x128xi32, #tpu.memory_space<vmem>>
    %dma_start3A_116 = tpu.memref_squeeze %dma_start3A_115 : memref<1x128xi32, #tpu.memory_space<vmem>> -> memref<128xi32, #tpu.memory_space<vmem>>
    %dma_start3A_117 = arith.constant 0 : i32
    %dma_start3A_118 = arith.constant 0 : i32
    %dma_start3A_119 = tpu.memref_slice %arg2[%dma_start3A_117, %dma_start3A_118] : memref<8192x128xf32, #tpu.memory_space<hbm>> -> memref<8192x128xf32, #tpu.memory_space<hbm>>
    %dma_start3A_120 = tpu.memref_slice %arg7[%dma_start3A_109] : memref<4x!tpu.dma_semaphore, #tpu.memory_space<semaphore_mem>> -> memref<1x!tpu.dma_semaphore, #tpu.memory_space<semaphore_mem>>
    %dma_start3A_121 = tpu.memref_squeeze %dma_start3A_120 : memref<1x!tpu.dma_semaphore, #tpu.memory_space<semaphore_mem>> -> memref<!tpu.dma_semaphore, #tpu.memory_space<semaphore_mem>>
    tpu.enqueue_indirect_dma source(%dma_start3A_119 : memref<8192x128xf32, #tpu.memory_space<hbm>>) target(%dma_start3A_113 : memref<128x128xf32, #tpu.memory_space<vmem>>) offsets(%dma_start3A_116 : memref<128xi32, #tpu.memory_space<vmem>>) semaphore(%dma_start3A_121 : memref<!tpu.dma_semaphore, #tpu.memory_space<semaphore_mem>>)
    %dma_wait3A_122 = arith.constant 2 : i32
    %dma_wait3A_123 = arith.constant 2 : i32
    %dma_wait3A_124 = arith.constant 2 : i32
    %dma_wait3A_125 = arith.constant 0 : i32
    %dma_wait3A_126 = arith.constant 0 : i32
    %dma_wait3A_127 = tpu.memref_slice %arg6[%dma_wait3A_123, %dma_wait3A_125, %dma_wait3A_126] : memref<4x128x128xf32, #tpu.memory_space<vmem>> -> memref<1x128x128xf32, #tpu.memory_space<vmem>>
    %dma_wait3A_128 = tpu.memref_squeeze %dma_wait3A_127 : memref<1x128x128xf32, #tpu.memory_space<vmem>> -> memref<128x128xf32, #tpu.memory_space<vmem>>
    %dma_wait3A_129 = arith.constant 0 : i32
    %dma_wait3A_130 = tpu.memref_slice %arg5[%dma_wait3A_122, %dma_wait3A_129] : memref<10x128xi32, #tpu.memory_space<vmem>> -> memref<1x128xi32, #tpu.memory_space<vmem>>
    %dma_wait3A_131 = tpu.memref_squeeze %dma_wait3A_130 : memref<1x128xi32, #tpu.memory_space<vmem>> -> memref<128xi32, #tpu.memory_space<vmem>>
    %dma_wait3A_132 = arith.constant 0 : i32
    %dma_wait3A_133 = arith.constant 0 : i32
    %dma_wait3A_134 = tpu.memref_slice %arg2[%dma_wait3A_132, %dma_wait3A_133] : memref<8192x128xf32, #tpu.memory_space<hbm>> -> memref<8192x128xf32, #tpu.memory_space<hbm>>
    %dma_wait3A_135 = tpu.memref_slice %arg7[%dma_wait3A_124] : memref<4x!tpu.dma_semaphore, #tpu.memory_space<semaphore_mem>> -> memref<1x!tpu.dma_semaphore, #tpu.memory_space<semaphore_mem>>
    %dma_wait3A_136 = tpu.memref_squeeze %dma_wait3A_135 : memref<1x!tpu.dma_semaphore, #tpu.memory_space<semaphore_mem>> -> memref<!tpu.dma_semaphore, #tpu.memory_space<semaphore_mem>>
    tpu.wait_indirect_dma semaphore(%dma_wait3A_136 : memref<!tpu.dma_semaphore, #tpu.memory_space<semaphore_mem>>) src(%dma_wait3A_134 : memref<8192x128xf32, #tpu.memory_space<hbm>>) dst(%dma_wait3A_128 : memref<128x128xf32, #tpu.memory_space<vmem>>)
    %run_scoped3A_137 = arith.constant 2 : i32
    %run_scoped3A_138 = arith.constant 2 : i32
    "tpu.region"() ({
      %run_scoped3A_318 = tpu.sem_alloc : memref<!tpu.dma_semaphore, #tpu.memory_space<semaphore_mem>>
      %dma_start3A_319 = arith.constant 0 : i32
      %dma_start3A_320 = arith.constant 0 : i32
      %dma_start3A_321 = tpu.memref_slice %arg6[%run_scoped3A_137, %dma_start3A_319, %dma_start3A_320] : memref<4x128x128xf32, #tpu.memory_space<vmem>> -> memref<1x128x128xf32, #tpu.memory_space<vmem>>
      %dma_start3A_322 = tpu.memref_squeeze %dma_start3A_321 : memref<1x128x128xf32, #tpu.memory_space<vmem>> -> memref<128x128xf32, #tpu.memory_space<vmem>>
      %dma_start3A_323 = arith.constant 0 : i32
      %dma_start3A_324 = arith.constant 0 : i32
      %dma_start3A_325 = tpu.memref_slice %arg4[%add3A, %run_scoped3A_138, %dma_start3A_323, %dma_start3A_324] : memref<32x10x128x128xf32, #tpu.memory_space<hbm>> -> memref<1x1x128x128xf32, #tpu.memory_space<hbm>>
      %dma_start3A_326 = tpu.memref_squeeze %dma_start3A_325 : memref<1x1x128x128xf32, #tpu.memory_space<hbm>> -> memref<128x128xf32, #tpu.memory_space<hbm>>
      %dma_start3A_327 = arith.constant 0 : i32
      %dma_start3A_328 = arith.constant 0 : i32
      %dma_start3A_329 = tpu.memref_slice %arg4[%add3A, %run_scoped3A_138, %dma_start3A_327, %dma_start3A_328] : memref<32x10x128x128xf32, #tpu.memory_space<hbm>> -> memref<1x1x128x128xf32, #tpu.memory_space<hbm>>
      %dma_start3A_330 = tpu.memref_squeeze %dma_start3A_329 : memref<1x1x128x128xf32, #tpu.memory_space<hbm>> -> memref<128x128xf32, #tpu.memory_space<hbm>>
      %dma_start3A_331 = arith.constant 0 : i32
      %dma_start3A_332 = arith.constant 0 : i32
      %dma_start3A_333 = tpu.memref_slice %arg6[%run_scoped3A_137, %dma_start3A_331, %dma_start3A_332] : memref<4x128x128xf32, #tpu.memory_space<vmem>> -> memref<1x128x128xf32, #tpu.memory_space<vmem>>
      %dma_start3A_334 = tpu.memref_squeeze %dma_start3A_333 : memref<1x128x128xf32, #tpu.memory_space<vmem>> -> memref<128x128xf32, #tpu.memory_space<vmem>>
      tpu.enqueue_dma source(%dma_start3A_334 : memref<128x128xf32, #tpu.memory_space<vmem>>) target(%dma_start3A_330 : memref<128x128xf32, #tpu.memory_space<hbm>>) target_semaphore(%run_scoped3A_318 : memref<!tpu.dma_semaphore, #tpu.memory_space<semaphore_mem>>)
      %dma_wait3A_335 = arith.constant 0 : i32
      %dma_wait3A_336 = arith.constant 0 : i32
      %dma_wait3A_337 = tpu.memref_slice %arg6[%run_scoped3A_137, %dma_wait3A_335, %dma_wait3A_336] : memref<4x128x128xf32, #tpu.memory_space<vmem>> -> memref<1x128x128xf32, #tpu.memory_space<vmem>>
      %dma_wait3A_338 = tpu.memref_squeeze %dma_wait3A_337 : memref<1x128x128xf32, #tpu.memory_space<vmem>> -> memref<128x128xf32, #tpu.memory_space<vmem>>
      %dma_wait3A_339 = arith.constant 0 : i32
      %dma_wait3A_340 = arith.constant 0 : i32
      %dma_wait3A_341 = tpu.memref_slice %arg4[%add3A, %run_scoped3A_138, %dma_wait3A_339, %dma_wait3A_340] : memref<32x10x128x128xf32, #tpu.memory_space<hbm>> -> memref<1x1x128x128xf32, #tpu.memory_space<hbm>>
      %dma_wait3A_342 = tpu.memref_squeeze %dma_wait3A_341 : memref<1x1x128x128xf32, #tpu.memory_space<hbm>> -> memref<128x128xf32, #tpu.memory_space<hbm>>
      %dma_wait3A_343 = arith.constant 0 : i32
      %dma_wait3A_344 = arith.constant 0 : i32
      %dma_wait3A_345 = tpu.memref_slice %arg4[%add3A, %run_scoped3A_138, %dma_wait3A_343, %dma_wait3A_344] : memref<32x10x128x128xf32, #tpu.memory_space<hbm>> -> memref<1x1x128x128xf32, #tpu.memory_space<hbm>>
      %dma_wait3A_346 = tpu.memref_squeeze %dma_wait3A_345 : memref<1x1x128x128xf32, #tpu.memory_space<hbm>> -> memref<128x128xf32, #tpu.memory_space<hbm>>
      %dma_wait3A_347 = arith.constant 0 : i32
      %dma_wait3A_348 = arith.constant 0 : i32
      %dma_wait3A_349 = tpu.memref_slice %arg6[%run_scoped3A_137, %dma_wait3A_347, %dma_wait3A_348] : memref<4x128x128xf32, #tpu.memory_space<vmem>> -> memref<1x128x128xf32, #tpu.memory_space<vmem>>
      %dma_wait3A_350 = tpu.memref_squeeze %dma_wait3A_349 : memref<1x128x128xf32, #tpu.memory_space<vmem>> -> memref<128x128xf32, #tpu.memory_space<vmem>>
      tpu.wait_dma2 semaphore(%run_scoped3A_318 : memref<!tpu.dma_semaphore, #tpu.memory_space<semaphore_mem>>) src(%dma_wait3A_350 : memref<128x128xf32, #tpu.memory_space<vmem>>) dst(%dma_wait3A_346 : memref<128x128xf32, #tpu.memory_space<hbm>>)
      tpu.yield
    }) : () -> ()
    %dma_start3A_139 = arith.constant 6 : i32
    %dma_start3A_140 = arith.constant 2 : i32
    %dma_start3A_141 = arith.constant 2 : i32
    %dma_start3A_142 = arith.constant 0 : i32
    %dma_start3A_143 = arith.constant 0 : i32
    %dma_start3A_144 = tpu.memref_slice %arg6[%dma_start3A_140, %dma_start3A_142, %dma_start3A_143] : memref<4x128x128xf32, #tpu.memory_space<vmem>> -> memref<1x128x128xf32, #tpu.memory_space<vmem>>
    %dma_start3A_145 = tpu.memref_squeeze %dma_start3A_144 : memref<1x128x128xf32, #tpu.memory_space<vmem>> -> memref<128x128xf32, #tpu.memory_space<vmem>>
    %dma_start3A_146 = arith.constant 0 : i32
    %dma_start3A_147 = tpu.memref_slice %arg5[%dma_start3A_139, %dma_start3A_146] : memref<10x128xi32, #tpu.memory_space<vmem>> -> memref<1x128xi32, #tpu.memory_space<vmem>>
    %dma_start3A_148 = tpu.memref_squeeze %dma_start3A_147 : memref<1x128xi32, #tpu.memory_space<vmem>> -> memref<128xi32, #tpu.memory_space<vmem>>
    %dma_start3A_149 = arith.constant 0 : i32
    %dma_start3A_150 = arith.constant 0 : i32
    %dma_start3A_151 = tpu.memref_slice %arg2[%dma_start3A_149, %dma_start3A_150] : memref<8192x128xf32, #tpu.memory_space<hbm>> -> memref<8192x128xf32, #tpu.memory_space<hbm>>
    %dma_start3A_152 = tpu.memref_slice %arg7[%dma_start3A_141] : memref<4x!tpu.dma_semaphore, #tpu.memory_space<semaphore_mem>> -> memref<1x!tpu.dma_semaphore, #tpu.memory_space<semaphore_mem>>
    %dma_start3A_153 = tpu.memref_squeeze %dma_start3A_152 : memref<1x!tpu.dma_semaphore, #tpu.memory_space<semaphore_mem>> -> memref<!tpu.dma_semaphore, #tpu.memory_space<semaphore_mem>>
    tpu.enqueue_indirect_dma source(%dma_start3A_151 : memref<8192x128xf32, #tpu.memory_space<hbm>>) target(%dma_start3A_145 : memref<128x128xf32, #tpu.memory_space<vmem>>) offsets(%dma_start3A_148 : memref<128xi32, #tpu.memory_space<vmem>>) semaphore(%dma_start3A_153 : memref<!tpu.dma_semaphore, #tpu.memory_space<semaphore_mem>>)
    %dma_wait3A_154 = arith.constant 3 : i32
    %dma_wait3A_155 = arith.constant 3 : i32
    %dma_wait3A_156 = arith.constant 3 : i32
    %dma_wait3A_157 = arith.constant 0 : i32
    %dma_wait3A_158 = arith.constant 0 : i32
    %dma_wait3A_159 = tpu.memref_slice %arg6[%dma_wait3A_155, %dma_wait3A_157, %dma_wait3A_158] : memref<4x128x128xf32, #tpu.memory_space<vmem>> -> memref<1x128x128xf32, #tpu.memory_space<vmem>>
    %dma_wait3A_160 = tpu.memref_squeeze %dma_wait3A_159 : memref<1x128x128xf32, #tpu.memory_space<vmem>> -> memref<128x128xf32, #tpu.memory_space<vmem>>
    %dma_wait3A_161 = arith.constant 0 : i32
    %dma_wait3A_162 = tpu.memref_slice %arg5[%dma_wait3A_154, %dma_wait3A_161] : memref<10x128xi32, #tpu.memory_space<vmem>> -> memref<1x128xi32, #tpu.memory_space<vmem>>
    %dma_wait3A_163 = tpu.memref_squeeze %dma_wait3A_162 : memref<1x128xi32, #tpu.memory_space<vmem>> -> memref<128xi32, #tpu.memory_space<vmem>>
    %dma_wait3A_164 = arith.constant 0 : i32
    %dma_wait3A_165 = arith.constant 0 : i32
    %dma_wait3A_166 = tpu.memref_slice %arg2[%dma_wait3A_164, %dma_wait3A_165] : memref<8192x128xf32, #tpu.memory_space<hbm>> -> memref<8192x128xf32, #tpu.memory_space<hbm>>
    %dma_wait3A_167 = tpu.memref_slice %arg7[%dma_wait3A_156] : memref<4x!tpu.dma_semaphore, #tpu.memory_space<semaphore_mem>> -> memref<1x!tpu.dma_semaphore, #tpu.memory_space<semaphore_mem>>
    %dma_wait3A_168 = tpu.memref_squeeze %dma_wait3A_167 : memref<1x!tpu.dma_semaphore, #tpu.memory_space<semaphore_mem>> -> memref<!tpu.dma_semaphore, #tpu.memory_space<semaphore_mem>>
    tpu.wait_indirect_dma semaphore(%dma_wait3A_168 : memref<!tpu.dma_semaphore, #tpu.memory_space<semaphore_mem>>) src(%dma_wait3A_166 : memref<8192x128xf32, #tpu.memory_space<hbm>>) dst(%dma_wait3A_160 : memref<128x128xf32, #tpu.memory_space<vmem>>)
    %run_scoped3A_169 = arith.constant 3 : i32
    %run_scoped3A_170 = arith.constant 3 : i32
    "tpu.region"() ({
      %run_scoped3A_318 = tpu.sem_alloc : memref<!tpu.dma_semaphore, #tpu.memory_space<semaphore_mem>>
      %dma_start3A_319 = arith.constant 0 : i32
      %dma_start3A_320 = arith.constant 0 : i32
      %dma_start3A_321 = tpu.memref_slice %arg6[%run_scoped3A_169, %dma_start3A_319, %dma_start3A_320] : memref<4x128x128xf32, #tpu.memory_space<vmem>> -> memref<1x128x128xf32, #tpu.memory_space<vmem>>
      %dma_start3A_322 = tpu.memref_squeeze %dma_start3A_321 : memref<1x128x128xf32, #tpu.memory_space<vmem>> -> memref<128x128xf32, #tpu.memory_space<vmem>>
      %dma_start3A_323 = arith.constant 0 : i32
      %dma_start3A_324 = arith.constant 0 : i32
      %dma_start3A_325 = tpu.memref_slice %arg4[%add3A, %run_scoped3A_170, %dma_start3A_323, %dma_start3A_324] : memref<32x10x128x128xf32, #tpu.memory_space<hbm>> -> memref<1x1x128x128xf32, #tpu.memory_space<hbm>>
      %dma_start3A_326 = tpu.memref_squeeze %dma_start3A_325 : memref<1x1x128x128xf32, #tpu.memory_space<hbm>> -> memref<128x128xf32, #tpu.memory_space<hbm>>
      %dma_start3A_327 = arith.constant 0 : i32
      %dma_start3A_328 = arith.constant 0 : i32
      %dma_start3A_329 = tpu.memref_slice %arg4[%add3A, %run_scoped3A_170, %dma_start3A_327, %dma_start3A_328] : memref<32x10x128x128xf32, #tpu.memory_space<hbm>> -> memref<1x1x128x128xf32, #tpu.memory_space<hbm>>
      %dma_start3A_330 = tpu.memref_squeeze %dma_start3A_329 : memref<1x1x128x128xf32, #tpu.memory_space<hbm>> -> memref<128x128xf32, #tpu.memory_space<hbm>>
      %dma_start3A_331 = arith.constant 0 : i32
      %dma_start3A_332 = arith.constant 0 : i32
      %dma_start3A_333 = tpu.memref_slice %arg6[%run_scoped3A_169, %dma_start3A_331, %dma_start3A_332] : memref<4x128x128xf32, #tpu.memory_space<vmem>> -> memref<1x128x128xf32, #tpu.memory_space<vmem>>
      %dma_start3A_334 = tpu.memref_squeeze %dma_start3A_333 : memref<1x128x128xf32, #tpu.memory_space<vmem>> -> memref<128x128xf32, #tpu.memory_space<vmem>>
      tpu.enqueue_dma source(%dma_start3A_334 : memref<128x128xf32, #tpu.memory_space<vmem>>) target(%dma_start3A_330 : memref<128x128xf32, #tpu.memory_space<hbm>>) target_semaphore(%run_scoped3A_318 : memref<!tpu.dma_semaphore, #tpu.memory_space<semaphore_mem>>)
      %dma_wait3A_335 = arith.constant 0 : i32
      %dma_wait3A_336 = arith.constant 0 : i32
      %dma_wait3A_337 = tpu.memref_slice %arg6[%run_scoped3A_169, %dma_wait3A_335, %dma_wait3A_336] : memref<4x128x128xf32, #tpu.memory_space<vmem>> -> memref<1x128x128xf32, #tpu.memory_space<vmem>>
      %dma_wait3A_338 = tpu.memref_squeeze %dma_wait3A_337 : memref<1x128x128xf32, #tpu.memory_space<vmem>> -> memref<128x128xf32, #tpu.memory_space<vmem>>
      %dma_wait3A_339 = arith.constant 0 : i32
      %dma_wait3A_340 = arith.constant 0 : i32
      %dma_wait3A_341 = tpu.memref_slice %arg4[%add3A, %run_scoped3A_170, %dma_wait3A_339, %dma_wait3A_340] : memref<32x10x128x128xf32, #tpu.memory_space<hbm>> -> memref<1x1x128x128xf32, #tpu.memory_space<hbm>>
      %dma_wait3A_342 = tpu.memref_squeeze %dma_wait3A_341 : memref<1x1x128x128xf32, #tpu.memory_space<hbm>> -> memref<128x128xf32, #tpu.memory_space<hbm>>
      %dma_wait3A_343 = arith.constant 0 : i32
      %dma_wait3A_344 = arith.constant 0 : i32
      %dma_wait3A_345 = tpu.memref_slice %arg4[%add3A, %run_scoped3A_170, %dma_wait3A_343, %dma_wait3A_344] : memref<32x10x128x128xf32, #tpu.memory_space<hbm>> -> memref<1x1x128x128xf32, #tpu.memory_space<hbm>>
      %dma_wait3A_346 = tpu.memref_squeeze %dma_wait3A_345 : memref<1x1x128x128xf32, #tpu.memory_space<hbm>> -> memref<128x128xf32, #tpu.memory_space<hbm>>
      %dma_wait3A_347 = arith.constant 0 : i32
      %dma_wait3A_348 = arith.constant 0 : i32
      %dma_wait3A_349 = tpu.memref_slice %arg6[%run_scoped3A_169, %dma_wait3A_347, %dma_wait3A_348] : memref<4x128x128xf32, #tpu.memory_space<vmem>> -> memref<1x128x128xf32, #tpu.memory_space<vmem>>
      %dma_wait3A_350 = tpu.memref_squeeze %dma_wait3A_349 : memref<1x128x128xf32, #tpu.memory_space<vmem>> -> memref<128x128xf32, #tpu.memory_space<vmem>>
      tpu.wait_dma2 semaphore(%run_scoped3A_318 : memref<!tpu.dma_semaphore, #tpu.memory_space<semaphore_mem>>) src(%dma_wait3A_350 : memref<128x128xf32, #tpu.memory_space<vmem>>) dst(%dma_wait3A_346 : memref<128x128xf32, #tpu.memory_space<hbm>>)
      tpu.yield
    }) : () -> ()
    %dma_start3A_171 = arith.constant 7 : i32
    %dma_start3A_172 = arith.constant 3 : i32
    %dma_start3A_173 = arith.constant 3 : i32
    %dma_start3A_174 = arith.constant 0 : i32
    %dma_start3A_175 = arith.constant 0 : i32
    %dma_start3A_176 = tpu.memref_slice %arg6[%dma_start3A_172, %dma_start3A_174, %dma_start3A_175] : memref<4x128x128xf32, #tpu.memory_space<vmem>> -> memref<1x128x128xf32, #tpu.memory_space<vmem>>
    %dma_start3A_177 = tpu.memref_squeeze %dma_start3A_176 : memref<1x128x128xf32, #tpu.memory_space<vmem>> -> memref<128x128xf32, #tpu.memory_space<vmem>>
    %dma_start3A_178 = arith.constant 0 : i32
    %dma_start3A_179 = tpu.memref_slice %arg5[%dma_start3A_171, %dma_start3A_178] : memref<10x128xi32, #tpu.memory_space<vmem>> -> memref<1x128xi32, #tpu.memory_space<vmem>>
    %dma_start3A_180 = tpu.memref_squeeze %dma_start3A_179 : memref<1x128xi32, #tpu.memory_space<vmem>> -> memref<128xi32, #tpu.memory_space<vmem>>
    %dma_start3A_181 = arith.constant 0 : i32
    %dma_start3A_182 = arith.constant 0 : i32
    %dma_start3A_183 = tpu.memref_slice %arg2[%dma_start3A_181, %dma_start3A_182] : memref<8192x128xf32, #tpu.memory_space<hbm>> -> memref<8192x128xf32, #tpu.memory_space<hbm>>
    %dma_start3A_184 = tpu.memref_slice %arg7[%dma_start3A_173] : memref<4x!tpu.dma_semaphore, #tpu.memory_space<semaphore_mem>> -> memref<1x!tpu.dma_semaphore, #tpu.memory_space<semaphore_mem>>
    %dma_start3A_185 = tpu.memref_squeeze %dma_start3A_184 : memref<1x!tpu.dma_semaphore, #tpu.memory_space<semaphore_mem>> -> memref<!tpu.dma_semaphore, #tpu.memory_space<semaphore_mem>>
    tpu.enqueue_indirect_dma source(%dma_start3A_183 : memref<8192x128xf32, #tpu.memory_space<hbm>>) target(%dma_start3A_177 : memref<128x128xf32, #tpu.memory_space<vmem>>) offsets(%dma_start3A_180 : memref<128xi32, #tpu.memory_space<vmem>>) semaphore(%dma_start3A_185 : memref<!tpu.dma_semaphore, #tpu.memory_space<semaphore_mem>>)
    %dma_wait3A_186 = arith.constant 4 : i32
    %dma_wait3A_187 = arith.constant 0 : i32
    %dma_wait3A_188 = arith.constant 0 : i32
    %dma_wait3A_189 = arith.constant 0 : i32
    %dma_wait3A_190 = arith.constant 0 : i32
    %dma_wait3A_191 = tpu.memref_slice %arg6[%dma_wait3A_187, %dma_wait3A_189, %dma_wait3A_190] : memref<4x128x128xf32, #tpu.memory_space<vmem>> -> memref<1x128x128xf32, #tpu.memory_space<vmem>>
    %dma_wait3A_192 = tpu.memref_squeeze %dma_wait3A_191 : memref<1x128x128xf32, #tpu.memory_space<vmem>> -> memref<128x128xf32, #tpu.memory_space<vmem>>
    %dma_wait3A_193 = arith.constant 0 : i32
    %dma_wait3A_194 = tpu.memref_slice %arg5[%dma_wait3A_186, %dma_wait3A_193] : memref<10x128xi32, #tpu.memory_space<vmem>> -> memref<1x128xi32, #tpu.memory_space<vmem>>
    %dma_wait3A_195 = tpu.memref_squeeze %dma_wait3A_194 : memref<1x128xi32, #tpu.memory_space<vmem>> -> memref<128xi32, #tpu.memory_space<vmem>>
    %dma_wait3A_196 = arith.constant 0 : i32
    %dma_wait3A_197 = arith.constant 0 : i32
    %dma_wait3A_198 = tpu.memref_slice %arg2[%dma_wait3A_196, %dma_wait3A_197] : memref<8192x128xf32, #tpu.memory_space<hbm>> -> memref<8192x128xf32, #tpu.memory_space<hbm>>
    %dma_wait3A_199 = tpu.memref_slice %arg7[%dma_wait3A_188] : memref<4x!tpu.dma_semaphore, #tpu.memory_space<semaphore_mem>> -> memref<1x!tpu.dma_semaphore, #tpu.memory_space<semaphore_mem>>
    %dma_wait3A_200 = tpu.memref_squeeze %dma_wait3A_199 : memref<1x!tpu.dma_semaphore, #tpu.memory_space<semaphore_mem>> -> memref<!tpu.dma_semaphore, #tpu.memory_space<semaphore_mem>>
    tpu.wait_indirect_dma semaphore(%dma_wait3A_200 : memref<!tpu.dma_semaphore, #tpu.memory_space<semaphore_mem>>) src(%dma_wait3A_198 : memref<8192x128xf32, #tpu.memory_space<hbm>>) dst(%dma_wait3A_192 : memref<128x128xf32, #tpu.memory_space<vmem>>)
    %run_scoped3A_201 = arith.constant 0 : i32
    %run_scoped3A_202 = arith.constant 4 : i32
    "tpu.region"() ({
      %run_scoped3A_318 = tpu.sem_alloc : memref<!tpu.dma_semaphore, #tpu.memory_space<semaphore_mem>>
      %dma_start3A_319 = arith.constant 0 : i32
      %dma_start3A_320 = arith.constant 0 : i32
      %dma_start3A_321 = tpu.memref_slice %arg6[%run_scoped3A_201, %dma_start3A_319, %dma_start3A_320] : memref<4x128x128xf32, #tpu.memory_space<vmem>> -> memref<1x128x128xf32, #tpu.memory_space<vmem>>
      %dma_start3A_322 = tpu.memref_squeeze %dma_start3A_321 : memref<1x128x128xf32, #tpu.memory_space<vmem>> -> memref<128x128xf32, #tpu.memory_space<vmem>>
      %dma_start3A_323 = arith.constant 0 : i32
      %dma_start3A_324 = arith.constant 0 : i32
      %dma_start3A_325 = tpu.memref_slice %arg4[%add3A, %run_scoped3A_202, %dma_start3A_323, %dma_start3A_324] : memref<32x10x128x128xf32, #tpu.memory_space<hbm>> -> memref<1x1x128x128xf32, #tpu.memory_space<hbm>>
      %dma_start3A_326 = tpu.memref_squeeze %dma_start3A_325 : memref<1x1x128x128xf32, #tpu.memory_space<hbm>> -> memref<128x128xf32, #tpu.memory_space<hbm>>
      %dma_start3A_327 = arith.constant 0 : i32
      %dma_start3A_328 = arith.constant 0 : i32
      %dma_start3A_329 = tpu.memref_slice %arg4[%add3A, %run_scoped3A_202, %dma_start3A_327, %dma_start3A_328] : memref<32x10x128x128xf32, #tpu.memory_space<hbm>> -> memref<1x1x128x128xf32, #tpu.memory_space<hbm>>
      %dma_start3A_330 = tpu.memref_squeeze %dma_start3A_329 : memref<1x1x128x128xf32, #tpu.memory_space<hbm>> -> memref<128x128xf32, #tpu.memory_space<hbm>>
      %dma_start3A_331 = arith.constant 0 : i32
      %dma_start3A_332 = arith.constant 0 : i32
      %dma_start3A_333 = tpu.memref_slice %arg6[%run_scoped3A_201, %dma_start3A_331, %dma_start3A_332] : memref<4x128x128xf32, #tpu.memory_space<vmem>> -> memref<1x128x128xf32, #tpu.memory_space<vmem>>
      %dma_start3A_334 = tpu.memref_squeeze %dma_start3A_333 : memref<1x128x128xf32, #tpu.memory_space<vmem>> -> memref<128x128xf32, #tpu.memory_space<vmem>>
      tpu.enqueue_dma source(%dma_start3A_334 : memref<128x128xf32, #tpu.memory_space<vmem>>) target(%dma_start3A_330 : memref<128x128xf32, #tpu.memory_space<hbm>>) target_semaphore(%run_scoped3A_318 : memref<!tpu.dma_semaphore, #tpu.memory_space<semaphore_mem>>)
      %dma_wait3A_335 = arith.constant 0 : i32
      %dma_wait3A_336 = arith.constant 0 : i32
      %dma_wait3A_337 = tpu.memref_slice %arg6[%run_scoped3A_201, %dma_wait3A_335, %dma_wait3A_336] : memref<4x128x128xf32, #tpu.memory_space<vmem>> -> memref<1x128x128xf32, #tpu.memory_space<vmem>>
      %dma_wait3A_338 = tpu.memref_squeeze %dma_wait3A_337 : memref<1x128x128xf32, #tpu.memory_space<vmem>> -> memref<128x128xf32, #tpu.memory_space<vmem>>
      %dma_wait3A_339 = arith.constant 0 : i32
      %dma_wait3A_340 = arith.constant 0 : i32
      %dma_wait3A_341 = tpu.memref_slice %arg4[%add3A, %run_scoped3A_202, %dma_wait3A_339, %dma_wait3A_340] : memref<32x10x128x128xf32, #tpu.memory_space<hbm>> -> memref<1x1x128x128xf32, #tpu.memory_space<hbm>>
      %dma_wait3A_342 = tpu.memref_squeeze %dma_wait3A_341 : memref<1x1x128x128xf32, #tpu.memory_space<hbm>> -> memref<128x128xf32, #tpu.memory_space<hbm>>
      %dma_wait3A_343 = arith.constant 0 : i32
      %dma_wait3A_344 = arith.constant 0 : i32
      %dma_wait3A_345 = tpu.memref_slice %arg4[%add3A, %run_scoped3A_202, %dma_wait3A_343, %dma_wait3A_344] : memref<32x10x128x128xf32, #tpu.memory_space<hbm>> -> memref<1x1x128x128xf32, #tpu.memory_space<hbm>>
      %dma_wait3A_346 = tpu.memref_squeeze %dma_wait3A_345 : memref<1x1x128x128xf32, #tpu.memory_space<hbm>> -> memref<128x128xf32, #tpu.memory_space<hbm>>
      %dma_wait3A_347 = arith.constant 0 : i32
      %dma_wait3A_348 = arith.constant 0 : i32
      %dma_wait3A_349 = tpu.memref_slice %arg6[%run_scoped3A_201, %dma_wait3A_347, %dma_wait3A_348] : memref<4x128x128xf32, #tpu.memory_space<vmem>> -> memref<1x128x128xf32, #tpu.memory_space<vmem>>
      %dma_wait3A_350 = tpu.memref_squeeze %dma_wait3A_349 : memref<1x128x128xf32, #tpu.memory_space<vmem>> -> memref<128x128xf32, #tpu.memory_space<vmem>>
      tpu.wait_dma2 semaphore(%run_scoped3A_318 : memref<!tpu.dma_semaphore, #tpu.memory_space<semaphore_mem>>) src(%dma_wait3A_350 : memref<128x128xf32, #tpu.memory_space<vmem>>) dst(%dma_wait3A_346 : memref<128x128xf32, #tpu.memory_space<hbm>>)
      tpu.yield
    }) : () -> ()
    %dma_start3A_203 = arith.constant 8 : i32
    %dma_start3A_204 = arith.constant 0 : i32
    %dma_start3A_205 = arith.constant 0 : i32
    %dma_start3A_206 = arith.constant 0 : i32
    %dma_start3A_207 = arith.constant 0 : i32
    %dma_start3A_208 = tpu.memref_slice %arg6[%dma_start3A_204, %dma_start3A_206, %dma_start3A_207] : memref<4x128x128xf32, #tpu.memory_space<vmem>> -> memref<1x128x128xf32, #tpu.memory_space<vmem>>
    %dma_start3A_209 = tpu.memref_squeeze %dma_start3A_208 : memref<1x128x128xf32, #tpu.memory_space<vmem>> -> memref<128x128xf32, #tpu.memory_space<vmem>>
    %dma_start3A_210 = arith.constant 0 : i32
    %dma_start3A_211 = tpu.memref_slice %arg5[%dma_start3A_203, %dma_start3A_210] : memref<10x128xi32, #tpu.memory_space<vmem>> -> memref<1x128xi32, #tpu.memory_space<vmem>>
    %dma_start3A_212 = tpu.memref_squeeze %dma_start3A_211 : memref<1x128xi32, #tpu.memory_space<vmem>> -> memref<128xi32, #tpu.memory_space<vmem>>
    %dma_start3A_213 = arith.constant 0 : i32
    %dma_start3A_214 = arith.constant 0 : i32
    %dma_start3A_215 = tpu.memref_slice %arg2[%dma_start3A_213, %dma_start3A_214] : memref<8192x128xf32, #tpu.memory_space<hbm>> -> memref<8192x128xf32, #tpu.memory_space<hbm>>
    %dma_start3A_216 = tpu.memref_slice %arg7[%dma_start3A_205] : memref<4x!tpu.dma_semaphore, #tpu.memory_space<semaphore_mem>> -> memref<1x!tpu.dma_semaphore, #tpu.memory_space<semaphore_mem>>
    %dma_start3A_217 = tpu.memref_squeeze %dma_start3A_216 : memref<1x!tpu.dma_semaphore, #tpu.memory_space<semaphore_mem>> -> memref<!tpu.dma_semaphore, #tpu.memory_space<semaphore_mem>>
    tpu.enqueue_indirect_dma source(%dma_start3A_215 : memref<8192x128xf32, #tpu.memory_space<hbm>>) target(%dma_start3A_209 : memref<128x128xf32, #tpu.memory_space<vmem>>) offsets(%dma_start3A_212 : memref<128xi32, #tpu.memory_space<vmem>>) semaphore(%dma_start3A_217 : memref<!tpu.dma_semaphore, #tpu.memory_space<semaphore_mem>>)
    %dma_wait3A_218 = arith.constant 5 : i32
    %dma_wait3A_219 = arith.constant 1 : i32
    %dma_wait3A_220 = arith.constant 1 : i32
    %dma_wait3A_221 = arith.constant 0 : i32
    %dma_wait3A_222 = arith.constant 0 : i32
    %dma_wait3A_223 = tpu.memref_slice %arg6[%dma_wait3A_219, %dma_wait3A_221, %dma_wait3A_222] : memref<4x128x128xf32, #tpu.memory_space<vmem>> -> memref<1x128x128xf32, #tpu.memory_space<vmem>>
    %dma_wait3A_224 = tpu.memref_squeeze %dma_wait3A_223 : memref<1x128x128xf32, #tpu.memory_space<vmem>> -> memref<128x128xf32, #tpu.memory_space<vmem>>
    %dma_wait3A_225 = arith.constant 0 : i32
    %dma_wait3A_226 = tpu.memref_slice %arg5[%dma_wait3A_218, %dma_wait3A_225] : memref<10x128xi32, #tpu.memory_space<vmem>> -> memref<1x128xi32, #tpu.memory_space<vmem>>
    %dma_wait3A_227 = tpu.memref_squeeze %dma_wait3A_226 : memref<1x128xi32, #tpu.memory_space<vmem>> -> memref<128xi32, #tpu.memory_space<vmem>>
    %dma_wait3A_228 = arith.constant 0 : i32
    %dma_wait3A_229 = arith.constant 0 : i32
    %dma_wait3A_230 = tpu.memref_slice %arg2[%dma_wait3A_228, %dma_wait3A_229] : memref<8192x128xf32, #tpu.memory_space<hbm>> -> memref<8192x128xf32, #tpu.memory_space<hbm>>
    %dma_wait3A_231 = tpu.memref_slice %arg7[%dma_wait3A_220] : memref<4x!tpu.dma_semaphore, #tpu.memory_space<semaphore_mem>> -> memref<1x!tpu.dma_semaphore, #tpu.memory_space<semaphore_mem>>
    %dma_wait3A_232 = tpu.memref_squeeze %dma_wait3A_231 : memref<1x!tpu.dma_semaphore, #tpu.memory_space<semaphore_mem>> -> memref<!tpu.dma_semaphore, #tpu.memory_space<semaphore_mem>>
    tpu.wait_indirect_dma semaphore(%dma_wait3A_232 : memref<!tpu.dma_semaphore, #tpu.memory_space<semaphore_mem>>) src(%dma_wait3A_230 : memref<8192x128xf32, #tpu.memory_space<hbm>>) dst(%dma_wait3A_224 : memref<128x128xf32, #tpu.memory_space<vmem>>)
    %run_scoped3A_233 = arith.constant 1 : i32
    %run_scoped3A_234 = arith.constant 5 : i32
    "tpu.region"() ({
      %run_scoped3A_318 = tpu.sem_alloc : memref<!tpu.dma_semaphore, #tpu.memory_space<semaphore_mem>>
      %dma_start3A_319 = arith.constant 0 : i32
      %dma_start3A_320 = arith.constant 0 : i32
      %dma_start3A_321 = tpu.memref_slice %arg6[%run_scoped3A_233, %dma_start3A_319, %dma_start3A_320] : memref<4x128x128xf32, #tpu.memory_space<vmem>> -> memref<1x128x128xf32, #tpu.memory_space<vmem>>
      %dma_start3A_322 = tpu.memref_squeeze %dma_start3A_321 : memref<1x128x128xf32, #tpu.memory_space<vmem>> -> memref<128x128xf32, #tpu.memory_space<vmem>>
      %dma_start3A_323 = arith.constant 0 : i32
      %dma_start3A_324 = arith.constant 0 : i32
      %dma_start3A_325 = tpu.memref_slice %arg4[%add3A, %run_scoped3A_234, %dma_start3A_323, %dma_start3A_324] : memref<32x10x128x128xf32, #tpu.memory_space<hbm>> -> memref<1x1x128x128xf32, #tpu.memory_space<hbm>>
      %dma_start3A_326 = tpu.memref_squeeze %dma_start3A_325 : memref<1x1x128x128xf32, #tpu.memory_space<hbm>> -> memref<128x128xf32, #tpu.memory_space<hbm>>
      %dma_start3A_327 = arith.constant 0 : i32
      %dma_start3A_328 = arith.constant 0 : i32
      %dma_start3A_329 = tpu.memref_slice %arg4[%add3A, %run_scoped3A_234, %dma_start3A_327, %dma_start3A_328] : memref<32x10x128x128xf32, #tpu.memory_space<hbm>> -> memref<1x1x128x128xf32, #tpu.memory_space<hbm>>
      %dma_start3A_330 = tpu.memref_squeeze %dma_start3A_329 : memref<1x1x128x128xf32, #tpu.memory_space<hbm>> -> memref<128x128xf32, #tpu.memory_space<hbm>>
      %dma_start3A_331 = arith.constant 0 : i32
      %dma_start3A_332 = arith.constant 0 : i32
      %dma_start3A_333 = tpu.memref_slice %arg6[%run_scoped3A_233, %dma_start3A_331, %dma_start3A_332] : memref<4x128x128xf32, #tpu.memory_space<vmem>> -> memref<1x128x128xf32, #tpu.memory_space<vmem>>
      %dma_start3A_334 = tpu.memref_squeeze %dma_start3A_333 : memref<1x128x128xf32, #tpu.memory_space<vmem>> -> memref<128x128xf32, #tpu.memory_space<vmem>>
      tpu.enqueue_dma source(%dma_start3A_334 : memref<128x128xf32, #tpu.memory_space<vmem>>) target(%dma_start3A_330 : memref<128x128xf32, #tpu.memory_space<hbm>>) target_semaphore(%run_scoped3A_318 : memref<!tpu.dma_semaphore, #tpu.memory_space<semaphore_mem>>)
      %dma_wait3A_335 = arith.constant 0 : i32
      %dma_wait3A_336 = arith.constant 0 : i32
      %dma_wait3A_337 = tpu.memref_slice %arg6[%run_scoped3A_233, %dma_wait3A_335, %dma_wait3A_336] : memref<4x128x128xf32, #tpu.memory_space<vmem>> -> memref<1x128x128xf32, #tpu.memory_space<vmem>>
      %dma_wait3A_338 = tpu.memref_squeeze %dma_wait3A_337 : memref<1x128x128xf32, #tpu.memory_space<vmem>> -> memref<128x128xf32, #tpu.memory_space<vmem>>
      %dma_wait3A_339 = arith.constant 0 : i32
      %dma_wait3A_340 = arith.constant 0 : i32
      %dma_wait3A_341 = tpu.memref_slice %arg4[%add3A, %run_scoped3A_234, %dma_wait3A_339, %dma_wait3A_340] : memref<32x10x128x128xf32, #tpu.memory_space<hbm>> -> memref<1x1x128x128xf32, #tpu.memory_space<hbm>>
      %dma_wait3A_342 = tpu.memref_squeeze %dma_wait3A_341 : memref<1x1x128x128xf32, #tpu.memory_space<hbm>> -> memref<128x128xf32, #tpu.memory_space<hbm>>
      %dma_wait3A_343 = arith.constant 0 : i32
      %dma_wait3A_344 = arith.constant 0 : i32
      %dma_wait3A_345 = tpu.memref_slice %arg4[%add3A, %run_scoped3A_234, %dma_wait3A_343, %dma_wait3A_344] : memref<32x10x128x128xf32, #tpu.memory_space<hbm>> -> memref<1x1x128x128xf32, #tpu.memory_space<hbm>>
      %dma_wait3A_346 = tpu.memref_squeeze %dma_wait3A_345 : memref<1x1x128x128xf32, #tpu.memory_space<hbm>> -> memref<128x128xf32, #tpu.memory_space<hbm>>
      %dma_wait3A_347 = arith.constant 0 : i32
      %dma_wait3A_348 = arith.constant 0 : i32
      %dma_wait3A_349 = tpu.memref_slice %arg6[%run_scoped3A_233, %dma_wait3A_347, %dma_wait3A_348] : memref<4x128x128xf32, #tpu.memory_space<vmem>> -> memref<1x128x128xf32, #tpu.memory_space<vmem>>
      %dma_wait3A_350 = tpu.memref_squeeze %dma_wait3A_349 : memref<1x128x128xf32, #tpu.memory_space<vmem>> -> memref<128x128xf32, #tpu.memory_space<vmem>>
      tpu.wait_dma2 semaphore(%run_scoped3A_318 : memref<!tpu.dma_semaphore, #tpu.memory_space<semaphore_mem>>) src(%dma_wait3A_350 : memref<128x128xf32, #tpu.memory_space<vmem>>) dst(%dma_wait3A_346 : memref<128x128xf32, #tpu.memory_space<hbm>>)
      tpu.yield
    }) : () -> ()
    %dma_start3A_235 = arith.constant 9 : i32
    %dma_start3A_236 = arith.constant 1 : i32
    %dma_start3A_237 = arith.constant 1 : i32
    %dma_start3A_238 = arith.constant 0 : i32
    %dma_start3A_239 = arith.constant 0 : i32
    %dma_start3A_240 = tpu.memref_slice %arg6[%dma_start3A_236, %dma_start3A_238, %dma_start3A_239] : memref<4x128x128xf32, #tpu.memory_space<vmem>> -> memref<1x128x128xf32, #tpu.memory_space<vmem>>
    %dma_start3A_241 = tpu.memref_squeeze %dma_start3A_240 : memref<1x128x128xf32, #tpu.memory_space<vmem>> -> memref<128x128xf32, #tpu.memory_space<vmem>>
    %dma_start3A_242 = arith.constant 0 : i32
    %dma_start3A_243 = tpu.memref_slice %arg5[%dma_start3A_235, %dma_start3A_242] : memref<10x128xi32, #tpu.memory_space<vmem>> -> memref<1x128xi32, #tpu.memory_space<vmem>>
    %dma_start3A_244 = tpu.memref_squeeze %dma_start3A_243 : memref<1x128xi32, #tpu.memory_space<vmem>> -> memref<128xi32, #tpu.memory_space<vmem>>
    %dma_start3A_245 = arith.constant 0 : i32
    %dma_start3A_246 = arith.constant 0 : i32
    %dma_start3A_247 = tpu.memref_slice %arg2[%dma_start3A_245, %dma_start3A_246] : memref<8192x128xf32, #tpu.memory_space<hbm>> -> memref<8192x128xf32, #tpu.memory_space<hbm>>
    %dma_start3A_248 = tpu.memref_slice %arg7[%dma_start3A_237] : memref<4x!tpu.dma_semaphore, #tpu.memory_space<semaphore_mem>> -> memref<1x!tpu.dma_semaphore, #tpu.memory_space<semaphore_mem>>
    %dma_start3A_249 = tpu.memref_squeeze %dma_start3A_248 : memref<1x!tpu.dma_semaphore, #tpu.memory_space<semaphore_mem>> -> memref<!tpu.dma_semaphore, #tpu.memory_space<semaphore_mem>>
    tpu.enqueue_indirect_dma source(%dma_start3A_247 : memref<8192x128xf32, #tpu.memory_space<hbm>>) target(%dma_start3A_241 : memref<128x128xf32, #tpu.memory_space<vmem>>) offsets(%dma_start3A_244 : memref<128xi32, #tpu.memory_space<vmem>>) semaphore(%dma_start3A_249 : memref<!tpu.dma_semaphore, #tpu.memory_space<semaphore_mem>>)
    %dma_wait3A_250 = arith.constant 6 : i32
    %dma_wait3A_251 = arith.constant 2 : i32
    %dma_wait3A_252 = arith.constant 2 : i32
    %dma_wait3A_253 = arith.constant 0 : i32
    %dma_wait3A_254 = arith.constant 0 : i32
    %dma_wait3A_255 = tpu.memref_slice %arg6[%dma_wait3A_251, %dma_wait3A_253, %dma_wait3A_254] : memref<4x128x128xf32, #tpu.memory_space<vmem>> -> memref<1x128x128xf32, #tpu.memory_space<vmem>>
    %dma_wait3A_256 = tpu.memref_squeeze %dma_wait3A_255 : memref<1x128x128xf32, #tpu.memory_space<vmem>> -> memref<128x128xf32, #tpu.memory_space<vmem>>
    %dma_wait3A_257 = arith.constant 0 : i32
    %dma_wait3A_258 = tpu.memref_slice %arg5[%dma_wait3A_250, %dma_wait3A_257] : memref<10x128xi32, #tpu.memory_space<vmem>> -> memref<1x128xi32, #tpu.memory_space<vmem>>
    %dma_wait3A_259 = tpu.memref_squeeze %dma_wait3A_258 : memref<1x128xi32, #tpu.memory_space<vmem>> -> memref<128xi32, #tpu.memory_space<vmem>>
    %dma_wait3A_260 = arith.constant 0 : i32
    %dma_wait3A_261 = arith.constant 0 : i32
    %dma_wait3A_262 = tpu.memref_slice %arg2[%dma_wait3A_260, %dma_wait3A_261] : memref<8192x128xf32, #tpu.memory_space<hbm>> -> memref<8192x128xf32, #tpu.memory_space<hbm>>
    %dma_wait3A_263 = tpu.memref_slice %arg7[%dma_wait3A_252] : memref<4x!tpu.dma_semaphore, #tpu.memory_space<semaphore_mem>> -> memref<1x!tpu.dma_semaphore, #tpu.memory_space<semaphore_mem>>
    %dma_wait3A_264 = tpu.memref_squeeze %dma_wait3A_263 : memref<1x!tpu.dma_semaphore, #tpu.memory_space<semaphore_mem>> -> memref<!tpu.dma_semaphore, #tpu.memory_space<semaphore_mem>>
    tpu.wait_indirect_dma semaphore(%dma_wait3A_264 : memref<!tpu.dma_semaphore, #tpu.memory_space<semaphore_mem>>) src(%dma_wait3A_262 : memref<8192x128xf32, #tpu.memory_space<hbm>>) dst(%dma_wait3A_256 : memref<128x128xf32, #tpu.memory_space<vmem>>)
    %run_scoped3A_265 = arith.constant 2 : i32
    %run_scoped3A_266 = arith.constant 6 : i32
    "tpu.region"() ({
      %run_scoped3A_318 = tpu.sem_alloc : memref<!tpu.dma_semaphore, #tpu.memory_space<semaphore_mem>>
      %dma_start3A_319 = arith.constant 0 : i32
      %dma_start3A_320 = arith.constant 0 : i32
      %dma_start3A_321 = tpu.memref_slice %arg6[%run_scoped3A_265, %dma_start3A_319, %dma_start3A_320] : memref<4x128x128xf32, #tpu.memory_space<vmem>> -> memref<1x128x128xf32, #tpu.memory_space<vmem>>
      %dma_start3A_322 = tpu.memref_squeeze %dma_start3A_321 : memref<1x128x128xf32, #tpu.memory_space<vmem>> -> memref<128x128xf32, #tpu.memory_space<vmem>>
      %dma_start3A_323 = arith.constant 0 : i32
      %dma_start3A_324 = arith.constant 0 : i32
      %dma_start3A_325 = tpu.memref_slice %arg4[%add3A, %run_scoped3A_266, %dma_start3A_323, %dma_start3A_324] : memref<32x10x128x128xf32, #tpu.memory_space<hbm>> -> memref<1x1x128x128xf32, #tpu.memory_space<hbm>>
      %dma_start3A_326 = tpu.memref_squeeze %dma_start3A_325 : memref<1x1x128x128xf32, #tpu.memory_space<hbm>> -> memref<128x128xf32, #tpu.memory_space<hbm>>
      %dma_start3A_327 = arith.constant 0 : i32
      %dma_start3A_328 = arith.constant 0 : i32
      %dma_start3A_329 = tpu.memref_slice %arg4[%add3A, %run_scoped3A_266, %dma_start3A_327, %dma_start3A_328] : memref<32x10x128x128xf32, #tpu.memory_space<hbm>> -> memref<1x1x128x128xf32, #tpu.memory_space<hbm>>
      %dma_start3A_330 = tpu.memref_squeeze %dma_start3A_329 : memref<1x1x128x128xf32, #tpu.memory_space<hbm>> -> memref<128x128xf32, #tpu.memory_space<hbm>>
      %dma_start3A_331 = arith.constant 0 : i32
      %dma_start3A_332 = arith.constant 0 : i32
      %dma_start3A_333 = tpu.memref_slice %arg6[%run_scoped3A_265, %dma_start3A_331, %dma_start3A_332] : memref<4x128x128xf32, #tpu.memory_space<vmem>> -> memref<1x128x128xf32, #tpu.memory_space<vmem>>
      %dma_start3A_334 = tpu.memref_squeeze %dma_start3A_333 : memref<1x128x128xf32, #tpu.memory_space<vmem>> -> memref<128x128xf32, #tpu.memory_space<vmem>>
      tpu.enqueue_dma source(%dma_start3A_334 : memref<128x128xf32, #tpu.memory_space<vmem>>) target(%dma_start3A_330 : memref<128x128xf32, #tpu.memory_space<hbm>>) target_semaphore(%run_scoped3A_318 : memref<!tpu.dma_semaphore, #tpu.memory_space<semaphore_mem>>)
      %dma_wait3A_335 = arith.constant 0 : i32
      %dma_wait3A_336 = arith.constant 0 : i32
      %dma_wait3A_337 = tpu.memref_slice %arg6[%run_scoped3A_265, %dma_wait3A_335, %dma_wait3A_336] : memref<4x128x128xf32, #tpu.memory_space<vmem>> -> memref<1x128x128xf32, #tpu.memory_space<vmem>>
      %dma_wait3A_338 = tpu.memref_squeeze %dma_wait3A_337 : memref<1x128x128xf32, #tpu.memory_space<vmem>> -> memref<128x128xf32, #tpu.memory_space<vmem>>
      %dma_wait3A_339 = arith.constant 0 : i32
      %dma_wait3A_340 = arith.constant 0 : i32
      %dma_wait3A_341 = tpu.memref_slice %arg4[%add3A, %run_scoped3A_266, %dma_wait3A_339, %dma_wait3A_340] : memref<32x10x128x128xf32, #tpu.memory_space<hbm>> -> memref<1x1x128x128xf32, #tpu.memory_space<hbm>>
      %dma_wait3A_342 = tpu.memref_squeeze %dma_wait3A_341 : memref<1x1x128x128xf32, #tpu.memory_space<hbm>> -> memref<128x128xf32, #tpu.memory_space<hbm>>
      %dma_wait3A_343 = arith.constant 0 : i32
      %dma_wait3A_344 = arith.constant 0 : i32
      %dma_wait3A_345 = tpu.memref_slice %arg4[%add3A, %run_scoped3A_266, %dma_wait3A_343, %dma_wait3A_344] : memref<32x10x128x128xf32, #tpu.memory_space<hbm>> -> memref<1x1x128x128xf32, #tpu.memory_space<hbm>>
      %dma_wait3A_346 = tpu.memref_squeeze %dma_wait3A_345 : memref<1x1x128x128xf32, #tpu.memory_space<hbm>> -> memref<128x128xf32, #tpu.memory_space<hbm>>
      %dma_wait3A_347 = arith.constant 0 : i32
      %dma_wait3A_348 = arith.constant 0 : i32
      %dma_wait3A_349 = tpu.memref_slice %arg6[%run_scoped3A_265, %dma_wait3A_347, %dma_wait3A_348] : memref<4x128x128xf32, #tpu.memory_space<vmem>> -> memref<1x128x128xf32, #tpu.memory_space<vmem>>
      %dma_wait3A_350 = tpu.memref_squeeze %dma_wait3A_349 : memref<1x128x128xf32, #tpu.memory_space<vmem>> -> memref<128x128xf32, #tpu.memory_space<vmem>>
      tpu.wait_dma2 semaphore(%run_scoped3A_318 : memref<!tpu.dma_semaphore, #tpu.memory_space<semaphore_mem>>) src(%dma_wait3A_350 : memref<128x128xf32, #tpu.memory_space<vmem>>) dst(%dma_wait3A_346 : memref<128x128xf32, #tpu.memory_space<hbm>>)
      tpu.yield
    }) : () -> ()
    %dma_wait3A_267 = arith.constant 7 : i32
    %dma_wait3A_268 = arith.constant 3 : i32
    %dma_wait3A_269 = arith.constant 3 : i32
    %dma_wait3A_270 = arith.constant 0 : i32
    %dma_wait3A_271 = arith.constant 0 : i32
    %dma_wait3A_272 = tpu.memref_slice %arg6[%dma_wait3A_268, %dma_wait3A_270, %dma_wait3A_271] : memref<4x128x128xf32, #tpu.memory_space<vmem>> -> memref<1x128x128xf32, #tpu.memory_space<vmem>>
    %dma_wait3A_273 = tpu.memref_squeeze %dma_wait3A_272 : memref<1x128x128xf32, #tpu.memory_space<vmem>> -> memref<128x128xf32, #tpu.memory_space<vmem>>
    %dma_wait3A_274 = arith.constant 0 : i32
    %dma_wait3A_275 = tpu.memref_slice %arg5[%dma_wait3A_267, %dma_wait3A_274] : memref<10x128xi32, #tpu.memory_space<vmem>> -> memref<1x128xi32, #tpu.memory_space<vmem>>
    %dma_wait3A_276 = tpu.memref_squeeze %dma_wait3A_275 : memref<1x128xi32, #tpu.memory_space<vmem>> -> memref<128xi32, #tpu.memory_space<vmem>>
    %dma_wait3A_277 = arith.constant 0 : i32
    %dma_wait3A_278 = arith.constant 0 : i32
    %dma_wait3A_279 = tpu.memref_slice %arg2[%dma_wait3A_277, %dma_wait3A_278] : memref<8192x128xf32, #tpu.memory_space<hbm>> -> memref<8192x128xf32, #tpu.memory_space<hbm>>
    %dma_wait3A_280 = tpu.memref_slice %arg7[%dma_wait3A_269] : memref<4x!tpu.dma_semaphore, #tpu.memory_space<semaphore_mem>> -> memref<1x!tpu.dma_semaphore, #tpu.memory_space<semaphore_mem>>
    %dma_wait3A_281 = tpu.memref_squeeze %dma_wait3A_280 : memref<1x!tpu.dma_semaphore, #tpu.memory_space<semaphore_mem>> -> memref<!tpu.dma_semaphore, #tpu.memory_space<semaphore_mem>>
    tpu.wait_indirect_dma semaphore(%dma_wait3A_281 : memref<!tpu.dma_semaphore, #tpu.memory_space<semaphore_mem>>) src(%dma_wait3A_279 : memref<8192x128xf32, #tpu.memory_space<hbm>>) dst(%dma_wait3A_273 : memref<128x128xf32, #tpu.memory_space<vmem>>)
    %run_scoped3A_282 = arith.constant 3 : i32
    %run_scoped3A_283 = arith.constant 7 : i32
    "tpu.region"() ({
      %run_scoped3A_318 = tpu.sem_alloc : memref<!tpu.dma_semaphore, #tpu.memory_space<semaphore_mem>>
      %dma_start3A_319 = arith.constant 0 : i32
      %dma_start3A_320 = arith.constant 0 : i32
      %dma_start3A_321 = tpu.memref_slice %arg6[%run_scoped3A_282, %dma_start3A_319, %dma_start3A_320] : memref<4x128x128xf32, #tpu.memory_space<vmem>> -> memref<1x128x128xf32, #tpu.memory_space<vmem>>
      %dma_start3A_322 = tpu.memref_squeeze %dma_start3A_321 : memref<1x128x128xf32, #tpu.memory_space<vmem>> -> memref<128x128xf32, #tpu.memory_space<vmem>>
      %dma_start3A_323 = arith.constant 0 : i32
      %dma_start3A_324 = arith.constant 0 : i32
      %dma_start3A_325 = tpu.memref_slice %arg4[%add3A, %run_scoped3A_283, %dma_start3A_323, %dma_start3A_324] : memref<32x10x128x128xf32, #tpu.memory_space<hbm>> -> memref<1x1x128x128xf32, #tpu.memory_space<hbm>>
      %dma_start3A_326 = tpu.memref_squeeze %dma_start3A_325 : memref<1x1x128x128xf32, #tpu.memory_space<hbm>> -> memref<128x128xf32, #tpu.memory_space<hbm>>
      %dma_start3A_327 = arith.constant 0 : i32
      %dma_start3A_328 = arith.constant 0 : i32
      %dma_start3A_329 = tpu.memref_slice %arg4[%add3A, %run_scoped3A_283, %dma_start3A_327, %dma_start3A_328] : memref<32x10x128x128xf32, #tpu.memory_space<hbm>> -> memref<1x1x128x128xf32, #tpu.memory_space<hbm>>
      %dma_start3A_330 = tpu.memref_squeeze %dma_start3A_329 : memref<1x1x128x128xf32, #tpu.memory_space<hbm>> -> memref<128x128xf32, #tpu.memory_space<hbm>>
      %dma_start3A_331 = arith.constant 0 : i32
      %dma_start3A_332 = arith.constant 0 : i32
      %dma_start3A_333 = tpu.memref_slice %arg6[%run_scoped3A_282, %dma_start3A_331, %dma_start3A_332] : memref<4x128x128xf32, #tpu.memory_space<vmem>> -> memref<1x128x128xf32, #tpu.memory_space<vmem>>
      %dma_start3A_334 = tpu.memref_squeeze %dma_start3A_333 : memref<1x128x128xf32, #tpu.memory_space<vmem>> -> memref<128x128xf32, #tpu.memory_space<vmem>>
      tpu.enqueue_dma source(%dma_start3A_334 : memref<128x128xf32, #tpu.memory_space<vmem>>) target(%dma_start3A_330 : memref<128x128xf32, #tpu.memory_space<hbm>>) target_semaphore(%run_scoped3A_318 : memref<!tpu.dma_semaphore, #tpu.memory_space<semaphore_mem>>)
      %dma_wait3A_335 = arith.constant 0 : i32
      %dma_wait3A_336 = arith.constant 0 : i32
      %dma_wait3A_337 = tpu.memref_slice %arg6[%run_scoped3A_282, %dma_wait3A_335, %dma_wait3A_336] : memref<4x128x128xf32, #tpu.memory_space<vmem>> -> memref<1x128x128xf32, #tpu.memory_space<vmem>>
      %dma_wait3A_338 = tpu.memref_squeeze %dma_wait3A_337 : memref<1x128x128xf32, #tpu.memory_space<vmem>> -> memref<128x128xf32, #tpu.memory_space<vmem>>
      %dma_wait3A_339 = arith.constant 0 : i32
      %dma_wait3A_340 = arith.constant 0 : i32
      %dma_wait3A_341 = tpu.memref_slice %arg4[%add3A, %run_scoped3A_283, %dma_wait3A_339, %dma_wait3A_340] : memref<32x10x128x128xf32, #tpu.memory_space<hbm>> -> memref<1x1x128x128xf32, #tpu.memory_space<hbm>>
      %dma_wait3A_342 = tpu.memref_squeeze %dma_wait3A_341 : memref<1x1x128x128xf32, #tpu.memory_space<hbm>> -> memref<128x128xf32, #tpu.memory_space<hbm>>
      %dma_wait3A_343 = arith.constant 0 : i32
      %dma_wait3A_344 = arith.constant 0 : i32
      %dma_wait3A_345 = tpu.memref_slice %arg4[%add3A, %run_scoped3A_283, %dma_wait3A_343, %dma_wait3A_344] : memref<32x10x128x128xf32, #tpu.memory_space<hbm>> -> memref<1x1x128x128xf32, #tpu.memory_space<hbm>>
      %dma_wait3A_346 = tpu.memref_squeeze %dma_wait3A_345 : memref<1x1x128x128xf32, #tpu.memory_space<hbm>> -> memref<128x128xf32, #tpu.memory_space<hbm>>
      %dma_wait3A_347 = arith.constant 0 : i32
      %dma_wait3A_348 = arith.constant 0 : i32
      %dma_wait3A_349 = tpu.memref_slice %arg6[%run_scoped3A_282, %dma_wait3A_347, %dma_wait3A_348] : memref<4x128x128xf32, #tpu.memory_space<vmem>> -> memref<1x128x128xf32, #tpu.memory_space<vmem>>
      %dma_wait3A_350 = tpu.memref_squeeze %dma_wait3A_349 : memref<1x128x128xf32, #tpu.memory_space<vmem>> -> memref<128x128xf32, #tpu.memory_space<vmem>>
      tpu.wait_dma2 semaphore(%run_scoped3A_318 : memref<!tpu.dma_semaphore, #tpu.memory_space<semaphore_mem>>) src(%dma_wait3A_350 : memref<128x128xf32, #tpu.memory_space<vmem>>) dst(%dma_wait3A_346 : memref<128x128xf32, #tpu.memory_space<hbm>>)
      tpu.yield
    }) : () -> ()
    %dma_wait3A_284 = arith.constant 8 : i32
    %dma_wait3A_285 = arith.constant 0 : i32
    %dma_wait3A_286 = arith.constant 0 : i32
    %dma_wait3A_287 = arith.constant 0 : i32
    %dma_wait3A_288 = arith.constant 0 : i32
    %dma_wait3A_289 = tpu.memref_slice %arg6[%dma_wait3A_285, %dma_wait3A_287, %dma_wait3A_288] : memref<4x128x128xf32, #tpu.memory_space<vmem>> -> memref<1x128x128xf32, #tpu.memory_space<vmem>>
    %dma_wait3A_290 = tpu.memref_squeeze %dma_wait3A_289 : memref<1x128x128xf32, #tpu.memory_space<vmem>> -> memref<128x128xf32, #tpu.memory_space<vmem>>
    %dma_wait3A_291 = arith.constant 0 : i32
    %dma_wait3A_292 = tpu.memref_slice %arg5[%dma_wait3A_284, %dma_wait3A_291] : memref<10x128xi32, #tpu.memory_space<vmem>> -> memref<1x128xi32, #tpu.memory_space<vmem>>
    %dma_wait3A_293 = tpu.memref_squeeze %dma_wait3A_292 : memref<1x128xi32, #tpu.memory_space<vmem>> -> memref<128xi32, #tpu.memory_space<vmem>>
    %dma_wait3A_294 = arith.constant 0 : i32
    %dma_wait3A_295 = arith.constant 0 : i32
    %dma_wait3A_296 = tpu.memref_slice %arg2[%dma_wait3A_294, %dma_wait3A_295] : memref<8192x128xf32, #tpu.memory_space<hbm>> -> memref<8192x128xf32, #tpu.memory_space<hbm>>
    %dma_wait3A_297 = tpu.memref_slice %arg7[%dma_wait3A_286] : memref<4x!tpu.dma_semaphore, #tpu.memory_space<semaphore_mem>> -> memref<1x!tpu.dma_semaphore, #tpu.memory_space<semaphore_mem>>
    %dma_wait3A_298 = tpu.memref_squeeze %dma_wait3A_297 : memref<1x!tpu.dma_semaphore, #tpu.memory_space<semaphore_mem>> -> memref<!tpu.dma_semaphore, #tpu.memory_space<semaphore_mem>>
    tpu.wait_indirect_dma semaphore(%dma_wait3A_298 : memref<!tpu.dma_semaphore, #tpu.memory_space<semaphore_mem>>) src(%dma_wait3A_296 : memref<8192x128xf32, #tpu.memory_space<hbm>>) dst(%dma_wait3A_290 : memref<128x128xf32, #tpu.memory_space<vmem>>)
    %run_scoped3A_299 = arith.constant 0 : i32
    %run_scoped3A_300 = arith.constant 8 : i32
    "tpu.region"() ({
      %run_scoped3A_318 = tpu.sem_alloc : memref<!tpu.dma_semaphore, #tpu.memory_space<semaphore_mem>>
      %dma_start3A_319 = arith.constant 0 : i32
      %dma_start3A_320 = arith.constant 0 : i32
      %dma_start3A_321 = tpu.memref_slice %arg6[%run_scoped3A_299, %dma_start3A_319, %dma_start3A_320] : memref<4x128x128xf32, #tpu.memory_space<vmem>> -> memref<1x128x128xf32, #tpu.memory_space<vmem>>
      %dma_start3A_322 = tpu.memref_squeeze %dma_start3A_321 : memref<1x128x128xf32, #tpu.memory_space<vmem>> -> memref<128x128xf32, #tpu.memory_space<vmem>>
      %dma_start3A_323 = arith.constant 0 : i32
      %dma_start3A_324 = arith.constant 0 : i32
      %dma_start3A_325 = tpu.memref_slice %arg4[%add3A, %run_scoped3A_300, %dma_start3A_323, %dma_start3A_324] : memref<32x10x128x128xf32, #tpu.memory_space<hbm>> -> memref<1x1x128x128xf32, #tpu.memory_space<hbm>>
      %dma_start3A_326 = tpu.memref_squeeze %dma_start3A_325 : memref<1x1x128x128xf32, #tpu.memory_space<hbm>> -> memref<128x128xf32, #tpu.memory_space<hbm>>
      %dma_start3A_327 = arith.constant 0 : i32
      %dma_start3A_328 = arith.constant 0 : i32
      %dma_start3A_329 = tpu.memref_slice %arg4[%add3A, %run_scoped3A_300, %dma_start3A_327, %dma_start3A_328] : memref<32x10x128x128xf32, #tpu.memory_space<hbm>> -> memref<1x1x128x128xf32, #tpu.memory_space<hbm>>
      %dma_start3A_330 = tpu.memref_squeeze %dma_start3A_329 : memref<1x1x128x128xf32, #tpu.memory_space<hbm>> -> memref<128x128xf32, #tpu.memory_space<hbm>>
      %dma_start3A_331 = arith.constant 0 : i32
      %dma_start3A_332 = arith.constant 0 : i32
      %dma_start3A_333 = tpu.memref_slice %arg6[%run_scoped3A_299, %dma_start3A_331, %dma_start3A_332] : memref<4x128x128xf32, #tpu.memory_space<vmem>> -> memref<1x128x128xf32, #tpu.memory_space<vmem>>
      %dma_start3A_334 = tpu.memref_squeeze %dma_start3A_333 : memref<1x128x128xf32, #tpu.memory_space<vmem>> -> memref<128x128xf32, #tpu.memory_space<vmem>>
      tpu.enqueue_dma source(%dma_start3A_334 : memref<128x128xf32, #tpu.memory_space<vmem>>) target(%dma_start3A_330 : memref<128x128xf32, #tpu.memory_space<hbm>>) target_semaphore(%run_scoped3A_318 : memref<!tpu.dma_semaphore, #tpu.memory_space<semaphore_mem>>)
      %dma_wait3A_335 = arith.constant 0 : i32
      %dma_wait3A_336 = arith.constant 0 : i32
      %dma_wait3A_337 = tpu.memref_slice %arg6[%run_scoped3A_299, %dma_wait3A_335, %dma_wait3A_336] : memref<4x128x128xf32, #tpu.memory_space<vmem>> -> memref<1x128x128xf32, #tpu.memory_space<vmem>>
      %dma_wait3A_338 = tpu.memref_squeeze %dma_wait3A_337 : memref<1x128x128xf32, #tpu.memory_space<vmem>> -> memref<128x128xf32, #tpu.memory_space<vmem>>
      %dma_wait3A_339 = arith.constant 0 : i32
      %dma_wait3A_340 = arith.constant 0 : i32
      %dma_wait3A_341 = tpu.memref_slice %arg4[%add3A, %run_scoped3A_300, %dma_wait3A_339, %dma_wait3A_340] : memref<32x10x128x128xf32, #tpu.memory_space<hbm>> -> memref<1x1x128x128xf32, #tpu.memory_space<hbm>>
      %dma_wait3A_342 = tpu.memref_squeeze %dma_wait3A_341 : memref<1x1x128x128xf32, #tpu.memory_space<hbm>> -> memref<128x128xf32, #tpu.memory_space<hbm>>
      %dma_wait3A_343 = arith.constant 0 : i32
      %dma_wait3A_344 = arith.constant 0 : i32
      %dma_wait3A_345 = tpu.memref_slice %arg4[%add3A, %run_scoped3A_300, %dma_wait3A_343, %dma_wait3A_344] : memref<32x10x128x128xf32, #tpu.memory_space<hbm>> -> memref<1x1x128x128xf32, #tpu.memory_space<hbm>>
      %dma_wait3A_346 = tpu.memref_squeeze %dma_wait3A_345 : memref<1x1x128x128xf32, #tpu.memory_space<hbm>> -> memref<128x128xf32, #tpu.memory_space<hbm>>
      %dma_wait3A_347 = arith.constant 0 : i32
      %dma_wait3A_348 = arith.constant 0 : i32
      %dma_wait3A_349 = tpu.memref_slice %arg6[%run_scoped3A_299, %dma_wait3A_347, %dma_wait3A_348] : memref<4x128x128xf32, #tpu.memory_space<vmem>> -> memref<1x128x128xf32, #tpu.memory_space<vmem>>
      %dma_wait3A_350 = tpu.memref_squeeze %dma_wait3A_349 : memref<1x128x128xf32, #tpu.memory_space<vmem>> -> memref<128x128xf32, #tpu.memory_space<vmem>>
      tpu.wait_dma2 semaphore(%run_scoped3A_318 : memref<!tpu.dma_semaphore, #tpu.memory_space<semaphore_mem>>) src(%dma_wait3A_350 : memref<128x128xf32, #tpu.memory_space<vmem>>) dst(%dma_wait3A_346 : memref<128x128xf32, #tpu.memory_space<hbm>>)
      tpu.yield
    }) : () -> ()
    %dma_wait3A_301 = arith.constant 9 : i32
    %dma_wait3A_302 = arith.constant 1 : i32
    %dma_wait3A_303 = arith.constant 1 : i32
    %dma_wait3A_304 = arith.constant 0 : i32
    %dma_wait3A_305 = arith.constant 0 : i32
    %dma_wait3A_306 = tpu.memref_slice %arg6[%dma_wait3A_302, %dma_wait3A_304, %dma_wait3A_305] : memref<4x128x128xf32, #tpu.memory_space<vmem>> -> memref<1x128x128xf32, #tpu.memory_space<vmem>>
    %dma_wait3A_307 = tpu.memref_squeeze %dma_wait3A_306 : memref<1x128x128xf32, #tpu.memory_space<vmem>> -> memref<128x128xf32, #tpu.memory_space<vmem>>
    %dma_wait3A_308 = arith.constant 0 : i32
    %dma_wait3A_309 = tpu.memref_slice %arg5[%dma_wait3A_301, %dma_wait3A_308] : memref<10x128xi32, #tpu.memory_space<vmem>> -> memref<1x128xi32, #tpu.memory_space<vmem>>
    %dma_wait3A_310 = tpu.memref_squeeze %dma_wait3A_309 : memref<1x128xi32, #tpu.memory_space<vmem>> -> memref<128xi32, #tpu.memory_space<vmem>>
    %dma_wait3A_311 = arith.constant 0 : i32
    %dma_wait3A_312 = arith.constant 0 : i32
    %dma_wait3A_313 = tpu.memref_slice %arg2[%dma_wait3A_311, %dma_wait3A_312] : memref<8192x128xf32, #tpu.memory_space<hbm>> -> memref<8192x128xf32, #tpu.memory_space<hbm>>
    %dma_wait3A_314 = tpu.memref_slice %arg7[%dma_wait3A_303] : memref<4x!tpu.dma_semaphore, #tpu.memory_space<semaphore_mem>> -> memref<1x!tpu.dma_semaphore, #tpu.memory_space<semaphore_mem>>
    %dma_wait3A_315 = tpu.memref_squeeze %dma_wait3A_314 : memref<1x!tpu.dma_semaphore, #tpu.memory_space<semaphore_mem>> -> memref<!tpu.dma_semaphore, #tpu.memory_space<semaphore_mem>>
    tpu.wait_indirect_dma semaphore(%dma_wait3A_315 : memref<!tpu.dma_semaphore, #tpu.memory_space<semaphore_mem>>) src(%dma_wait3A_313 : memref<8192x128xf32, #tpu.memory_space<hbm>>) dst(%dma_wait3A_307 : memref<128x128xf32, #tpu.memory_space<vmem>>)
    %run_scoped3A_316 = arith.constant 1 : i32
    %run_scoped3A_317 = arith.constant 9 : i32
    "tpu.region"() ({
      %run_scoped3A_318 = tpu.sem_alloc : memref<!tpu.dma_semaphore, #tpu.memory_space<semaphore_mem>>
      %dma_start3A_319 = arith.constant 0 : i32
      %dma_start3A_320 = arith.constant 0 : i32
      %dma_start3A_321 = tpu.memref_slice %arg6[%run_scoped3A_316, %dma_start3A_319, %dma_start3A_320] : memref<4x128x128xf32, #tpu.memory_space<vmem>> -> memref<1x128x128xf32, #tpu.memory_space<vmem>>
      %dma_start3A_322 = tpu.memref_squeeze %dma_start3A_321 : memref<1x128x128xf32, #tpu.memory_space<vmem>> -> memref<128x128xf32, #tpu.memory_space<vmem>>
      %dma_start3A_323 = arith.constant 0 : i32
      %dma_start3A_324 = arith.constant 0 : i32
      %dma_start3A_325 = tpu.memref_slice %arg4[%add3A, %run_scoped3A_317, %dma_start3A_323, %dma_start3A_324] : memref<32x10x128x128xf32, #tpu.memory_space<hbm>> -> memref<1x1x128x128xf32, #tpu.memory_space<hbm>>
      %dma_start3A_326 = tpu.memref_squeeze %dma_start3A_325 : memref<1x1x128x128xf32, #tpu.memory_space<hbm>> -> memref<128x128xf32, #tpu.memory_space<hbm>>
      %dma_start3A_327 = arith.constant 0 : i32
      %dma_start3A_328 = arith.constant 0 : i32
      %dma_start3A_329 = tpu.memref_slice %arg4[%add3A, %run_scoped3A_317, %dma_start3A_327, %dma_start3A_328] : memref<32x10x128x128xf32, #tpu.memory_space<hbm>> -> memref<1x1x128x128xf32, #tpu.memory_space<hbm>>
      %dma_start3A_330 = tpu.memref_squeeze %dma_start3A_329 : memref<1x1x128x128xf32, #tpu.memory_space<hbm>> -> memref<128x128xf32, #tpu.memory_space<hbm>>
      %dma_start3A_331 = arith.constant 0 : i32
      %dma_start3A_332 = arith.constant 0 : i32
      %dma_start3A_333 = tpu.memref_slice %arg6[%run_scoped3A_316, %dma_start3A_331, %dma_start3A_332] : memref<4x128x128xf32, #tpu.memory_space<vmem>> -> memref<1x128x128xf32, #tpu.memory_space<vmem>>
      %dma_start3A_334 = tpu.memref_squeeze %dma_start3A_333 : memref<1x128x128xf32, #tpu.memory_space<vmem>> -> memref<128x128xf32, #tpu.memory_space<vmem>>
      tpu.enqueue_dma source(%dma_start3A_334 : memref<128x128xf32, #tpu.memory_space<vmem>>) target(%dma_start3A_330 : memref<128x128xf32, #tpu.memory_space<hbm>>) target_semaphore(%run_scoped3A_318 : memref<!tpu.dma_semaphore, #tpu.memory_space<semaphore_mem>>)
      %dma_wait3A_335 = arith.constant 0 : i32
      %dma_wait3A_336 = arith.constant 0 : i32
      %dma_wait3A_337 = tpu.memref_slice %arg6[%run_scoped3A_316, %dma_wait3A_335, %dma_wait3A_336] : memref<4x128x128xf32, #tpu.memory_space<vmem>> -> memref<1x128x128xf32, #tpu.memory_space<vmem>>
      %dma_wait3A_338 = tpu.memref_squeeze %dma_wait3A_337 : memref<1x128x128xf32, #tpu.memory_space<vmem>> -> memref<128x128xf32, #tpu.memory_space<vmem>>
      %dma_wait3A_339 = arith.constant 0 : i32
      %dma_wait3A_340 = arith.constant 0 : i32
      %dma_wait3A_341 = tpu.memref_slice %arg4[%add3A, %run_scoped3A_317, %dma_wait3A_339, %dma_wait3A_340] : memref<32x10x128x128xf32, #tpu.memory_space<hbm>> -> memref<1x1x128x128xf32, #tpu.memory_space<hbm>>
      %dma_wait3A_342 = tpu.memref_squeeze %dma_wait3A_341 : memref<1x1x128x128xf32, #tpu.memory_space<hbm>> -> memref<128x128xf32, #tpu.memory_space<hbm>>
      %dma_wait3A_343 = arith.constant 0 : i32
      %dma_wait3A_344 = arith.constant 0 : i32
      %dma_wait3A_345 = tpu.memref_slice %arg4[%add3A, %run_scoped3A_317, %dma_wait3A_343, %dma_wait3A_344] : memref<32x10x128x128xf32, #tpu.memory_space<hbm>> -> memref<1x1x128x128xf32, #tpu.memory_space<hbm>>
      %dma_wait3A_346 = tpu.memref_squeeze %dma_wait3A_345 : memref<1x1x128x128xf32, #tpu.memory_space<hbm>> -> memref<128x128xf32, #tpu.memory_space<hbm>>
      %dma_wait3A_347 = arith.constant 0 : i32
      %dma_wait3A_348 = arith.constant 0 : i32
      %dma_wait3A_349 = tpu.memref_slice %arg6[%run_scoped3A_316, %dma_wait3A_347, %dma_wait3A_348] : memref<4x128x128xf32, #tpu.memory_space<vmem>> -> memref<1x128x128xf32, #tpu.memory_space<vmem>>
      %dma_wait3A_350 = tpu.memref_squeeze %dma_wait3A_349 : memref<1x128x128xf32, #tpu.memory_space<vmem>> -> memref<128x128xf32, #tpu.memory_space<vmem>>
      tpu.wait_dma2 semaphore(%run_scoped3A_318 : memref<!tpu.dma_semaphore, #tpu.memory_space<semaphore_mem>>) src(%dma_wait3A_350 : memref<128x128xf32, #tpu.memory_space<vmem>>) dst(%dma_wait3A_346 : memref<128x128xf32, #tpu.memory_space<hbm>>)
      tpu.yield
    }) : () -> ()
    return
  }
}

#map = affine_map<(d0, d1) -> (0, 0)>
#map1 = affine_map<(d0, d1) -> (0, 0, 0)>
#map2 = affine_map<(d0, d1) -> (0, 0, 0, 0)>
module attributes {stable_mosaic.version = 14 : i64} {
  func.func @_sc_gather_body(%arg0: i32, %arg1: i32, %arg2: memref<8192x128xf32, #tpu.memory_space<hbm>>, %arg3: memref<32x10x128xi32, #tpu.memory_space<hbm>>, %arg4: memref<32x10x128x128xf32, #tpu.memory_space<hbm>>, %arg5: memref<10x128xi32, #tpu.memory_space<vmem>>, %arg6: memref<4x128x128xf32, #tpu.memory_space<vmem>>, %arg7: memref<4x!tpu.dma_semaphore, #tpu.memory_space<semaphore_mem>>) attributes {dimension_semantics = [#tpu.dimension_semantics<core_parallel>, #tpu.dimension_semantics<subcore_parallel>], iteration_bounds = array<i64: 2, 16>, scalar_prefetch = 0 : i64, scratch_operands = 3 : i64, tpu.core_type = #tpu.core_type<sc_vector_subcore>, window_params = [{transform_indices = #map}, {transform_indices = #map1}, {transform_indices = #map2}]} {
    %mul3A = arith.constant 2 : i32
    %mul3A_0 = arith.muli %arg1, %mul3A : i32
    %add3A = arith.addi %mul3A_0, %arg0 : i32
    "tpu.region"() ({
      %run_scoped3A_318 = tpu.sem_alloc : memref<!tpu.dma_semaphore, #tpu.memory_space<semaphore_mem>>
      %dma_start3A_319 = arith.constant 0 : i32
      %dma_start3A_320 = arith.constant 0 : i32
      %dma_start3A_321 = tpu.memref_slice %arg3[%add3A, %dma_start3A_319, %dma_start3A_320] : memref<32x10x128xi32, #tpu.memory_space<hbm>> -> memref<1x10x128xi32, #tpu.memory_space<hbm>>
      %dma_start3A_322 = tpu.memref_squeeze %dma_start3A_321 : memref<1x10x128xi32, #tpu.memory_space<hbm>> -> memref<10x128xi32, #tpu.memory_space<hbm>>
      %dma_start3A_323 = arith.constant 0 : i32
      %dma_start3A_324 = arith.constant 0 : i32
      %dma_start3A_325 = tpu.memref_slice %arg3[%add3A, %dma_start3A_323, %dma_start3A_324] : memref<32x10x128xi32, #tpu.memory_space<hbm>> -> memref<1x10x128xi32, #tpu.memory_space<hbm>>
      %dma_start3A_326 = tpu.memref_squeeze %dma_start3A_325 : memref<1x10x128xi32, #tpu.memory_space<hbm>> -> memref<10x128xi32, #tpu.memory_space<hbm>>
      tpu.enqueue_dma source(%dma_start3A_326 : memref<10x128xi32, #tpu.memory_space<hbm>>) target(%arg5 : memref<10x128xi32, #tpu.memory_space<vmem>>) target_semaphore(%run_scoped3A_318 : memref<!tpu.dma_semaphore, #tpu.memory_space<semaphore_mem>>)
      %dma_wait3A_327 = arith.constant 0 : i32
      %dma_wait3A_328 = arith.constant 0 : i32
      %dma_wait3A_329 = tpu.memref_slice %arg3[%add3A, %dma_wait3A_327, %dma_wait3A_328] : memref<32x10x128xi32, #tpu.memory_space<hbm>> -> memref<1x10x128xi32, #tpu.memory_space<hbm>>
      %dma_wait3A_330 = tpu.memref_squeeze %dma_wait3A_329 : memref<1x10x128xi32, #tpu.memory_space<hbm>> -> memref<10x128xi32, #tpu.memory_space<hbm>>
      %dma_wait3A_331 = arith.constant 0 : i32
      %dma_wait3A_332 = arith.constant 0 : i32
      %dma_wait3A_333 = tpu.memref_slice %arg3[%add3A, %dma_wait3A_331, %dma_wait3A_332] : memref<32x10x128xi32, #tpu.memory_space<hbm>> -> memref<1x10x128xi32, #tpu.memory_space<hbm>>
      %dma_wait3A_334 = tpu.memref_squeeze %dma_wait3A_333 : memref<1x10x128xi32, #tpu.memory_space<hbm>> -> memref<10x128xi32, #tpu.memory_space<hbm>>
      tpu.wait_dma2 semaphore(%run_scoped3A_318 : memref<!tpu.dma_semaphore, #tpu.memory_space<semaphore_mem>>) src(%dma_wait3A_334 : memref<10x128xi32, #tpu.memory_space<hbm>>) dst(%arg5 : memref<10x128xi32, #tpu.memory_space<vmem>>)
      tpu.yield
    }) : () -> ()
    %dma_start3A = arith.constant 0 : i32
    %dma_start3A_1 = arith.constant 0 : i32
    %dma_start3A_2 = arith.constant 0 : i32
    %dma_start3A_3 = arith.constant 0 : i32
    %dma_start3A_4 = arith.constant 0 : i32
    %dma_start3A_5 = tpu.memref_slice %arg6[%dma_start3A_1, %dma_start3A_3, %dma_start3A_4] : memref<4x128x128xf32, #tpu.memory_space<vmem>> -> memref<1x128x128xf32, #tpu.memory_space<vmem>>
    %dma_start3A_6 = tpu.memref_squeeze %dma_start3A_5 : memref<1x128x128xf32, #tpu.memory_space<vmem>> -> memref<128x128xf32, #tpu.memory_space<vmem>>
    %dma_start3A_7 = arith.constant 0 : i32
    %dma_start3A_8 = tpu.memref_slice %arg5[%dma_start3A, %dma_start3A_7] : memref<10x128xi32, #tpu.memory_space<vmem>> -> memref<1x128xi32, #tpu.memory_space<vmem>>
    %dma_start3A_9 = tpu.memref_squeeze %dma_start3A_8 : memref<1x128xi32, #tpu.memory_space<vmem>> -> memref<128xi32, #tpu.memory_space<vmem>>
    %dma_start3A_10 = arith.constant 0 : i32
    %dma_start3A_11 = arith.constant 0 : i32
    %dma_start3A_12 = tpu.memref_slice %arg2[%dma_start3A_10, %dma_start3A_11] : memref<8192x128xf32, #tpu.memory_space<hbm>> -> memref<8192x128xf32, #tpu.memory_space<hbm>>
    %dma_start3A_13 = tpu.memref_slice %arg7[%dma_start3A_2] : memref<4x!tpu.dma_semaphore, #tpu.memory_space<semaphore_mem>> -> memref<1x!tpu.dma_semaphore, #tpu.memory_space<semaphore_mem>>
    %dma_start3A_14 = tpu.memref_squeeze %dma_start3A_13 : memref<1x!tpu.dma_semaphore, #tpu.memory_space<semaphore_mem>> -> memref<!tpu.dma_semaphore, #tpu.memory_space<semaphore_mem>>
    tpu.enqueue_indirect_dma source(%dma_start3A_12 : memref<8192x128xf32, #tpu.memory_space<hbm>>) target(%dma_start3A_6 : memref<128x128xf32, #tpu.memory_space<vmem>>) offsets(%dma_start3A_9 : memref<128xi32, #tpu.memory_space<vmem>>) semaphore(%dma_start3A_14 : memref<!tpu.dma_semaphore, #tpu.memory_space<semaphore_mem>>)
    %dma_start3A_15 = arith.constant 1 : i32
    %dma_start3A_16 = arith.constant 1 : i32
    %dma_start3A_17 = arith.constant 1 : i32
    %dma_start3A_18 = arith.constant 0 : i32
    %dma_start3A_19 = arith.constant 0 : i32
    %dma_start3A_20 = tpu.memref_slice %arg6[%dma_start3A_16, %dma_start3A_18, %dma_start3A_19] : memref<4x128x128xf32, #tpu.memory_space<vmem>> -> memref<1x128x128xf32, #tpu.memory_space<vmem>>
    %dma_start3A_21 = tpu.memref_squeeze %dma_start3A_20 : memref<1x128x128xf32, #tpu.memory_space<vmem>> -> memref<128x128xf32, #tpu.memory_space<vmem>>
    %dma_start3A_22 = arith.constant 0 : i32
    %dma_start3A_23 = tpu.memref_slice %arg5[%dma_start3A_15, %dma_start3A_22] : memref<10x128xi32, #tpu.memory_space<vmem>> -> memref<1x128xi32, #tpu.memory_space<vmem>>
    %dma_start3A_24 = tpu.memref_squeeze %dma_start3A_23 : memref<1x128xi32, #tpu.memory_space<vmem>> -> memref<128xi32, #tpu.memory_space<vmem>>
    %dma_start3A_25 = arith.constant 0 : i32
    %dma_start3A_26 = arith.constant 0 : i32
    %dma_start3A_27 = tpu.memref_slice %arg2[%dma_start3A_25, %dma_start3A_26] : memref<8192x128xf32, #tpu.memory_space<hbm>> -> memref<8192x128xf32, #tpu.memory_space<hbm>>
    %dma_start3A_28 = tpu.memref_slice %arg7[%dma_start3A_17] : memref<4x!tpu.dma_semaphore, #tpu.memory_space<semaphore_mem>> -> memref<1x!tpu.dma_semaphore, #tpu.memory_space<semaphore_mem>>
    %dma_start3A_29 = tpu.memref_squeeze %dma_start3A_28 : memref<1x!tpu.dma_semaphore, #tpu.memory_space<semaphore_mem>> -> memref<!tpu.dma_semaphore, #tpu.memory_space<semaphore_mem>>
    tpu.enqueue_indirect_dma source(%dma_start3A_27 : memref<8192x128xf32, #tpu.memory_space<hbm>>) target(%dma_start3A_21 : memref<128x128xf32, #tpu.memory_space<vmem>>) offsets(%dma_start3A_24 : memref<128xi32, #tpu.memory_space<vmem>>) semaphore(%dma_start3A_29 : memref<!tpu.dma_semaphore, #tpu.memory_space<semaphore_mem>>)
    %dma_start3A_30 = arith.constant 2 : i32
    %dma_start3A_31 = arith.constant 2 : i32
    %dma_start3A_32 = arith.constant 2 : i32
    %dma_start3A_33 = arith.constant 0 : i32
    %dma_start3A_34 = arith.constant 0 : i32
    %dma_start3A_35 = tpu.memref_slice %arg6[%dma_start3A_31, %dma_start3A_33, %dma_start3A_34] : memref<4x128x128xf32, #tpu.memory_space<vmem>> -> memref<1x128x128xf32, #tpu.memory_space<vmem>>
    %dma_start3A_36 = tpu.memref_squeeze %dma_start3A_35 : memref<1x128x128xf32, #tpu.memory_space<vmem>> -> memref<128x128xf32, #tpu.memory_space<vmem>>
    %dma_start3A_37 = arith.constant 0 : i32
    %dma_start3A_38 = tpu.memref_slice %arg5[%dma_start3A_30, %dma_start3A_37] : memref<10x128xi32, #tpu.memory_space<vmem>> -> memref<1x128xi32, #tpu.memory_space<vmem>>
    %dma_start3A_39 = tpu.memref_squeeze %dma_start3A_38 : memref<1x128xi32, #tpu.memory_space<vmem>> -> memref<128xi32, #tpu.memory_space<vmem>>
    %dma_start3A_40 = arith.constant 0 : i32
    %dma_start3A_41 = arith.constant 0 : i32
    %dma_start3A_42 = tpu.memref_slice %arg2[%dma_start3A_40, %dma_start3A_41] : memref<8192x128xf32, #tpu.memory_space<hbm>> -> memref<8192x128xf32, #tpu.memory_space<hbm>>
    %dma_start3A_43 = tpu.memref_slice %arg7[%dma_start3A_32] : memref<4x!tpu.dma_semaphore, #tpu.memory_space<semaphore_mem>> -> memref<1x!tpu.dma_semaphore, #tpu.memory_space<semaphore_mem>>
    %dma_start3A_44 = tpu.memref_squeeze %dma_start3A_43 : memref<1x!tpu.dma_semaphore, #tpu.memory_space<semaphore_mem>> -> memref<!tpu.dma_semaphore, #tpu.memory_space<semaphore_mem>>
    tpu.enqueue_indirect_dma source(%dma_start3A_42 : memref<8192x128xf32, #tpu.memory_space<hbm>>) target(%dma_start3A_36 : memref<128x128xf32, #tpu.memory_space<vmem>>) offsets(%dma_start3A_39 : memref<128xi32, #tpu.memory_space<vmem>>) semaphore(%dma_start3A_44 : memref<!tpu.dma_semaphore, #tpu.memory_space<semaphore_mem>>)
    %dma_start3A_45 = arith.constant 3 : i32
    %dma_start3A_46 = arith.constant 3 : i32
    %dma_start3A_47 = arith.constant 3 : i32
    %dma_start3A_48 = arith.constant 0 : i32
    %dma_start3A_49 = arith.constant 0 : i32
    %dma_start3A_50 = tpu.memref_slice %arg6[%dma_start3A_46, %dma_start3A_48, %dma_start3A_49] : memref<4x128x128xf32, #tpu.memory_space<vmem>> -> memref<1x128x128xf32, #tpu.memory_space<vmem>>
    %dma_start3A_51 = tpu.memref_squeeze %dma_start3A_50 : memref<1x128x128xf32, #tpu.memory_space<vmem>> -> memref<128x128xf32, #tpu.memory_space<vmem>>
    %dma_start3A_52 = arith.constant 0 : i32
    %dma_start3A_53 = tpu.memref_slice %arg5[%dma_start3A_45, %dma_start3A_52] : memref<10x128xi32, #tpu.memory_space<vmem>> -> memref<1x128xi32, #tpu.memory_space<vmem>>
    %dma_start3A_54 = tpu.memref_squeeze %dma_start3A_53 : memref<1x128xi32, #tpu.memory_space<vmem>> -> memref<128xi32, #tpu.memory_space<vmem>>
    %dma_start3A_55 = arith.constant 0 : i32
    %dma_start3A_56 = arith.constant 0 : i32
    %dma_start3A_57 = tpu.memref_slice %arg2[%dma_start3A_55, %dma_start3A_56] : memref<8192x128xf32, #tpu.memory_space<hbm>> -> memref<8192x128xf32, #tpu.memory_space<hbm>>
    %dma_start3A_58 = tpu.memref_slice %arg7[%dma_start3A_47] : memref<4x!tpu.dma_semaphore, #tpu.memory_space<semaphore_mem>> -> memref<1x!tpu.dma_semaphore, #tpu.memory_space<semaphore_mem>>
    %dma_start3A_59 = tpu.memref_squeeze %dma_start3A_58 : memref<1x!tpu.dma_semaphore, #tpu.memory_space<semaphore_mem>> -> memref<!tpu.dma_semaphore, #tpu.memory_space<semaphore_mem>>
    tpu.enqueue_indirect_dma source(%dma_start3A_57 : memref<8192x128xf32, #tpu.memory_space<hbm>>) target(%dma_start3A_51 : memref<128x128xf32, #tpu.memory_space<vmem>>) offsets(%dma_start3A_54 : memref<128xi32, #tpu.memory_space<vmem>>) semaphore(%dma_start3A_59 : memref<!tpu.dma_semaphore, #tpu.memory_space<semaphore_mem>>)
    %dma_wait3A = arith.constant 0 : i32
    %dma_wait3A_60 = arith.constant 0 : i32
    %dma_wait3A_61 = arith.constant 0 : i32
    %dma_wait3A_62 = arith.constant 0 : i32
    %dma_wait3A_63 = arith.constant 0 : i32
    %dma_wait3A_64 = tpu.memref_slice %arg6[%dma_wait3A_60, %dma_wait3A_62, %dma_wait3A_63] : memref<4x128x128xf32, #tpu.memory_space<vmem>> -> memref<1x128x128xf32, #tpu.memory_space<vmem>>
    %dma_wait3A_65 = tpu.memref_squeeze %dma_wait3A_64 : memref<1x128x128xf32, #tpu.memory_space<vmem>> -> memref<128x128xf32, #tpu.memory_space<vmem>>
    %dma_wait3A_66 = arith.constant 0 : i32
    %dma_wait3A_67 = tpu.memref_slice %arg5[%dma_wait3A, %dma_wait3A_66] : memref<10x128xi32, #tpu.memory_space<vmem>> -> memref<1x128xi32, #tpu.memory_space<vmem>>
    %dma_wait3A_68 = tpu.memref_squeeze %dma_wait3A_67 : memref<1x128xi32, #tpu.memory_space<vmem>> -> memref<128xi32, #tpu.memory_space<vmem>>
    %dma_wait3A_69 = arith.constant 0 : i32
    %dma_wait3A_70 = arith.constant 0 : i32
    %dma_wait3A_71 = tpu.memref_slice %arg2[%dma_wait3A_69, %dma_wait3A_70] : memref<8192x128xf32, #tpu.memory_space<hbm>> -> memref<8192x128xf32, #tpu.memory_space<hbm>>
    %dma_wait3A_72 = tpu.memref_slice %arg7[%dma_wait3A_61] : memref<4x!tpu.dma_semaphore, #tpu.memory_space<semaphore_mem>> -> memref<1x!tpu.dma_semaphore, #tpu.memory_space<semaphore_mem>>
    %dma_wait3A_73 = tpu.memref_squeeze %dma_wait3A_72 : memref<1x!tpu.dma_semaphore, #tpu.memory_space<semaphore_mem>> -> memref<!tpu.dma_semaphore, #tpu.memory_space<semaphore_mem>>
    tpu.wait_indirect_dma semaphore(%dma_wait3A_73 : memref<!tpu.dma_semaphore, #tpu.memory_space<semaphore_mem>>) src(%dma_wait3A_71 : memref<8192x128xf32, #tpu.memory_space<hbm>>) dst(%dma_wait3A_65 : memref<128x128xf32, #tpu.memory_space<vmem>>)
    %run_scoped3A = arith.constant 0 : i32
    %run_scoped3A_74 = arith.constant 0 : i32
    "tpu.region"() ({
      %run_scoped3A_318 = tpu.sem_alloc : memref<!tpu.dma_semaphore, #tpu.memory_space<semaphore_mem>>
      %dma_start3A_319 = arith.constant 0 : i32
      %dma_start3A_320 = arith.constant 0 : i32
      %dma_start3A_321 = tpu.memref_slice %arg6[%run_scoped3A, %dma_start3A_319, %dma_start3A_320] : memref<4x128x128xf32, #tpu.memory_space<vmem>> -> memref<1x128x128xf32, #tpu.memory_space<vmem>>
      %dma_start3A_322 = tpu.memref_squeeze %dma_start3A_321 : memref<1x128x128xf32, #tpu.memory_space<vmem>> -> memref<128x128xf32, #tpu.memory_space<vmem>>
      %dma_start3A_323 = arith.constant 0 : i32
      %dma_start3A_324 = arith.constant 0 : i32
      %dma_start3A_325 = tpu.memref_slice %arg4[%add3A, %run_scoped3A_74, %dma_start3A_323, %dma_start3A_324] : memref<32x10x128x128xf32, #tpu.memory_space<hbm>> -> memref<1x1x128x128xf32, #tpu.memory_space<hbm>>
      %dma_start3A_326 = tpu.memref_squeeze %dma_start3A_325 : memref<1x1x128x128xf32, #tpu.memory_space<hbm>> -> memref<128x128xf32, #tpu.memory_space<hbm>>
      %dma_start3A_327 = arith.constant 0 : i32
      %dma_start3A_328 = arith.constant 0 : i32
      %dma_start3A_329 = tpu.memref_slice %arg4[%add3A, %run_scoped3A_74, %dma_start3A_327, %dma_start3A_328] : memref<32x10x128x128xf32, #tpu.memory_space<hbm>> -> memref<1x1x128x128xf32, #tpu.memory_space<hbm>>
      %dma_start3A_330 = tpu.memref_squeeze %dma_start3A_329 : memref<1x1x128x128xf32, #tpu.memory_space<hbm>> -> memref<128x128xf32, #tpu.memory_space<hbm>>
      %dma_start3A_331 = arith.constant 0 : i32
      %dma_start3A_332 = arith.constant 0 : i32
      %dma_start3A_333 = tpu.memref_slice %arg6[%run_scoped3A, %dma_start3A_331, %dma_start3A_332] : memref<4x128x128xf32, #tpu.memory_space<vmem>> -> memref<1x128x128xf32, #tpu.memory_space<vmem>>
      %dma_start3A_334 = tpu.memref_squeeze %dma_start3A_333 : memref<1x128x128xf32, #tpu.memory_space<vmem>> -> memref<128x128xf32, #tpu.memory_space<vmem>>
      tpu.enqueue_dma source(%dma_start3A_334 : memref<128x128xf32, #tpu.memory_space<vmem>>) target(%dma_start3A_330 : memref<128x128xf32, #tpu.memory_space<hbm>>) target_semaphore(%run_scoped3A_318 : memref<!tpu.dma_semaphore, #tpu.memory_space<semaphore_mem>>)
      %dma_wait3A_335 = arith.constant 0 : i32
      %dma_wait3A_336 = arith.constant 0 : i32
      %dma_wait3A_337 = tpu.memref_slice %arg6[%run_scoped3A, %dma_wait3A_335, %dma_wait3A_336] : memref<4x128x128xf32, #tpu.memory_space<vmem>> -> memref<1x128x128xf32, #tpu.memory_space<vmem>>
      %dma_wait3A_338 = tpu.memref_squeeze %dma_wait3A_337 : memref<1x128x128xf32, #tpu.memory_space<vmem>> -> memref<128x128xf32, #tpu.memory_space<vmem>>
      %dma_wait3A_339 = arith.constant 0 : i32
      %dma_wait3A_340 = arith.constant 0 : i32
      %dma_wait3A_341 = tpu.memref_slice %arg4[%add3A, %run_scoped3A_74, %dma_wait3A_339, %dma_wait3A_340] : memref<32x10x128x128xf32, #tpu.memory_space<hbm>> -> memref<1x1x128x128xf32, #tpu.memory_space<hbm>>
      %dma_wait3A_342 = tpu.memref_squeeze %dma_wait3A_341 : memref<1x1x128x128xf32, #tpu.memory_space<hbm>> -> memref<128x128xf32, #tpu.memory_space<hbm>>
      %dma_wait3A_343 = arith.constant 0 : i32
      %dma_wait3A_344 = arith.constant 0 : i32
      %dma_wait3A_345 = tpu.memref_slice %arg4[%add3A, %run_scoped3A_74, %dma_wait3A_343, %dma_wait3A_344] : memref<32x10x128x128xf32, #tpu.memory_space<hbm>> -> memref<1x1x128x128xf32, #tpu.memory_space<hbm>>
      %dma_wait3A_346 = tpu.memref_squeeze %dma_wait3A_345 : memref<1x1x128x128xf32, #tpu.memory_space<hbm>> -> memref<128x128xf32, #tpu.memory_space<hbm>>
      %dma_wait3A_347 = arith.constant 0 : i32
      %dma_wait3A_348 = arith.constant 0 : i32
      %dma_wait3A_349 = tpu.memref_slice %arg6[%run_scoped3A, %dma_wait3A_347, %dma_wait3A_348] : memref<4x128x128xf32, #tpu.memory_space<vmem>> -> memref<1x128x128xf32, #tpu.memory_space<vmem>>
      %dma_wait3A_350 = tpu.memref_squeeze %dma_wait3A_349 : memref<1x128x128xf32, #tpu.memory_space<vmem>> -> memref<128x128xf32, #tpu.memory_space<vmem>>
      tpu.wait_dma2 semaphore(%run_scoped3A_318 : memref<!tpu.dma_semaphore, #tpu.memory_space<semaphore_mem>>) src(%dma_wait3A_350 : memref<128x128xf32, #tpu.memory_space<vmem>>) dst(%dma_wait3A_346 : memref<128x128xf32, #tpu.memory_space<hbm>>)
      tpu.yield
    }) : () -> ()
    %dma_start3A_75 = arith.constant 4 : i32
    %dma_start3A_76 = arith.constant 0 : i32
    %dma_start3A_77 = arith.constant 0 : i32
    %dma_start3A_78 = arith.constant 0 : i32
    %dma_start3A_79 = arith.constant 0 : i32
    %dma_start3A_80 = tpu.memref_slice %arg6[%dma_start3A_76, %dma_start3A_78, %dma_start3A_79] : memref<4x128x128xf32, #tpu.memory_space<vmem>> -> memref<1x128x128xf32, #tpu.memory_space<vmem>>
    %dma_start3A_81 = tpu.memref_squeeze %dma_start3A_80 : memref<1x128x128xf32, #tpu.memory_space<vmem>> -> memref<128x128xf32, #tpu.memory_space<vmem>>
    %dma_start3A_82 = arith.constant 0 : i32
    %dma_start3A_83 = tpu.memref_slice %arg5[%dma_start3A_75, %dma_start3A_82] : memref<10x128xi32, #tpu.memory_space<vmem>> -> memref<1x128xi32, #tpu.memory_space<vmem>>
    %dma_start3A_84 = tpu.memref_squeeze %dma_start3A_83 : memref<1x128xi32, #tpu.memory_space<vmem>> -> memref<128xi32, #tpu.memory_space<vmem>>
    %dma_start3A_85 = arith.constant 0 : i32
    %dma_start3A_86 = arith.constant 0 : i32
    %dma_start3A_87 = tpu.memref_slice %arg2[%dma_start3A_85, %dma_start3A_86] : memref<8192x128xf32, #tpu.memory_space<hbm>> -> memref<8192x128xf32, #tpu.memory_space<hbm>>
    %dma_start3A_88 = tpu.memref_slice %arg7[%dma_start3A_77] : memref<4x!tpu.dma_semaphore, #tpu.memory_space<semaphore_mem>> -> memref<1x!tpu.dma_semaphore, #tpu.memory_space<semaphore_mem>>
    %dma_start3A_89 = tpu.memref_squeeze %dma_start3A_88 : memref<1x!tpu.dma_semaphore, #tpu.memory_space<semaphore_mem>> -> memref<!tpu.dma_semaphore, #tpu.memory_space<semaphore_mem>>
    tpu.enqueue_indirect_dma source(%dma_start3A_87 : memref<8192x128xf32, #tpu.memory_space<hbm>>) target(%dma_start3A_81 : memref<128x128xf32, #tpu.memory_space<vmem>>) offsets(%dma_start3A_84 : memref<128xi32, #tpu.memory_space<vmem>>) semaphore(%dma_start3A_89 : memref<!tpu.dma_semaphore, #tpu.memory_space<semaphore_mem>>)
    %dma_wait3A_90 = arith.constant 1 : i32
    %dma_wait3A_91 = arith.constant 1 : i32
    %dma_wait3A_92 = arith.constant 1 : i32
    %dma_wait3A_93 = arith.constant 0 : i32
    %dma_wait3A_94 = arith.constant 0 : i32
    %dma_wait3A_95 = tpu.memref_slice %arg6[%dma_wait3A_91, %dma_wait3A_93, %dma_wait3A_94] : memref<4x128x128xf32, #tpu.memory_space<vmem>> -> memref<1x128x128xf32, #tpu.memory_space<vmem>>
    %dma_wait3A_96 = tpu.memref_squeeze %dma_wait3A_95 : memref<1x128x128xf32, #tpu.memory_space<vmem>> -> memref<128x128xf32, #tpu.memory_space<vmem>>
    %dma_wait3A_97 = arith.constant 0 : i32
    %dma_wait3A_98 = tpu.memref_slice %arg5[%dma_wait3A_90, %dma_wait3A_97] : memref<10x128xi32, #tpu.memory_space<vmem>> -> memref<1x128xi32, #tpu.memory_space<vmem>>
    %dma_wait3A_99 = tpu.memref_squeeze %dma_wait3A_98 : memref<1x128xi32, #tpu.memory_space<vmem>> -> memref<128xi32, #tpu.memory_space<vmem>>
    %dma_wait3A_100 = arith.constant 0 : i32
    %dma_wait3A_101 = arith.constant 0 : i32
    %dma_wait3A_102 = tpu.memref_slice %arg2[%dma_wait3A_100, %dma_wait3A_101] : memref<8192x128xf32, #tpu.memory_space<hbm>> -> memref<8192x128xf32, #tpu.memory_space<hbm>>
    %dma_wait3A_103 = tpu.memref_slice %arg7[%dma_wait3A_92] : memref<4x!tpu.dma_semaphore, #tpu.memory_space<semaphore_mem>> -> memref<1x!tpu.dma_semaphore, #tpu.memory_space<semaphore_mem>>
    %dma_wait3A_104 = tpu.memref_squeeze %dma_wait3A_103 : memref<1x!tpu.dma_semaphore, #tpu.memory_space<semaphore_mem>> -> memref<!tpu.dma_semaphore, #tpu.memory_space<semaphore_mem>>
    tpu.wait_indirect_dma semaphore(%dma_wait3A_104 : memref<!tpu.dma_semaphore, #tpu.memory_space<semaphore_mem>>) src(%dma_wait3A_102 : memref<8192x128xf32, #tpu.memory_space<hbm>>) dst(%dma_wait3A_96 : memref<128x128xf32, #tpu.memory_space<vmem>>)
    %run_scoped3A_105 = arith.constant 1 : i32
    %run_scoped3A_106 = arith.constant 1 : i32
    "tpu.region"() ({
      %run_scoped3A_318 = tpu.sem_alloc : memref<!tpu.dma_semaphore, #tpu.memory_space<semaphore_mem>>
      %dma_start3A_319 = arith.constant 0 : i32
      %dma_start3A_320 = arith.constant 0 : i32
      %dma_start3A_321 = tpu.memref_slice %arg6[%run_scoped3A_105, %dma_start3A_319, %dma_start3A_320] : memref<4x128x128xf32, #tpu.memory_space<vmem>> -> memref<1x128x128xf32, #tpu.memory_space<vmem>>
      %dma_start3A_322 = tpu.memref_squeeze %dma_start3A_321 : memref<1x128x128xf32, #tpu.memory_space<vmem>> -> memref<128x128xf32, #tpu.memory_space<vmem>>
      %dma_start3A_323 = arith.constant 0 : i32
      %dma_start3A_324 = arith.constant 0 : i32
      %dma_start3A_325 = tpu.memref_slice %arg4[%add3A, %run_scoped3A_106, %dma_start3A_323, %dma_start3A_324] : memref<32x10x128x128xf32, #tpu.memory_space<hbm>> -> memref<1x1x128x128xf32, #tpu.memory_space<hbm>>
      %dma_start3A_326 = tpu.memref_squeeze %dma_start3A_325 : memref<1x1x128x128xf32, #tpu.memory_space<hbm>> -> memref<128x128xf32, #tpu.memory_space<hbm>>
      %dma_start3A_327 = arith.constant 0 : i32
      %dma_start3A_328 = arith.constant 0 : i32
      %dma_start3A_329 = tpu.memref_slice %arg4[%add3A, %run_scoped3A_106, %dma_start3A_327, %dma_start3A_328] : memref<32x10x128x128xf32, #tpu.memory_space<hbm>> -> memref<1x1x128x128xf32, #tpu.memory_space<hbm>>
      %dma_start3A_330 = tpu.memref_squeeze %dma_start3A_329 : memref<1x1x128x128xf32, #tpu.memory_space<hbm>> -> memref<128x128xf32, #tpu.memory_space<hbm>>
      %dma_start3A_331 = arith.constant 0 : i32
      %dma_start3A_332 = arith.constant 0 : i32
      %dma_start3A_333 = tpu.memref_slice %arg6[%run_scoped3A_105, %dma_start3A_331, %dma_start3A_332] : memref<4x128x128xf32, #tpu.memory_space<vmem>> -> memref<1x128x128xf32, #tpu.memory_space<vmem>>
      %dma_start3A_334 = tpu.memref_squeeze %dma_start3A_333 : memref<1x128x128xf32, #tpu.memory_space<vmem>> -> memref<128x128xf32, #tpu.memory_space<vmem>>
      tpu.enqueue_dma source(%dma_start3A_334 : memref<128x128xf32, #tpu.memory_space<vmem>>) target(%dma_start3A_330 : memref<128x128xf32, #tpu.memory_space<hbm>>) target_semaphore(%run_scoped3A_318 : memref<!tpu.dma_semaphore, #tpu.memory_space<semaphore_mem>>)
      %dma_wait3A_335 = arith.constant 0 : i32
      %dma_wait3A_336 = arith.constant 0 : i32
      %dma_wait3A_337 = tpu.memref_slice %arg6[%run_scoped3A_105, %dma_wait3A_335, %dma_wait3A_336] : memref<4x128x128xf32, #tpu.memory_space<vmem>> -> memref<1x128x128xf32, #tpu.memory_space<vmem>>
      %dma_wait3A_338 = tpu.memref_squeeze %dma_wait3A_337 : memref<1x128x128xf32, #tpu.memory_space<vmem>> -> memref<128x128xf32, #tpu.memory_space<vmem>>
      %dma_wait3A_339 = arith.constant 0 : i32
      %dma_wait3A_340 = arith.constant 0 : i32
      %dma_wait3A_341 = tpu.memref_slice %arg4[%add3A, %run_scoped3A_106, %dma_wait3A_339, %dma_wait3A_340] : memref<32x10x128x128xf32, #tpu.memory_space<hbm>> -> memref<1x1x128x128xf32, #tpu.memory_space<hbm>>
      %dma_wait3A_342 = tpu.memref_squeeze %dma_wait3A_341 : memref<1x1x128x128xf32, #tpu.memory_space<hbm>> -> memref<128x128xf32, #tpu.memory_space<hbm>>
      %dma_wait3A_343 = arith.constant 0 : i32
      %dma_wait3A_344 = arith.constant 0 : i32
      %dma_wait3A_345 = tpu.memref_slice %arg4[%add3A, %run_scoped3A_106, %dma_wait3A_343, %dma_wait3A_344] : memref<32x10x128x128xf32, #tpu.memory_space<hbm>> -> memref<1x1x128x128xf32, #tpu.memory_space<hbm>>
      %dma_wait3A_346 = tpu.memref_squeeze %dma_wait3A_345 : memref<1x1x128x128xf32, #tpu.memory_space<hbm>> -> memref<128x128xf32, #tpu.memory_space<hbm>>
      %dma_wait3A_347 = arith.constant 0 : i32
      %dma_wait3A_348 = arith.constant 0 : i32
      %dma_wait3A_349 = tpu.memref_slice %arg6[%run_scoped3A_105, %dma_wait3A_347, %dma_wait3A_348] : memref<4x128x128xf32, #tpu.memory_space<vmem>> -> memref<1x128x128xf32, #tpu.memory_space<vmem>>
      %dma_wait3A_350 = tpu.memref_squeeze %dma_wait3A_349 : memref<1x128x128xf32, #tpu.memory_space<vmem>> -> memref<128x128xf32, #tpu.memory_space<vmem>>
      tpu.wait_dma2 semaphore(%run_scoped3A_318 : memref<!tpu.dma_semaphore, #tpu.memory_space<semaphore_mem>>) src(%dma_wait3A_350 : memref<128x128xf32, #tpu.memory_space<vmem>>) dst(%dma_wait3A_346 : memref<128x128xf32, #tpu.memory_space<hbm>>)
      tpu.yield
    }) : () -> ()
    %dma_start3A_107 = arith.constant 5 : i32
    %dma_start3A_108 = arith.constant 1 : i32
    %dma_start3A_109 = arith.constant 1 : i32
    %dma_start3A_110 = arith.constant 0 : i32
    %dma_start3A_111 = arith.constant 0 : i32
    %dma_start3A_112 = tpu.memref_slice %arg6[%dma_start3A_108, %dma_start3A_110, %dma_start3A_111] : memref<4x128x128xf32, #tpu.memory_space<vmem>> -> memref<1x128x128xf32, #tpu.memory_space<vmem>>
    %dma_start3A_113 = tpu.memref_squeeze %dma_start3A_112 : memref<1x128x128xf32, #tpu.memory_space<vmem>> -> memref<128x128xf32, #tpu.memory_space<vmem>>
    %dma_start3A_114 = arith.constant 0 : i32
    %dma_start3A_115 = tpu.memref_slice %arg5[%dma_start3A_107, %dma_start3A_114] : memref<10x128xi32, #tpu.memory_space<vmem>> -> memref<1x128xi32, #tpu.memory_space<vmem>>
    %dma_start3A_116 = tpu.memref_squeeze %dma_start3A_115 : memref<1x128xi32, #tpu.memory_space<vmem>> -> memref<128xi32, #tpu.memory_space<vmem>>
    %dma_start3A_117 = arith.constant 0 : i32
    %dma_start3A_118 = arith.constant 0 : i32
    %dma_start3A_119 = tpu.memref_slice %arg2[%dma_start3A_117, %dma_start3A_118] : memref<8192x128xf32, #tpu.memory_space<hbm>> -> memref<8192x128xf32, #tpu.memory_space<hbm>>
    %dma_start3A_120 = tpu.memref_slice %arg7[%dma_start3A_109] : memref<4x!tpu.dma_semaphore, #tpu.memory_space<semaphore_mem>> -> memref<1x!tpu.dma_semaphore, #tpu.memory_space<semaphore_mem>>
    %dma_start3A_121 = tpu.memref_squeeze %dma_start3A_120 : memref<1x!tpu.dma_semaphore, #tpu.memory_space<semaphore_mem>> -> memref<!tpu.dma_semaphore, #tpu.memory_space<semaphore_mem>>
    tpu.enqueue_indirect_dma source(%dma_start3A_119 : memref<8192x128xf32, #tpu.memory_space<hbm>>) target(%dma_start3A_113 : memref<128x128xf32, #tpu.memory_space<vmem>>) offsets(%dma_start3A_116 : memref<128xi32, #tpu.memory_space<vmem>>) semaphore(%dma_start3A_121 : memref<!tpu.dma_semaphore, #tpu.memory_space<semaphore_mem>>)
    %dma_wait3A_122 = arith.constant 2 : i32
    %dma_wait3A_123 = arith.constant 2 : i32
    %dma_wait3A_124 = arith.constant 2 : i32
    %dma_wait3A_125 = arith.constant 0 : i32
    %dma_wait3A_126 = arith.constant 0 : i32
    %dma_wait3A_127 = tpu.memref_slice %arg6[%dma_wait3A_123, %dma_wait3A_125, %dma_wait3A_126] : memref<4x128x128xf32, #tpu.memory_space<vmem>> -> memref<1x128x128xf32, #tpu.memory_space<vmem>>
    %dma_wait3A_128 = tpu.memref_squeeze %dma_wait3A_127 : memref<1x128x128xf32, #tpu.memory_space<vmem>> -> memref<128x128xf32, #tpu.memory_space<vmem>>
    %dma_wait3A_129 = arith.constant 0 : i32
    %dma_wait3A_130 = tpu.memref_slice %arg5[%dma_wait3A_122, %dma_wait3A_129] : memref<10x128xi32, #tpu.memory_space<vmem>> -> memref<1x128xi32, #tpu.memory_space<vmem>>
    %dma_wait3A_131 = tpu.memref_squeeze %dma_wait3A_130 : memref<1x128xi32, #tpu.memory_space<vmem>> -> memref<128xi32, #tpu.memory_space<vmem>>
    %dma_wait3A_132 = arith.constant 0 : i32
    %dma_wait3A_133 = arith.constant 0 : i32
    %dma_wait3A_134 = tpu.memref_slice %arg2[%dma_wait3A_132, %dma_wait3A_133] : memref<8192x128xf32, #tpu.memory_space<hbm>> -> memref<8192x128xf32, #tpu.memory_space<hbm>>
    %dma_wait3A_135 = tpu.memref_slice %arg7[%dma_wait3A_124] : memref<4x!tpu.dma_semaphore, #tpu.memory_space<semaphore_mem>> -> memref<1x!tpu.dma_semaphore, #tpu.memory_space<semaphore_mem>>
    %dma_wait3A_136 = tpu.memref_squeeze %dma_wait3A_135 : memref<1x!tpu.dma_semaphore, #tpu.memory_space<semaphore_mem>> -> memref<!tpu.dma_semaphore, #tpu.memory_space<semaphore_mem>>
    tpu.wait_indirect_dma semaphore(%dma_wait3A_136 : memref<!tpu.dma_semaphore, #tpu.memory_space<semaphore_mem>>) src(%dma_wait3A_134 : memref<8192x128xf32, #tpu.memory_space<hbm>>) dst(%dma_wait3A_128 : memref<128x128xf32, #tpu.memory_space<vmem>>)
    %run_scoped3A_137 = arith.constant 2 : i32
    %run_scoped3A_138 = arith.constant 2 : i32
    "tpu.region"() ({
      %run_scoped3A_318 = tpu.sem_alloc : memref<!tpu.dma_semaphore, #tpu.memory_space<semaphore_mem>>
      %dma_start3A_319 = arith.constant 0 : i32
      %dma_start3A_320 = arith.constant 0 : i32
      %dma_start3A_321 = tpu.memref_slice %arg6[%run_scoped3A_137, %dma_start3A_319, %dma_start3A_320] : memref<4x128x128xf32, #tpu.memory_space<vmem>> -> memref<1x128x128xf32, #tpu.memory_space<vmem>>
      %dma_start3A_322 = tpu.memref_squeeze %dma_start3A_321 : memref<1x128x128xf32, #tpu.memory_space<vmem>> -> memref<128x128xf32, #tpu.memory_space<vmem>>
      %dma_start3A_323 = arith.constant 0 : i32
      %dma_start3A_324 = arith.constant 0 : i32
      %dma_start3A_325 = tpu.memref_slice %arg4[%add3A, %run_scoped3A_138, %dma_start3A_323, %dma_start3A_324] : memref<32x10x128x128xf32, #tpu.memory_space<hbm>> -> memref<1x1x128x128xf32, #tpu.memory_space<hbm>>
      %dma_start3A_326 = tpu.memref_squeeze %dma_start3A_325 : memref<1x1x128x128xf32, #tpu.memory_space<hbm>> -> memref<128x128xf32, #tpu.memory_space<hbm>>
      %dma_start3A_327 = arith.constant 0 : i32
      %dma_start3A_328 = arith.constant 0 : i32
      %dma_start3A_329 = tpu.memref_slice %arg4[%add3A, %run_scoped3A_138, %dma_start3A_327, %dma_start3A_328] : memref<32x10x128x128xf32, #tpu.memory_space<hbm>> -> memref<1x1x128x128xf32, #tpu.memory_space<hbm>>
      %dma_start3A_330 = tpu.memref_squeeze %dma_start3A_329 : memref<1x1x128x128xf32, #tpu.memory_space<hbm>> -> memref<128x128xf32, #tpu.memory_space<hbm>>
      %dma_start3A_331 = arith.constant 0 : i32
      %dma_start3A_332 = arith.constant 0 : i32
      %dma_start3A_333 = tpu.memref_slice %arg6[%run_scoped3A_137, %dma_start3A_331, %dma_start3A_332] : memref<4x128x128xf32, #tpu.memory_space<vmem>> -> memref<1x128x128xf32, #tpu.memory_space<vmem>>
      %dma_start3A_334 = tpu.memref_squeeze %dma_start3A_333 : memref<1x128x128xf32, #tpu.memory_space<vmem>> -> memref<128x128xf32, #tpu.memory_space<vmem>>
      tpu.enqueue_dma source(%dma_start3A_334 : memref<128x128xf32, #tpu.memory_space<vmem>>) target(%dma_start3A_330 : memref<128x128xf32, #tpu.memory_space<hbm>>) target_semaphore(%run_scoped3A_318 : memref<!tpu.dma_semaphore, #tpu.memory_space<semaphore_mem>>)
      %dma_wait3A_335 = arith.constant 0 : i32
      %dma_wait3A_336 = arith.constant 0 : i32
      %dma_wait3A_337 = tpu.memref_slice %arg6[%run_scoped3A_137, %dma_wait3A_335, %dma_wait3A_336] : memref<4x128x128xf32, #tpu.memory_space<vmem>> -> memref<1x128x128xf32, #tpu.memory_space<vmem>>
      %dma_wait3A_338 = tpu.memref_squeeze %dma_wait3A_337 : memref<1x128x128xf32, #tpu.memory_space<vmem>> -> memref<128x128xf32, #tpu.memory_space<vmem>>
      %dma_wait3A_339 = arith.constant 0 : i32
      %dma_wait3A_340 = arith.constant 0 : i32
      %dma_wait3A_341 = tpu.memref_slice %arg4[%add3A, %run_scoped3A_138, %dma_wait3A_339, %dma_wait3A_340] : memref<32x10x128x128xf32, #tpu.memory_space<hbm>> -> memref<1x1x128x128xf32, #tpu.memory_space<hbm>>
      %dma_wait3A_342 = tpu.memref_squeeze %dma_wait3A_341 : memref<1x1x128x128xf32, #tpu.memory_space<hbm>> -> memref<128x128xf32, #tpu.memory_space<hbm>>
      %dma_wait3A_343 = arith.constant 0 : i32
      %dma_wait3A_344 = arith.constant 0 : i32
      %dma_wait3A_345 = tpu.memref_slice %arg4[%add3A, %run_scoped3A_138, %dma_wait3A_343, %dma_wait3A_344] : memref<32x10x128x128xf32, #tpu.memory_space<hbm>> -> memref<1x1x128x128xf32, #tpu.memory_space<hbm>>
      %dma_wait3A_346 = tpu.memref_squeeze %dma_wait3A_345 : memref<1x1x128x128xf32, #tpu.memory_space<hbm>> -> memref<128x128xf32, #tpu.memory_space<hbm>>
      %dma_wait3A_347 = arith.constant 0 : i32
      %dma_wait3A_348 = arith.constant 0 : i32
      %dma_wait3A_349 = tpu.memref_slice %arg6[%run_scoped3A_137, %dma_wait3A_347, %dma_wait3A_348] : memref<4x128x128xf32, #tpu.memory_space<vmem>> -> memref<1x128x128xf32, #tpu.memory_space<vmem>>
      %dma_wait3A_350 = tpu.memref_squeeze %dma_wait3A_349 : memref<1x128x128xf32, #tpu.memory_space<vmem>> -> memref<128x128xf32, #tpu.memory_space<vmem>>
      tpu.wait_dma2 semaphore(%run_scoped3A_318 : memref<!tpu.dma_semaphore, #tpu.memory_space<semaphore_mem>>) src(%dma_wait3A_350 : memref<128x128xf32, #tpu.memory_space<vmem>>) dst(%dma_wait3A_346 : memref<128x128xf32, #tpu.memory_space<hbm>>)
      tpu.yield
    }) : () -> ()
    %dma_start3A_139 = arith.constant 6 : i32
    %dma_start3A_140 = arith.constant 2 : i32
    %dma_start3A_141 = arith.constant 2 : i32
    %dma_start3A_142 = arith.constant 0 : i32
    %dma_start3A_143 = arith.constant 0 : i32
    %dma_start3A_144 = tpu.memref_slice %arg6[%dma_start3A_140, %dma_start3A_142, %dma_start3A_143] : memref<4x128x128xf32, #tpu.memory_space<vmem>> -> memref<1x128x128xf32, #tpu.memory_space<vmem>>
    %dma_start3A_145 = tpu.memref_squeeze %dma_start3A_144 : memref<1x128x128xf32, #tpu.memory_space<vmem>> -> memref<128x128xf32, #tpu.memory_space<vmem>>
    %dma_start3A_146 = arith.constant 0 : i32
    %dma_start3A_147 = tpu.memref_slice %arg5[%dma_start3A_139, %dma_start3A_146] : memref<10x128xi32, #tpu.memory_space<vmem>> -> memref<1x128xi32, #tpu.memory_space<vmem>>
    %dma_start3A_148 = tpu.memref_squeeze %dma_start3A_147 : memref<1x128xi32, #tpu.memory_space<vmem>> -> memref<128xi32, #tpu.memory_space<vmem>>
    %dma_start3A_149 = arith.constant 0 : i32
    %dma_start3A_150 = arith.constant 0 : i32
    %dma_start3A_151 = tpu.memref_slice %arg2[%dma_start3A_149, %dma_start3A_150] : memref<8192x128xf32, #tpu.memory_space<hbm>> -> memref<8192x128xf32, #tpu.memory_space<hbm>>
    %dma_start3A_152 = tpu.memref_slice %arg7[%dma_start3A_141] : memref<4x!tpu.dma_semaphore, #tpu.memory_space<semaphore_mem>> -> memref<1x!tpu.dma_semaphore, #tpu.memory_space<semaphore_mem>>
    %dma_start3A_153 = tpu.memref_squeeze %dma_start3A_152 : memref<1x!tpu.dma_semaphore, #tpu.memory_space<semaphore_mem>> -> memref<!tpu.dma_semaphore, #tpu.memory_space<semaphore_mem>>
    tpu.enqueue_indirect_dma source(%dma_start3A_151 : memref<8192x128xf32, #tpu.memory_space<hbm>>) target(%dma_start3A_145 : memref<128x128xf32, #tpu.memory_space<vmem>>) offsets(%dma_start3A_148 : memref<128xi32, #tpu.memory_space<vmem>>) semaphore(%dma_start3A_153 : memref<!tpu.dma_semaphore, #tpu.memory_space<semaphore_mem>>)
    %dma_wait3A_154 = arith.constant 3 : i32
    %dma_wait3A_155 = arith.constant 3 : i32
    %dma_wait3A_156 = arith.constant 3 : i32
    %dma_wait3A_157 = arith.constant 0 : i32
    %dma_wait3A_158 = arith.constant 0 : i32
    %dma_wait3A_159 = tpu.memref_slice %arg6[%dma_wait3A_155, %dma_wait3A_157, %dma_wait3A_158] : memref<4x128x128xf32, #tpu.memory_space<vmem>> -> memref<1x128x128xf32, #tpu.memory_space<vmem>>
    %dma_wait3A_160 = tpu.memref_squeeze %dma_wait3A_159 : memref<1x128x128xf32, #tpu.memory_space<vmem>> -> memref<128x128xf32, #tpu.memory_space<vmem>>
    %dma_wait3A_161 = arith.constant 0 : i32
    %dma_wait3A_162 = tpu.memref_slice %arg5[%dma_wait3A_154, %dma_wait3A_161] : memref<10x128xi32, #tpu.memory_space<vmem>> -> memref<1x128xi32, #tpu.memory_space<vmem>>
    %dma_wait3A_163 = tpu.memref_squeeze %dma_wait3A_162 : memref<1x128xi32, #tpu.memory_space<vmem>> -> memref<128xi32, #tpu.memory_space<vmem>>
    %dma_wait3A_164 = arith.constant 0 : i32
    %dma_wait3A_165 = arith.constant 0 : i32
    %dma_wait3A_166 = tpu.memref_slice %arg2[%dma_wait3A_164, %dma_wait3A_165] : memref<8192x128xf32, #tpu.memory_space<hbm>> -> memref<8192x128xf32, #tpu.memory_space<hbm>>
    %dma_wait3A_167 = tpu.memref_slice %arg7[%dma_wait3A_156] : memref<4x!tpu.dma_semaphore, #tpu.memory_space<semaphore_mem>> -> memref<1x!tpu.dma_semaphore, #tpu.memory_space<semaphore_mem>>
    %dma_wait3A_168 = tpu.memref_squeeze %dma_wait3A_167 : memref<1x!tpu.dma_semaphore, #tpu.memory_space<semaphore_mem>> -> memref<!tpu.dma_semaphore, #tpu.memory_space<semaphore_mem>>
    tpu.wait_indirect_dma semaphore(%dma_wait3A_168 : memref<!tpu.dma_semaphore, #tpu.memory_space<semaphore_mem>>) src(%dma_wait3A_166 : memref<8192x128xf32, #tpu.memory_space<hbm>>) dst(%dma_wait3A_160 : memref<128x128xf32, #tpu.memory_space<vmem>>)
    %run_scoped3A_169 = arith.constant 3 : i32
    %run_scoped3A_170 = arith.constant 3 : i32
    "tpu.region"() ({
      %run_scoped3A_318 = tpu.sem_alloc : memref<!tpu.dma_semaphore, #tpu.memory_space<semaphore_mem>>
      %dma_start3A_319 = arith.constant 0 : i32
      %dma_start3A_320 = arith.constant 0 : i32
      %dma_start3A_321 = tpu.memref_slice %arg6[%run_scoped3A_169, %dma_start3A_319, %dma_start3A_320] : memref<4x128x128xf32, #tpu.memory_space<vmem>> -> memref<1x128x128xf32, #tpu.memory_space<vmem>>
      %dma_start3A_322 = tpu.memref_squeeze %dma_start3A_321 : memref<1x128x128xf32, #tpu.memory_space<vmem>> -> memref<128x128xf32, #tpu.memory_space<vmem>>
      %dma_start3A_323 = arith.constant 0 : i32
      %dma_start3A_324 = arith.constant 0 : i32
      %dma_start3A_325 = tpu.memref_slice %arg4[%add3A, %run_scoped3A_170, %dma_start3A_323, %dma_start3A_324] : memref<32x10x128x128xf32, #tpu.memory_space<hbm>> -> memref<1x1x128x128xf32, #tpu.memory_space<hbm>>
      %dma_start3A_326 = tpu.memref_squeeze %dma_start3A_325 : memref<1x1x128x128xf32, #tpu.memory_space<hbm>> -> memref<128x128xf32, #tpu.memory_space<hbm>>
      %dma_start3A_327 = arith.constant 0 : i32
      %dma_start3A_328 = arith.constant 0 : i32
      %dma_start3A_329 = tpu.memref_slice %arg4[%add3A, %run_scoped3A_170, %dma_start3A_327, %dma_start3A_328] : memref<32x10x128x128xf32, #tpu.memory_space<hbm>> -> memref<1x1x128x128xf32, #tpu.memory_space<hbm>>
      %dma_start3A_330 = tpu.memref_squeeze %dma_start3A_329 : memref<1x1x128x128xf32, #tpu.memory_space<hbm>> -> memref<128x128xf32, #tpu.memory_space<hbm>>
      %dma_start3A_331 = arith.constant 0 : i32
      %dma_start3A_332 = arith.constant 0 : i32
      %dma_start3A_333 = tpu.memref_slice %arg6[%run_scoped3A_169, %dma_start3A_331, %dma_start3A_332] : memref<4x128x128xf32, #tpu.memory_space<vmem>> -> memref<1x128x128xf32, #tpu.memory_space<vmem>>
      %dma_start3A_334 = tpu.memref_squeeze %dma_start3A_333 : memref<1x128x128xf32, #tpu.memory_space<vmem>> -> memref<128x128xf32, #tpu.memory_space<vmem>>
      tpu.enqueue_dma source(%dma_start3A_334 : memref<128x128xf32, #tpu.memory_space<vmem>>) target(%dma_start3A_330 : memref<128x128xf32, #tpu.memory_space<hbm>>) target_semaphore(%run_scoped3A_318 : memref<!tpu.dma_semaphore, #tpu.memory_space<semaphore_mem>>)
      %dma_wait3A_335 = arith.constant 0 : i32
      %dma_wait3A_336 = arith.constant 0 : i32
      %dma_wait3A_337 = tpu.memref_slice %arg6[%run_scoped3A_169, %dma_wait3A_335, %dma_wait3A_336] : memref<4x128x128xf32, #tpu.memory_space<vmem>> -> memref<1x128x128xf32, #tpu.memory_space<vmem>>
      %dma_wait3A_338 = tpu.memref_squeeze %dma_wait3A_337 : memref<1x128x128xf32, #tpu.memory_space<vmem>> -> memref<128x128xf32, #tpu.memory_space<vmem>>
      %dma_wait3A_339 = arith.constant 0 : i32
      %dma_wait3A_340 = arith.constant 0 : i32
      %dma_wait3A_341 = tpu.memref_slice %arg4[%add3A, %run_scoped3A_170, %dma_wait3A_339, %dma_wait3A_340] : memref<32x10x128x128xf32, #tpu.memory_space<hbm>> -> memref<1x1x128x128xf32, #tpu.memory_space<hbm>>
      %dma_wait3A_342 = tpu.memref_squeeze %dma_wait3A_341 : memref<1x1x128x128xf32, #tpu.memory_space<hbm>> -> memref<128x128xf32, #tpu.memory_space<hbm>>
      %dma_wait3A_343 = arith.constant 0 : i32
      %dma_wait3A_344 = arith.constant 0 : i32
      %dma_wait3A_345 = tpu.memref_slice %arg4[%add3A, %run_scoped3A_170, %dma_wait3A_343, %dma_wait3A_344] : memref<32x10x128x128xf32, #tpu.memory_space<hbm>> -> memref<1x1x128x128xf32, #tpu.memory_space<hbm>>
      %dma_wait3A_346 = tpu.memref_squeeze %dma_wait3A_345 : memref<1x1x128x128xf32, #tpu.memory_space<hbm>> -> memref<128x128xf32, #tpu.memory_space<hbm>>
      %dma_wait3A_347 = arith.constant 0 : i32
      %dma_wait3A_348 = arith.constant 0 : i32
      %dma_wait3A_349 = tpu.memref_slice %arg6[%run_scoped3A_169, %dma_wait3A_347, %dma_wait3A_348] : memref<4x128x128xf32, #tpu.memory_space<vmem>> -> memref<1x128x128xf32, #tpu.memory_space<vmem>>
      %dma_wait3A_350 = tpu.memref_squeeze %dma_wait3A_349 : memref<1x128x128xf32, #tpu.memory_space<vmem>> -> memref<128x128xf32, #tpu.memory_space<vmem>>
      tpu.wait_dma2 semaphore(%run_scoped3A_318 : memref<!tpu.dma_semaphore, #tpu.memory_space<semaphore_mem>>) src(%dma_wait3A_350 : memref<128x128xf32, #tpu.memory_space<vmem>>) dst(%dma_wait3A_346 : memref<128x128xf32, #tpu.memory_space<hbm>>)
      tpu.yield
    }) : () -> ()
    %dma_start3A_171 = arith.constant 7 : i32
    %dma_start3A_172 = arith.constant 3 : i32
    %dma_start3A_173 = arith.constant 3 : i32
    %dma_start3A_174 = arith.constant 0 : i32
    %dma_start3A_175 = arith.constant 0 : i32
    %dma_start3A_176 = tpu.memref_slice %arg6[%dma_start3A_172, %dma_start3A_174, %dma_start3A_175] : memref<4x128x128xf32, #tpu.memory_space<vmem>> -> memref<1x128x128xf32, #tpu.memory_space<vmem>>
    %dma_start3A_177 = tpu.memref_squeeze %dma_start3A_176 : memref<1x128x128xf32, #tpu.memory_space<vmem>> -> memref<128x128xf32, #tpu.memory_space<vmem>>
    %dma_start3A_178 = arith.constant 0 : i32
    %dma_start3A_179 = tpu.memref_slice %arg5[%dma_start3A_171, %dma_start3A_178] : memref<10x128xi32, #tpu.memory_space<vmem>> -> memref<1x128xi32, #tpu.memory_space<vmem>>
    %dma_start3A_180 = tpu.memref_squeeze %dma_start3A_179 : memref<1x128xi32, #tpu.memory_space<vmem>> -> memref<128xi32, #tpu.memory_space<vmem>>
    %dma_start3A_181 = arith.constant 0 : i32
    %dma_start3A_182 = arith.constant 0 : i32
    %dma_start3A_183 = tpu.memref_slice %arg2[%dma_start3A_181, %dma_start3A_182] : memref<8192x128xf32, #tpu.memory_space<hbm>> -> memref<8192x128xf32, #tpu.memory_space<hbm>>
    %dma_start3A_184 = tpu.memref_slice %arg7[%dma_start3A_173] : memref<4x!tpu.dma_semaphore, #tpu.memory_space<semaphore_mem>> -> memref<1x!tpu.dma_semaphore, #tpu.memory_space<semaphore_mem>>
    %dma_start3A_185 = tpu.memref_squeeze %dma_start3A_184 : memref<1x!tpu.dma_semaphore, #tpu.memory_space<semaphore_mem>> -> memref<!tpu.dma_semaphore, #tpu.memory_space<semaphore_mem>>
    tpu.enqueue_indirect_dma source(%dma_start3A_183 : memref<8192x128xf32, #tpu.memory_space<hbm>>) target(%dma_start3A_177 : memref<128x128xf32, #tpu.memory_space<vmem>>) offsets(%dma_start3A_180 : memref<128xi32, #tpu.memory_space<vmem>>) semaphore(%dma_start3A_185 : memref<!tpu.dma_semaphore, #tpu.memory_space<semaphore_mem>>)
    %dma_wait3A_186 = arith.constant 4 : i32
    %dma_wait3A_187 = arith.constant 0 : i32
    %dma_wait3A_188 = arith.constant 0 : i32
    %dma_wait3A_189 = arith.constant 0 : i32
    %dma_wait3A_190 = arith.constant 0 : i32
    %dma_wait3A_191 = tpu.memref_slice %arg6[%dma_wait3A_187, %dma_wait3A_189, %dma_wait3A_190] : memref<4x128x128xf32, #tpu.memory_space<vmem>> -> memref<1x128x128xf32, #tpu.memory_space<vmem>>
    %dma_wait3A_192 = tpu.memref_squeeze %dma_wait3A_191 : memref<1x128x128xf32, #tpu.memory_space<vmem>> -> memref<128x128xf32, #tpu.memory_space<vmem>>
    %dma_wait3A_193 = arith.constant 0 : i32
    %dma_wait3A_194 = tpu.memref_slice %arg5[%dma_wait3A_186, %dma_wait3A_193] : memref<10x128xi32, #tpu.memory_space<vmem>> -> memref<1x128xi32, #tpu.memory_space<vmem>>
    %dma_wait3A_195 = tpu.memref_squeeze %dma_wait3A_194 : memref<1x128xi32, #tpu.memory_space<vmem>> -> memref<128xi32, #tpu.memory_space<vmem>>
    %dma_wait3A_196 = arith.constant 0 : i32
    %dma_wait3A_197 = arith.constant 0 : i32
    %dma_wait3A_198 = tpu.memref_slice %arg2[%dma_wait3A_196, %dma_wait3A_197] : memref<8192x128xf32, #tpu.memory_space<hbm>> -> memref<8192x128xf32, #tpu.memory_space<hbm>>
    %dma_wait3A_199 = tpu.memref_slice %arg7[%dma_wait3A_188] : memref<4x!tpu.dma_semaphore, #tpu.memory_space<semaphore_mem>> -> memref<1x!tpu.dma_semaphore, #tpu.memory_space<semaphore_mem>>
    %dma_wait3A_200 = tpu.memref_squeeze %dma_wait3A_199 : memref<1x!tpu.dma_semaphore, #tpu.memory_space<semaphore_mem>> -> memref<!tpu.dma_semaphore, #tpu.memory_space<semaphore_mem>>
    tpu.wait_indirect_dma semaphore(%dma_wait3A_200 : memref<!tpu.dma_semaphore, #tpu.memory_space<semaphore_mem>>) src(%dma_wait3A_198 : memref<8192x128xf32, #tpu.memory_space<hbm>>) dst(%dma_wait3A_192 : memref<128x128xf32, #tpu.memory_space<vmem>>)
    %run_scoped3A_201 = arith.constant 0 : i32
    %run_scoped3A_202 = arith.constant 4 : i32
    "tpu.region"() ({
      %run_scoped3A_318 = tpu.sem_alloc : memref<!tpu.dma_semaphore, #tpu.memory_space<semaphore_mem>>
      %dma_start3A_319 = arith.constant 0 : i32
      %dma_start3A_320 = arith.constant 0 : i32
      %dma_start3A_321 = tpu.memref_slice %arg6[%run_scoped3A_201, %dma_start3A_319, %dma_start3A_320] : memref<4x128x128xf32, #tpu.memory_space<vmem>> -> memref<1x128x128xf32, #tpu.memory_space<vmem>>
      %dma_start3A_322 = tpu.memref_squeeze %dma_start3A_321 : memref<1x128x128xf32, #tpu.memory_space<vmem>> -> memref<128x128xf32, #tpu.memory_space<vmem>>
      %dma_start3A_323 = arith.constant 0 : i32
      %dma_start3A_324 = arith.constant 0 : i32
      %dma_start3A_325 = tpu.memref_slice %arg4[%add3A, %run_scoped3A_202, %dma_start3A_323, %dma_start3A_324] : memref<32x10x128x128xf32, #tpu.memory_space<hbm>> -> memref<1x1x128x128xf32, #tpu.memory_space<hbm>>
      %dma_start3A_326 = tpu.memref_squeeze %dma_start3A_325 : memref<1x1x128x128xf32, #tpu.memory_space<hbm>> -> memref<128x128xf32, #tpu.memory_space<hbm>>
      %dma_start3A_327 = arith.constant 0 : i32
      %dma_start3A_328 = arith.constant 0 : i32
      %dma_start3A_329 = tpu.memref_slice %arg4[%add3A, %run_scoped3A_202, %dma_start3A_327, %dma_start3A_328] : memref<32x10x128x128xf32, #tpu.memory_space<hbm>> -> memref<1x1x128x128xf32, #tpu.memory_space<hbm>>
      %dma_start3A_330 = tpu.memref_squeeze %dma_start3A_329 : memref<1x1x128x128xf32, #tpu.memory_space<hbm>> -> memref<128x128xf32, #tpu.memory_space<hbm>>
      %dma_start3A_331 = arith.constant 0 : i32
      %dma_start3A_332 = arith.constant 0 : i32
      %dma_start3A_333 = tpu.memref_slice %arg6[%run_scoped3A_201, %dma_start3A_331, %dma_start3A_332] : memref<4x128x128xf32, #tpu.memory_space<vmem>> -> memref<1x128x128xf32, #tpu.memory_space<vmem>>
      %dma_start3A_334 = tpu.memref_squeeze %dma_start3A_333 : memref<1x128x128xf32, #tpu.memory_space<vmem>> -> memref<128x128xf32, #tpu.memory_space<vmem>>
      tpu.enqueue_dma source(%dma_start3A_334 : memref<128x128xf32, #tpu.memory_space<vmem>>) target(%dma_start3A_330 : memref<128x128xf32, #tpu.memory_space<hbm>>) target_semaphore(%run_scoped3A_318 : memref<!tpu.dma_semaphore, #tpu.memory_space<semaphore_mem>>)
      %dma_wait3A_335 = arith.constant 0 : i32
      %dma_wait3A_336 = arith.constant 0 : i32
      %dma_wait3A_337 = tpu.memref_slice %arg6[%run_scoped3A_201, %dma_wait3A_335, %dma_wait3A_336] : memref<4x128x128xf32, #tpu.memory_space<vmem>> -> memref<1x128x128xf32, #tpu.memory_space<vmem>>
      %dma_wait3A_338 = tpu.memref_squeeze %dma_wait3A_337 : memref<1x128x128xf32, #tpu.memory_space<vmem>> -> memref<128x128xf32, #tpu.memory_space<vmem>>
      %dma_wait3A_339 = arith.constant 0 : i32
      %dma_wait3A_340 = arith.constant 0 : i32
      %dma_wait3A_341 = tpu.memref_slice %arg4[%add3A, %run_scoped3A_202, %dma_wait3A_339, %dma_wait3A_340] : memref<32x10x128x128xf32, #tpu.memory_space<hbm>> -> memref<1x1x128x128xf32, #tpu.memory_space<hbm>>
      %dma_wait3A_342 = tpu.memref_squeeze %dma_wait3A_341 : memref<1x1x128x128xf32, #tpu.memory_space<hbm>> -> memref<128x128xf32, #tpu.memory_space<hbm>>
      %dma_wait3A_343 = arith.constant 0 : i32
      %dma_wait3A_344 = arith.constant 0 : i32
      %dma_wait3A_345 = tpu.memref_slice %arg4[%add3A, %run_scoped3A_202, %dma_wait3A_343, %dma_wait3A_344] : memref<32x10x128x128xf32, #tpu.memory_space<hbm>> -> memref<1x1x128x128xf32, #tpu.memory_space<hbm>>
      %dma_wait3A_346 = tpu.memref_squeeze %dma_wait3A_345 : memref<1x1x128x128xf32, #tpu.memory_space<hbm>> -> memref<128x128xf32, #tpu.memory_space<hbm>>
      %dma_wait3A_347 = arith.constant 0 : i32
      %dma_wait3A_348 = arith.constant 0 : i32
      %dma_wait3A_349 = tpu.memref_slice %arg6[%run_scoped3A_201, %dma_wait3A_347, %dma_wait3A_348] : memref<4x128x128xf32, #tpu.memory_space<vmem>> -> memref<1x128x128xf32, #tpu.memory_space<vmem>>
      %dma_wait3A_350 = tpu.memref_squeeze %dma_wait3A_349 : memref<1x128x128xf32, #tpu.memory_space<vmem>> -> memref<128x128xf32, #tpu.memory_space<vmem>>
      tpu.wait_dma2 semaphore(%run_scoped3A_318 : memref<!tpu.dma_semaphore, #tpu.memory_space<semaphore_mem>>) src(%dma_wait3A_350 : memref<128x128xf32, #tpu.memory_space<vmem>>) dst(%dma_wait3A_346 : memref<128x128xf32, #tpu.memory_space<hbm>>)
      tpu.yield
    }) : () -> ()
    %dma_start3A_203 = arith.constant 8 : i32
    %dma_start3A_204 = arith.constant 0 : i32
    %dma_start3A_205 = arith.constant 0 : i32
    %dma_start3A_206 = arith.constant 0 : i32
    %dma_start3A_207 = arith.constant 0 : i32
    %dma_start3A_208 = tpu.memref_slice %arg6[%dma_start3A_204, %dma_start3A_206, %dma_start3A_207] : memref<4x128x128xf32, #tpu.memory_space<vmem>> -> memref<1x128x128xf32, #tpu.memory_space<vmem>>
    %dma_start3A_209 = tpu.memref_squeeze %dma_start3A_208 : memref<1x128x128xf32, #tpu.memory_space<vmem>> -> memref<128x128xf32, #tpu.memory_space<vmem>>
    %dma_start3A_210 = arith.constant 0 : i32
    %dma_start3A_211 = tpu.memref_slice %arg5[%dma_start3A_203, %dma_start3A_210] : memref<10x128xi32, #tpu.memory_space<vmem>> -> memref<1x128xi32, #tpu.memory_space<vmem>>
    %dma_start3A_212 = tpu.memref_squeeze %dma_start3A_211 : memref<1x128xi32, #tpu.memory_space<vmem>> -> memref<128xi32, #tpu.memory_space<vmem>>
    %dma_start3A_213 = arith.constant 0 : i32
    %dma_start3A_214 = arith.constant 0 : i32
    %dma_start3A_215 = tpu.memref_slice %arg2[%dma_start3A_213, %dma_start3A_214] : memref<8192x128xf32, #tpu.memory_space<hbm>> -> memref<8192x128xf32, #tpu.memory_space<hbm>>
    %dma_start3A_216 = tpu.memref_slice %arg7[%dma_start3A_205] : memref<4x!tpu.dma_semaphore, #tpu.memory_space<semaphore_mem>> -> memref<1x!tpu.dma_semaphore, #tpu.memory_space<semaphore_mem>>
    %dma_start3A_217 = tpu.memref_squeeze %dma_start3A_216 : memref<1x!tpu.dma_semaphore, #tpu.memory_space<semaphore_mem>> -> memref<!tpu.dma_semaphore, #tpu.memory_space<semaphore_mem>>
    tpu.enqueue_indirect_dma source(%dma_start3A_215 : memref<8192x128xf32, #tpu.memory_space<hbm>>) target(%dma_start3A_209 : memref<128x128xf32, #tpu.memory_space<vmem>>) offsets(%dma_start3A_212 : memref<128xi32, #tpu.memory_space<vmem>>) semaphore(%dma_start3A_217 : memref<!tpu.dma_semaphore, #tpu.memory_space<semaphore_mem>>)
    %dma_wait3A_218 = arith.constant 5 : i32
    %dma_wait3A_219 = arith.constant 1 : i32
    %dma_wait3A_220 = arith.constant 1 : i32
    %dma_wait3A_221 = arith.constant 0 : i32
    %dma_wait3A_222 = arith.constant 0 : i32
    %dma_wait3A_223 = tpu.memref_slice %arg6[%dma_wait3A_219, %dma_wait3A_221, %dma_wait3A_222] : memref<4x128x128xf32, #tpu.memory_space<vmem>> -> memref<1x128x128xf32, #tpu.memory_space<vmem>>
    %dma_wait3A_224 = tpu.memref_squeeze %dma_wait3A_223 : memref<1x128x128xf32, #tpu.memory_space<vmem>> -> memref<128x128xf32, #tpu.memory_space<vmem>>
    %dma_wait3A_225 = arith.constant 0 : i32
    %dma_wait3A_226 = tpu.memref_slice %arg5[%dma_wait3A_218, %dma_wait3A_225] : memref<10x128xi32, #tpu.memory_space<vmem>> -> memref<1x128xi32, #tpu.memory_space<vmem>>
    %dma_wait3A_227 = tpu.memref_squeeze %dma_wait3A_226 : memref<1x128xi32, #tpu.memory_space<vmem>> -> memref<128xi32, #tpu.memory_space<vmem>>
    %dma_wait3A_228 = arith.constant 0 : i32
    %dma_wait3A_229 = arith.constant 0 : i32
    %dma_wait3A_230 = tpu.memref_slice %arg2[%dma_wait3A_228, %dma_wait3A_229] : memref<8192x128xf32, #tpu.memory_space<hbm>> -> memref<8192x128xf32, #tpu.memory_space<hbm>>
    %dma_wait3A_231 = tpu.memref_slice %arg7[%dma_wait3A_220] : memref<4x!tpu.dma_semaphore, #tpu.memory_space<semaphore_mem>> -> memref<1x!tpu.dma_semaphore, #tpu.memory_space<semaphore_mem>>
    %dma_wait3A_232 = tpu.memref_squeeze %dma_wait3A_231 : memref<1x!tpu.dma_semaphore, #tpu.memory_space<semaphore_mem>> -> memref<!tpu.dma_semaphore, #tpu.memory_space<semaphore_mem>>
    tpu.wait_indirect_dma semaphore(%dma_wait3A_232 : memref<!tpu.dma_semaphore, #tpu.memory_space<semaphore_mem>>) src(%dma_wait3A_230 : memref<8192x128xf32, #tpu.memory_space<hbm>>) dst(%dma_wait3A_224 : memref<128x128xf32, #tpu.memory_space<vmem>>)
    %run_scoped3A_233 = arith.constant 1 : i32
    %run_scoped3A_234 = arith.constant 5 : i32
    "tpu.region"() ({
      %run_scoped3A_318 = tpu.sem_alloc : memref<!tpu.dma_semaphore, #tpu.memory_space<semaphore_mem>>
      %dma_start3A_319 = arith.constant 0 : i32
      %dma_start3A_320 = arith.constant 0 : i32
      %dma_start3A_321 = tpu.memref_slice %arg6[%run_scoped3A_233, %dma_start3A_319, %dma_start3A_320] : memref<4x128x128xf32, #tpu.memory_space<vmem>> -> memref<1x128x128xf32, #tpu.memory_space<vmem>>
      %dma_start3A_322 = tpu.memref_squeeze %dma_start3A_321 : memref<1x128x128xf32, #tpu.memory_space<vmem>> -> memref<128x128xf32, #tpu.memory_space<vmem>>
      %dma_start3A_323 = arith.constant 0 : i32
      %dma_start3A_324 = arith.constant 0 : i32
      %dma_start3A_325 = tpu.memref_slice %arg4[%add3A, %run_scoped3A_234, %dma_start3A_323, %dma_start3A_324] : memref<32x10x128x128xf32, #tpu.memory_space<hbm>> -> memref<1x1x128x128xf32, #tpu.memory_space<hbm>>
      %dma_start3A_326 = tpu.memref_squeeze %dma_start3A_325 : memref<1x1x128x128xf32, #tpu.memory_space<hbm>> -> memref<128x128xf32, #tpu.memory_space<hbm>>
      %dma_start3A_327 = arith.constant 0 : i32
      %dma_start3A_328 = arith.constant 0 : i32
      %dma_start3A_329 = tpu.memref_slice %arg4[%add3A, %run_scoped3A_234, %dma_start3A_327, %dma_start3A_328] : memref<32x10x128x128xf32, #tpu.memory_space<hbm>> -> memref<1x1x128x128xf32, #tpu.memory_space<hbm>>
      %dma_start3A_330 = tpu.memref_squeeze %dma_start3A_329 : memref<1x1x128x128xf32, #tpu.memory_space<hbm>> -> memref<128x128xf32, #tpu.memory_space<hbm>>
      %dma_start3A_331 = arith.constant 0 : i32
      %dma_start3A_332 = arith.constant 0 : i32
      %dma_start3A_333 = tpu.memref_slice %arg6[%run_scoped3A_233, %dma_start3A_331, %dma_start3A_332] : memref<4x128x128xf32, #tpu.memory_space<vmem>> -> memref<1x128x128xf32, #tpu.memory_space<vmem>>
      %dma_start3A_334 = tpu.memref_squeeze %dma_start3A_333 : memref<1x128x128xf32, #tpu.memory_space<vmem>> -> memref<128x128xf32, #tpu.memory_space<vmem>>
      tpu.enqueue_dma source(%dma_start3A_334 : memref<128x128xf32, #tpu.memory_space<vmem>>) target(%dma_start3A_330 : memref<128x128xf32, #tpu.memory_space<hbm>>) target_semaphore(%run_scoped3A_318 : memref<!tpu.dma_semaphore, #tpu.memory_space<semaphore_mem>>)
      %dma_wait3A_335 = arith.constant 0 : i32
      %dma_wait3A_336 = arith.constant 0 : i32
      %dma_wait3A_337 = tpu.memref_slice %arg6[%run_scoped3A_233, %dma_wait3A_335, %dma_wait3A_336] : memref<4x128x128xf32, #tpu.memory_space<vmem>> -> memref<1x128x128xf32, #tpu.memory_space<vmem>>
      %dma_wait3A_338 = tpu.memref_squeeze %dma_wait3A_337 : memref<1x128x128xf32, #tpu.memory_space<vmem>> -> memref<128x128xf32, #tpu.memory_space<vmem>>
      %dma_wait3A_339 = arith.constant 0 : i32
      %dma_wait3A_340 = arith.constant 0 : i32
      %dma_wait3A_341 = tpu.memref_slice %arg4[%add3A, %run_scoped3A_234, %dma_wait3A_339, %dma_wait3A_340] : memref<32x10x128x128xf32, #tpu.memory_space<hbm>> -> memref<1x1x128x128xf32, #tpu.memory_space<hbm>>
      %dma_wait3A_342 = tpu.memref_squeeze %dma_wait3A_341 : memref<1x1x128x128xf32, #tpu.memory_space<hbm>> -> memref<128x128xf32, #tpu.memory_space<hbm>>
      %dma_wait3A_343 = arith.constant 0 : i32
      %dma_wait3A_344 = arith.constant 0 : i32
      %dma_wait3A_345 = tpu.memref_slice %arg4[%add3A, %run_scoped3A_234, %dma_wait3A_343, %dma_wait3A_344] : memref<32x10x128x128xf32, #tpu.memory_space<hbm>> -> memref<1x1x128x128xf32, #tpu.memory_space<hbm>>
      %dma_wait3A_346 = tpu.memref_squeeze %dma_wait3A_345 : memref<1x1x128x128xf32, #tpu.memory_space<hbm>> -> memref<128x128xf32, #tpu.memory_space<hbm>>
      %dma_wait3A_347 = arith.constant 0 : i32
      %dma_wait3A_348 = arith.constant 0 : i32
      %dma_wait3A_349 = tpu.memref_slice %arg6[%run_scoped3A_233, %dma_wait3A_347, %dma_wait3A_348] : memref<4x128x128xf32, #tpu.memory_space<vmem>> -> memref<1x128x128xf32, #tpu.memory_space<vmem>>
      %dma_wait3A_350 = tpu.memref_squeeze %dma_wait3A_349 : memref<1x128x128xf32, #tpu.memory_space<vmem>> -> memref<128x128xf32, #tpu.memory_space<vmem>>
      tpu.wait_dma2 semaphore(%run_scoped3A_318 : memref<!tpu.dma_semaphore, #tpu.memory_space<semaphore_mem>>) src(%dma_wait3A_350 : memref<128x128xf32, #tpu.memory_space<vmem>>) dst(%dma_wait3A_346 : memref<128x128xf32, #tpu.memory_space<hbm>>)
      tpu.yield
    }) : () -> ()
    %dma_start3A_235 = arith.constant 9 : i32
    %dma_start3A_236 = arith.constant 1 : i32
    %dma_start3A_237 = arith.constant 1 : i32
    %dma_start3A_238 = arith.constant 0 : i32
    %dma_start3A_239 = arith.constant 0 : i32
    %dma_start3A_240 = tpu.memref_slice %arg6[%dma_start3A_236, %dma_start3A_238, %dma_start3A_239] : memref<4x128x128xf32, #tpu.memory_space<vmem>> -> memref<1x128x128xf32, #tpu.memory_space<vmem>>
    %dma_start3A_241 = tpu.memref_squeeze %dma_start3A_240 : memref<1x128x128xf32, #tpu.memory_space<vmem>> -> memref<128x128xf32, #tpu.memory_space<vmem>>
    %dma_start3A_242 = arith.constant 0 : i32
    %dma_start3A_243 = tpu.memref_slice %arg5[%dma_start3A_235, %dma_start3A_242] : memref<10x128xi32, #tpu.memory_space<vmem>> -> memref<1x128xi32, #tpu.memory_space<vmem>>
    %dma_start3A_244 = tpu.memref_squeeze %dma_start3A_243 : memref<1x128xi32, #tpu.memory_space<vmem>> -> memref<128xi32, #tpu.memory_space<vmem>>
    %dma_start3A_245 = arith.constant 0 : i32
    %dma_start3A_246 = arith.constant 0 : i32
    %dma_start3A_247 = tpu.memref_slice %arg2[%dma_start3A_245, %dma_start3A_246] : memref<8192x128xf32, #tpu.memory_space<hbm>> -> memref<8192x128xf32, #tpu.memory_space<hbm>>
    %dma_start3A_248 = tpu.memref_slice %arg7[%dma_start3A_237] : memref<4x!tpu.dma_semaphore, #tpu.memory_space<semaphore_mem>> -> memref<1x!tpu.dma_semaphore, #tpu.memory_space<semaphore_mem>>
    %dma_start3A_249 = tpu.memref_squeeze %dma_start3A_248 : memref<1x!tpu.dma_semaphore, #tpu.memory_space<semaphore_mem>> -> memref<!tpu.dma_semaphore, #tpu.memory_space<semaphore_mem>>
    tpu.enqueue_indirect_dma source(%dma_start3A_247 : memref<8192x128xf32, #tpu.memory_space<hbm>>) target(%dma_start3A_241 : memref<128x128xf32, #tpu.memory_space<vmem>>) offsets(%dma_start3A_244 : memref<128xi32, #tpu.memory_space<vmem>>) semaphore(%dma_start3A_249 : memref<!tpu.dma_semaphore, #tpu.memory_space<semaphore_mem>>)
    %dma_wait3A_250 = arith.constant 6 : i32
    %dma_wait3A_251 = arith.constant 2 : i32
    %dma_wait3A_252 = arith.constant 2 : i32
    %dma_wait3A_253 = arith.constant 0 : i32
    %dma_wait3A_254 = arith.constant 0 : i32
    %dma_wait3A_255 = tpu.memref_slice %arg6[%dma_wait3A_251, %dma_wait3A_253, %dma_wait3A_254] : memref<4x128x128xf32, #tpu.memory_space<vmem>> -> memref<1x128x128xf32, #tpu.memory_space<vmem>>
    %dma_wait3A_256 = tpu.memref_squeeze %dma_wait3A_255 : memref<1x128x128xf32, #tpu.memory_space<vmem>> -> memref<128x128xf32, #tpu.memory_space<vmem>>
    %dma_wait3A_257 = arith.constant 0 : i32
    %dma_wait3A_258 = tpu.memref_slice %arg5[%dma_wait3A_250, %dma_wait3A_257] : memref<10x128xi32, #tpu.memory_space<vmem>> -> memref<1x128xi32, #tpu.memory_space<vmem>>
    %dma_wait3A_259 = tpu.memref_squeeze %dma_wait3A_258 : memref<1x128xi32, #tpu.memory_space<vmem>> -> memref<128xi32, #tpu.memory_space<vmem>>
    %dma_wait3A_260 = arith.constant 0 : i32
    %dma_wait3A_261 = arith.constant 0 : i32
    %dma_wait3A_262 = tpu.memref_slice %arg2[%dma_wait3A_260, %dma_wait3A_261] : memref<8192x128xf32, #tpu.memory_space<hbm>> -> memref<8192x128xf32, #tpu.memory_space<hbm>>
    %dma_wait3A_263 = tpu.memref_slice %arg7[%dma_wait3A_252] : memref<4x!tpu.dma_semaphore, #tpu.memory_space<semaphore_mem>> -> memref<1x!tpu.dma_semaphore, #tpu.memory_space<semaphore_mem>>
    %dma_wait3A_264 = tpu.memref_squeeze %dma_wait3A_263 : memref<1x!tpu.dma_semaphore, #tpu.memory_space<semaphore_mem>> -> memref<!tpu.dma_semaphore, #tpu.memory_space<semaphore_mem>>
    tpu.wait_indirect_dma semaphore(%dma_wait3A_264 : memref<!tpu.dma_semaphore, #tpu.memory_space<semaphore_mem>>) src(%dma_wait3A_262 : memref<8192x128xf32, #tpu.memory_space<hbm>>) dst(%dma_wait3A_256 : memref<128x128xf32, #tpu.memory_space<vmem>>)
    %run_scoped3A_265 = arith.constant 2 : i32
    %run_scoped3A_266 = arith.constant 6 : i32
    "tpu.region"() ({
      %run_scoped3A_318 = tpu.sem_alloc : memref<!tpu.dma_semaphore, #tpu.memory_space<semaphore_mem>>
      %dma_start3A_319 = arith.constant 0 : i32
      %dma_start3A_320 = arith.constant 0 : i32
      %dma_start3A_321 = tpu.memref_slice %arg6[%run_scoped3A_265, %dma_start3A_319, %dma_start3A_320] : memref<4x128x128xf32, #tpu.memory_space<vmem>> -> memref<1x128x128xf32, #tpu.memory_space<vmem>>
      %dma_start3A_322 = tpu.memref_squeeze %dma_start3A_321 : memref<1x128x128xf32, #tpu.memory_space<vmem>> -> memref<128x128xf32, #tpu.memory_space<vmem>>
      %dma_start3A_323 = arith.constant 0 : i32
      %dma_start3A_324 = arith.constant 0 : i32
      %dma_start3A_325 = tpu.memref_slice %arg4[%add3A, %run_scoped3A_266, %dma_start3A_323, %dma_start3A_324] : memref<32x10x128x128xf32, #tpu.memory_space<hbm>> -> memref<1x1x128x128xf32, #tpu.memory_space<hbm>>
      %dma_start3A_326 = tpu.memref_squeeze %dma_start3A_325 : memref<1x1x128x128xf32, #tpu.memory_space<hbm>> -> memref<128x128xf32, #tpu.memory_space<hbm>>
      %dma_start3A_327 = arith.constant 0 : i32
      %dma_start3A_328 = arith.constant 0 : i32
      %dma_start3A_329 = tpu.memref_slice %arg4[%add3A, %run_scoped3A_266, %dma_start3A_327, %dma_start3A_328] : memref<32x10x128x128xf32, #tpu.memory_space<hbm>> -> memref<1x1x128x128xf32, #tpu.memory_space<hbm>>
      %dma_start3A_330 = tpu.memref_squeeze %dma_start3A_329 : memref<1x1x128x128xf32, #tpu.memory_space<hbm>> -> memref<128x128xf32, #tpu.memory_space<hbm>>
      %dma_start3A_331 = arith.constant 0 : i32
      %dma_start3A_332 = arith.constant 0 : i32
      %dma_start3A_333 = tpu.memref_slice %arg6[%run_scoped3A_265, %dma_start3A_331, %dma_start3A_332] : memref<4x128x128xf32, #tpu.memory_space<vmem>> -> memref<1x128x128xf32, #tpu.memory_space<vmem>>
      %dma_start3A_334 = tpu.memref_squeeze %dma_start3A_333 : memref<1x128x128xf32, #tpu.memory_space<vmem>> -> memref<128x128xf32, #tpu.memory_space<vmem>>
      tpu.enqueue_dma source(%dma_start3A_334 : memref<128x128xf32, #tpu.memory_space<vmem>>) target(%dma_start3A_330 : memref<128x128xf32, #tpu.memory_space<hbm>>) target_semaphore(%run_scoped3A_318 : memref<!tpu.dma_semaphore, #tpu.memory_space<semaphore_mem>>)
      %dma_wait3A_335 = arith.constant 0 : i32
      %dma_wait3A_336 = arith.constant 0 : i32
      %dma_wait3A_337 = tpu.memref_slice %arg6[%run_scoped3A_265, %dma_wait3A_335, %dma_wait3A_336] : memref<4x128x128xf32, #tpu.memory_space<vmem>> -> memref<1x128x128xf32, #tpu.memory_space<vmem>>
      %dma_wait3A_338 = tpu.memref_squeeze %dma_wait3A_337 : memref<1x128x128xf32, #tpu.memory_space<vmem>> -> memref<128x128xf32, #tpu.memory_space<vmem>>
      %dma_wait3A_339 = arith.constant 0 : i32
      %dma_wait3A_340 = arith.constant 0 : i32
      %dma_wait3A_341 = tpu.memref_slice %arg4[%add3A, %run_scoped3A_266, %dma_wait3A_339, %dma_wait3A_340] : memref<32x10x128x128xf32, #tpu.memory_space<hbm>> -> memref<1x1x128x128xf32, #tpu.memory_space<hbm>>
      %dma_wait3A_342 = tpu.memref_squeeze %dma_wait3A_341 : memref<1x1x128x128xf32, #tpu.memory_space<hbm>> -> memref<128x128xf32, #tpu.memory_space<hbm>>
      %dma_wait3A_343 = arith.constant 0 : i32
      %dma_wait3A_344 = arith.constant 0 : i32
      %dma_wait3A_345 = tpu.memref_slice %arg4[%add3A, %run_scoped3A_266, %dma_wait3A_343, %dma_wait3A_344] : memref<32x10x128x128xf32, #tpu.memory_space<hbm>> -> memref<1x1x128x128xf32, #tpu.memory_space<hbm>>
      %dma_wait3A_346 = tpu.memref_squeeze %dma_wait3A_345 : memref<1x1x128x128xf32, #tpu.memory_space<hbm>> -> memref<128x128xf32, #tpu.memory_space<hbm>>
      %dma_wait3A_347 = arith.constant 0 : i32
      %dma_wait3A_348 = arith.constant 0 : i32
      %dma_wait3A_349 = tpu.memref_slice %arg6[%run_scoped3A_265, %dma_wait3A_347, %dma_wait3A_348] : memref<4x128x128xf32, #tpu.memory_space<vmem>> -> memref<1x128x128xf32, #tpu.memory_space<vmem>>
      %dma_wait3A_350 = tpu.memref_squeeze %dma_wait3A_349 : memref<1x128x128xf32, #tpu.memory_space<vmem>> -> memref<128x128xf32, #tpu.memory_space<vmem>>
      tpu.wait_dma2 semaphore(%run_scoped3A_318 : memref<!tpu.dma_semaphore, #tpu.memory_space<semaphore_mem>>) src(%dma_wait3A_350 : memref<128x128xf32, #tpu.memory_space<vmem>>) dst(%dma_wait3A_346 : memref<128x128xf32, #tpu.memory_space<hbm>>)
      tpu.yield
    }) : () -> ()
    %dma_wait3A_267 = arith.constant 7 : i32
    %dma_wait3A_268 = arith.constant 3 : i32
    %dma_wait3A_269 = arith.constant 3 : i32
    %dma_wait3A_270 = arith.constant 0 : i32
    %dma_wait3A_271 = arith.constant 0 : i32
    %dma_wait3A_272 = tpu.memref_slice %arg6[%dma_wait3A_268, %dma_wait3A_270, %dma_wait3A_271] : memref<4x128x128xf32, #tpu.memory_space<vmem>> -> memref<1x128x128xf32, #tpu.memory_space<vmem>>
    %dma_wait3A_273 = tpu.memref_squeeze %dma_wait3A_272 : memref<1x128x128xf32, #tpu.memory_space<vmem>> -> memref<128x128xf32, #tpu.memory_space<vmem>>
    %dma_wait3A_274 = arith.constant 0 : i32
    %dma_wait3A_275 = tpu.memref_slice %arg5[%dma_wait3A_267, %dma_wait3A_274] : memref<10x128xi32, #tpu.memory_space<vmem>> -> memref<1x128xi32, #tpu.memory_space<vmem>>
    %dma_wait3A_276 = tpu.memref_squeeze %dma_wait3A_275 : memref<1x128xi32, #tpu.memory_space<vmem>> -> memref<128xi32, #tpu.memory_space<vmem>>
    %dma_wait3A_277 = arith.constant 0 : i32
    %dma_wait3A_278 = arith.constant 0 : i32
    %dma_wait3A_279 = tpu.memref_slice %arg2[%dma_wait3A_277, %dma_wait3A_278] : memref<8192x128xf32, #tpu.memory_space<hbm>> -> memref<8192x128xf32, #tpu.memory_space<hbm>>
    %dma_wait3A_280 = tpu.memref_slice %arg7[%dma_wait3A_269] : memref<4x!tpu.dma_semaphore, #tpu.memory_space<semaphore_mem>> -> memref<1x!tpu.dma_semaphore, #tpu.memory_space<semaphore_mem>>
    %dma_wait3A_281 = tpu.memref_squeeze %dma_wait3A_280 : memref<1x!tpu.dma_semaphore, #tpu.memory_space<semaphore_mem>> -> memref<!tpu.dma_semaphore, #tpu.memory_space<semaphore_mem>>
    tpu.wait_indirect_dma semaphore(%dma_wait3A_281 : memref<!tpu.dma_semaphore, #tpu.memory_space<semaphore_mem>>) src(%dma_wait3A_279 : memref<8192x128xf32, #tpu.memory_space<hbm>>) dst(%dma_wait3A_273 : memref<128x128xf32, #tpu.memory_space<vmem>>)
    %run_scoped3A_282 = arith.constant 3 : i32
    %run_scoped3A_283 = arith.constant 7 : i32
    "tpu.region"() ({
      %run_scoped3A_318 = tpu.sem_alloc : memref<!tpu.dma_semaphore, #tpu.memory_space<semaphore_mem>>
      %dma_start3A_319 = arith.constant 0 : i32
      %dma_start3A_320 = arith.constant 0 : i32
      %dma_start3A_321 = tpu.memref_slice %arg6[%run_scoped3A_282, %dma_start3A_319, %dma_start3A_320] : memref<4x128x128xf32, #tpu.memory_space<vmem>> -> memref<1x128x128xf32, #tpu.memory_space<vmem>>
      %dma_start3A_322 = tpu.memref_squeeze %dma_start3A_321 : memref<1x128x128xf32, #tpu.memory_space<vmem>> -> memref<128x128xf32, #tpu.memory_space<vmem>>
      %dma_start3A_323 = arith.constant 0 : i32
      %dma_start3A_324 = arith.constant 0 : i32
      %dma_start3A_325 = tpu.memref_slice %arg4[%add3A, %run_scoped3A_283, %dma_start3A_323, %dma_start3A_324] : memref<32x10x128x128xf32, #tpu.memory_space<hbm>> -> memref<1x1x128x128xf32, #tpu.memory_space<hbm>>
      %dma_start3A_326 = tpu.memref_squeeze %dma_start3A_325 : memref<1x1x128x128xf32, #tpu.memory_space<hbm>> -> memref<128x128xf32, #tpu.memory_space<hbm>>
      %dma_start3A_327 = arith.constant 0 : i32
      %dma_start3A_328 = arith.constant 0 : i32
      %dma_start3A_329 = tpu.memref_slice %arg4[%add3A, %run_scoped3A_283, %dma_start3A_327, %dma_start3A_328] : memref<32x10x128x128xf32, #tpu.memory_space<hbm>> -> memref<1x1x128x128xf32, #tpu.memory_space<hbm>>
      %dma_start3A_330 = tpu.memref_squeeze %dma_start3A_329 : memref<1x1x128x128xf32, #tpu.memory_space<hbm>> -> memref<128x128xf32, #tpu.memory_space<hbm>>
      %dma_start3A_331 = arith.constant 0 : i32
      %dma_start3A_332 = arith.constant 0 : i32
      %dma_start3A_333 = tpu.memref_slice %arg6[%run_scoped3A_282, %dma_start3A_331, %dma_start3A_332] : memref<4x128x128xf32, #tpu.memory_space<vmem>> -> memref<1x128x128xf32, #tpu.memory_space<vmem>>
      %dma_start3A_334 = tpu.memref_squeeze %dma_start3A_333 : memref<1x128x128xf32, #tpu.memory_space<vmem>> -> memref<128x128xf32, #tpu.memory_space<vmem>>
      tpu.enqueue_dma source(%dma_start3A_334 : memref<128x128xf32, #tpu.memory_space<vmem>>) target(%dma_start3A_330 : memref<128x128xf32, #tpu.memory_space<hbm>>) target_semaphore(%run_scoped3A_318 : memref<!tpu.dma_semaphore, #tpu.memory_space<semaphore_mem>>)
      %dma_wait3A_335 = arith.constant 0 : i32
      %dma_wait3A_336 = arith.constant 0 : i32
      %dma_wait3A_337 = tpu.memref_slice %arg6[%run_scoped3A_282, %dma_wait3A_335, %dma_wait3A_336] : memref<4x128x128xf32, #tpu.memory_space<vmem>> -> memref<1x128x128xf32, #tpu.memory_space<vmem>>
      %dma_wait3A_338 = tpu.memref_squeeze %dma_wait3A_337 : memref<1x128x128xf32, #tpu.memory_space<vmem>> -> memref<128x128xf32, #tpu.memory_space<vmem>>
      %dma_wait3A_339 = arith.constant 0 : i32
      %dma_wait3A_340 = arith.constant 0 : i32
      %dma_wait3A_341 = tpu.memref_slice %arg4[%add3A, %run_scoped3A_283, %dma_wait3A_339, %dma_wait3A_340] : memref<32x10x128x128xf32, #tpu.memory_space<hbm>> -> memref<1x1x128x128xf32, #tpu.memory_space<hbm>>
      %dma_wait3A_342 = tpu.memref_squeeze %dma_wait3A_341 : memref<1x1x128x128xf32, #tpu.memory_space<hbm>> -> memref<128x128xf32, #tpu.memory_space<hbm>>
      %dma_wait3A_343 = arith.constant 0 : i32
      %dma_wait3A_344 = arith.constant 0 : i32
      %dma_wait3A_345 = tpu.memref_slice %arg4[%add3A, %run_scoped3A_283, %dma_wait3A_343, %dma_wait3A_344] : memref<32x10x128x128xf32, #tpu.memory_space<hbm>> -> memref<1x1x128x128xf32, #tpu.memory_space<hbm>>
      %dma_wait3A_346 = tpu.memref_squeeze %dma_wait3A_345 : memref<1x1x128x128xf32, #tpu.memory_space<hbm>> -> memref<128x128xf32, #tpu.memory_space<hbm>>
      %dma_wait3A_347 = arith.constant 0 : i32
      %dma_wait3A_348 = arith.constant 0 : i32
      %dma_wait3A_349 = tpu.memref_slice %arg6[%run_scoped3A_282, %dma_wait3A_347, %dma_wait3A_348] : memref<4x128x128xf32, #tpu.memory_space<vmem>> -> memref<1x128x128xf32, #tpu.memory_space<vmem>>
      %dma_wait3A_350 = tpu.memref_squeeze %dma_wait3A_349 : memref<1x128x128xf32, #tpu.memory_space<vmem>> -> memref<128x128xf32, #tpu.memory_space<vmem>>
      tpu.wait_dma2 semaphore(%run_scoped3A_318 : memref<!tpu.dma_semaphore, #tpu.memory_space<semaphore_mem>>) src(%dma_wait3A_350 : memref<128x128xf32, #tpu.memory_space<vmem>>) dst(%dma_wait3A_346 : memref<128x128xf32, #tpu.memory_space<hbm>>)
      tpu.yield
    }) : () -> ()
    %dma_wait3A_284 = arith.constant 8 : i32
    %dma_wait3A_285 = arith.constant 0 : i32
    %dma_wait3A_286 = arith.constant 0 : i32
    %dma_wait3A_287 = arith.constant 0 : i32
    %dma_wait3A_288 = arith.constant 0 : i32
    %dma_wait3A_289 = tpu.memref_slice %arg6[%dma_wait3A_285, %dma_wait3A_287, %dma_wait3A_288] : memref<4x128x128xf32, #tpu.memory_space<vmem>> -> memref<1x128x128xf32, #tpu.memory_space<vmem>>
    %dma_wait3A_290 = tpu.memref_squeeze %dma_wait3A_289 : memref<1x128x128xf32, #tpu.memory_space<vmem>> -> memref<128x128xf32, #tpu.memory_space<vmem>>
    %dma_wait3A_291 = arith.constant 0 : i32
    %dma_wait3A_292 = tpu.memref_slice %arg5[%dma_wait3A_284, %dma_wait3A_291] : memref<10x128xi32, #tpu.memory_space<vmem>> -> memref<1x128xi32, #tpu.memory_space<vmem>>
    %dma_wait3A_293 = tpu.memref_squeeze %dma_wait3A_292 : memref<1x128xi32, #tpu.memory_space<vmem>> -> memref<128xi32, #tpu.memory_space<vmem>>
    %dma_wait3A_294 = arith.constant 0 : i32
    %dma_wait3A_295 = arith.constant 0 : i32
    %dma_wait3A_296 = tpu.memref_slice %arg2[%dma_wait3A_294, %dma_wait3A_295] : memref<8192x128xf32, #tpu.memory_space<hbm>> -> memref<8192x128xf32, #tpu.memory_space<hbm>>
    %dma_wait3A_297 = tpu.memref_slice %arg7[%dma_wait3A_286] : memref<4x!tpu.dma_semaphore, #tpu.memory_space<semaphore_mem>> -> memref<1x!tpu.dma_semaphore, #tpu.memory_space<semaphore_mem>>
    %dma_wait3A_298 = tpu.memref_squeeze %dma_wait3A_297 : memref<1x!tpu.dma_semaphore, #tpu.memory_space<semaphore_mem>> -> memref<!tpu.dma_semaphore, #tpu.memory_space<semaphore_mem>>
    tpu.wait_indirect_dma semaphore(%dma_wait3A_298 : memref<!tpu.dma_semaphore, #tpu.memory_space<semaphore_mem>>) src(%dma_wait3A_296 : memref<8192x128xf32, #tpu.memory_space<hbm>>) dst(%dma_wait3A_290 : memref<128x128xf32, #tpu.memory_space<vmem>>)
    %run_scoped3A_299 = arith.constant 0 : i32
    %run_scoped3A_300 = arith.constant 8 : i32
    "tpu.region"() ({
      %run_scoped3A_318 = tpu.sem_alloc : memref<!tpu.dma_semaphore, #tpu.memory_space<semaphore_mem>>
      %dma_start3A_319 = arith.constant 0 : i32
      %dma_start3A_320 = arith.constant 0 : i32
      %dma_start3A_321 = tpu.memref_slice %arg6[%run_scoped3A_299, %dma_start3A_319, %dma_start3A_320] : memref<4x128x128xf32, #tpu.memory_space<vmem>> -> memref<1x128x128xf32, #tpu.memory_space<vmem>>
      %dma_start3A_322 = tpu.memref_squeeze %dma_start3A_321 : memref<1x128x128xf32, #tpu.memory_space<vmem>> -> memref<128x128xf32, #tpu.memory_space<vmem>>
      %dma_start3A_323 = arith.constant 0 : i32
      %dma_start3A_324 = arith.constant 0 : i32
      %dma_start3A_325 = tpu.memref_slice %arg4[%add3A, %run_scoped3A_300, %dma_start3A_323, %dma_start3A_324] : memref<32x10x128x128xf32, #tpu.memory_space<hbm>> -> memref<1x1x128x128xf32, #tpu.memory_space<hbm>>
      %dma_start3A_326 = tpu.memref_squeeze %dma_start3A_325 : memref<1x1x128x128xf32, #tpu.memory_space<hbm>> -> memref<128x128xf32, #tpu.memory_space<hbm>>
      %dma_start3A_327 = arith.constant 0 : i32
      %dma_start3A_328 = arith.constant 0 : i32
      %dma_start3A_329 = tpu.memref_slice %arg4[%add3A, %run_scoped3A_300, %dma_start3A_327, %dma_start3A_328] : memref<32x10x128x128xf32, #tpu.memory_space<hbm>> -> memref<1x1x128x128xf32, #tpu.memory_space<hbm>>
      %dma_start3A_330 = tpu.memref_squeeze %dma_start3A_329 : memref<1x1x128x128xf32, #tpu.memory_space<hbm>> -> memref<128x128xf32, #tpu.memory_space<hbm>>
      %dma_start3A_331 = arith.constant 0 : i32
      %dma_start3A_332 = arith.constant 0 : i32
      %dma_start3A_333 = tpu.memref_slice %arg6[%run_scoped3A_299, %dma_start3A_331, %dma_start3A_332] : memref<4x128x128xf32, #tpu.memory_space<vmem>> -> memref<1x128x128xf32, #tpu.memory_space<vmem>>
      %dma_start3A_334 = tpu.memref_squeeze %dma_start3A_333 : memref<1x128x128xf32, #tpu.memory_space<vmem>> -> memref<128x128xf32, #tpu.memory_space<vmem>>
      tpu.enqueue_dma source(%dma_start3A_334 : memref<128x128xf32, #tpu.memory_space<vmem>>) target(%dma_start3A_330 : memref<128x128xf32, #tpu.memory_space<hbm>>) target_semaphore(%run_scoped3A_318 : memref<!tpu.dma_semaphore, #tpu.memory_space<semaphore_mem>>)
      %dma_wait3A_335 = arith.constant 0 : i32
      %dma_wait3A_336 = arith.constant 0 : i32
      %dma_wait3A_337 = tpu.memref_slice %arg6[%run_scoped3A_299, %dma_wait3A_335, %dma_wait3A_336] : memref<4x128x128xf32, #tpu.memory_space<vmem>> -> memref<1x128x128xf32, #tpu.memory_space<vmem>>
      %dma_wait3A_338 = tpu.memref_squeeze %dma_wait3A_337 : memref<1x128x128xf32, #tpu.memory_space<vmem>> -> memref<128x128xf32, #tpu.memory_space<vmem>>
      %dma_wait3A_339 = arith.constant 0 : i32
      %dma_wait3A_340 = arith.constant 0 : i32
      %dma_wait3A_341 = tpu.memref_slice %arg4[%add3A, %run_scoped3A_300, %dma_wait3A_339, %dma_wait3A_340] : memref<32x10x128x128xf32, #tpu.memory_space<hbm>> -> memref<1x1x128x128xf32, #tpu.memory_space<hbm>>
      %dma_wait3A_342 = tpu.memref_squeeze %dma_wait3A_341 : memref<1x1x128x128xf32, #tpu.memory_space<hbm>> -> memref<128x128xf32, #tpu.memory_space<hbm>>
      %dma_wait3A_343 = arith.constant 0 : i32
      %dma_wait3A_344 = arith.constant 0 : i32
      %dma_wait3A_345 = tpu.memref_slice %arg4[%add3A, %run_scoped3A_300, %dma_wait3A_343, %dma_wait3A_344] : memref<32x10x128x128xf32, #tpu.memory_space<hbm>> -> memref<1x1x128x128xf32, #tpu.memory_space<hbm>>
      %dma_wait3A_346 = tpu.memref_squeeze %dma_wait3A_345 : memref<1x1x128x128xf32, #tpu.memory_space<hbm>> -> memref<128x128xf32, #tpu.memory_space<hbm>>
      %dma_wait3A_347 = arith.constant 0 : i32
      %dma_wait3A_348 = arith.constant 0 : i32
      %dma_wait3A_349 = tpu.memref_slice %arg6[%run_scoped3A_299, %dma_wait3A_347, %dma_wait3A_348] : memref<4x128x128xf32, #tpu.memory_space<vmem>> -> memref<1x128x128xf32, #tpu.memory_space<vmem>>
      %dma_wait3A_350 = tpu.memref_squeeze %dma_wait3A_349 : memref<1x128x128xf32, #tpu.memory_space<vmem>> -> memref<128x128xf32, #tpu.memory_space<vmem>>
      tpu.wait_dma2 semaphore(%run_scoped3A_318 : memref<!tpu.dma_semaphore, #tpu.memory_space<semaphore_mem>>) src(%dma_wait3A_350 : memref<128x128xf32, #tpu.memory_space<vmem>>) dst(%dma_wait3A_346 : memref<128x128xf32, #tpu.memory_space<hbm>>)
      tpu.yield
    }) : () -> ()
    %dma_wait3A_301 = arith.constant 9 : i32
    %dma_wait3A_302 = arith.constant 1 : i32
    %dma_wait3A_303 = arith.constant 1 : i32
    %dma_wait3A_304 = arith.constant 0 : i32
    %dma_wait3A_305 = arith.constant 0 : i32
    %dma_wait3A_306 = tpu.memref_slice %arg6[%dma_wait3A_302, %dma_wait3A_304, %dma_wait3A_305] : memref<4x128x128xf32, #tpu.memory_space<vmem>> -> memref<1x128x128xf32, #tpu.memory_space<vmem>>
    %dma_wait3A_307 = tpu.memref_squeeze %dma_wait3A_306 : memref<1x128x128xf32, #tpu.memory_space<vmem>> -> memref<128x128xf32, #tpu.memory_space<vmem>>
    %dma_wait3A_308 = arith.constant 0 : i32
    %dma_wait3A_309 = tpu.memref_slice %arg5[%dma_wait3A_301, %dma_wait3A_308] : memref<10x128xi32, #tpu.memory_space<vmem>> -> memref<1x128xi32, #tpu.memory_space<vmem>>
    %dma_wait3A_310 = tpu.memref_squeeze %dma_wait3A_309 : memref<1x128xi32, #tpu.memory_space<vmem>> -> memref<128xi32, #tpu.memory_space<vmem>>
    %dma_wait3A_311 = arith.constant 0 : i32
    %dma_wait3A_312 = arith.constant 0 : i32
    %dma_wait3A_313 = tpu.memref_slice %arg2[%dma_wait3A_311, %dma_wait3A_312] : memref<8192x128xf32, #tpu.memory_space<hbm>> -> memref<8192x128xf32, #tpu.memory_space<hbm>>
    %dma_wait3A_314 = tpu.memref_slice %arg7[%dma_wait3A_303] : memref<4x!tpu.dma_semaphore, #tpu.memory_space<semaphore_mem>> -> memref<1x!tpu.dma_semaphore, #tpu.memory_space<semaphore_mem>>
    %dma_wait3A_315 = tpu.memref_squeeze %dma_wait3A_314 : memref<1x!tpu.dma_semaphore, #tpu.memory_space<semaphore_mem>> -> memref<!tpu.dma_semaphore, #tpu.memory_space<semaphore_mem>>
    tpu.wait_indirect_dma semaphore(%dma_wait3A_315 : memref<!tpu.dma_semaphore, #tpu.memory_space<semaphore_mem>>) src(%dma_wait3A_313 : memref<8192x128xf32, #tpu.memory_space<hbm>>) dst(%dma_wait3A_307 : memref<128x128xf32, #tpu.memory_space<vmem>>)
    %run_scoped3A_316 = arith.constant 1 : i32
    %run_scoped3A_317 = arith.constant 9 : i32
    "tpu.region"() ({
      %run_scoped3A_318 = tpu.sem_alloc : memref<!tpu.dma_semaphore, #tpu.memory_space<semaphore_mem>>
      %dma_start3A_319 = arith.constant 0 : i32
      %dma_start3A_320 = arith.constant 0 : i32
      %dma_start3A_321 = tpu.memref_slice %arg6[%run_scoped3A_316, %dma_start3A_319, %dma_start3A_320] : memref<4x128x128xf32, #tpu.memory_space<vmem>> -> memref<1x128x128xf32, #tpu.memory_space<vmem>>
      %dma_start3A_322 = tpu.memref_squeeze %dma_start3A_321 : memref<1x128x128xf32, #tpu.memory_space<vmem>> -> memref<128x128xf32, #tpu.memory_space<vmem>>
      %dma_start3A_323 = arith.constant 0 : i32
      %dma_start3A_324 = arith.constant 0 : i32
      %dma_start3A_325 = tpu.memref_slice %arg4[%add3A, %run_scoped3A_317, %dma_start3A_323, %dma_start3A_324] : memref<32x10x128x128xf32, #tpu.memory_space<hbm>> -> memref<1x1x128x128xf32, #tpu.memory_space<hbm>>
      %dma_start3A_326 = tpu.memref_squeeze %dma_start3A_325 : memref<1x1x128x128xf32, #tpu.memory_space<hbm>> -> memref<128x128xf32, #tpu.memory_space<hbm>>
      %dma_start3A_327 = arith.constant 0 : i32
      %dma_start3A_328 = arith.constant 0 : i32
      %dma_start3A_329 = tpu.memref_slice %arg4[%add3A, %run_scoped3A_317, %dma_start3A_327, %dma_start3A_328] : memref<32x10x128x128xf32, #tpu.memory_space<hbm>> -> memref<1x1x128x128xf32, #tpu.memory_space<hbm>>
      %dma_start3A_330 = tpu.memref_squeeze %dma_start3A_329 : memref<1x1x128x128xf32, #tpu.memory_space<hbm>> -> memref<128x128xf32, #tpu.memory_space<hbm>>
      %dma_start3A_331 = arith.constant 0 : i32
      %dma_start3A_332 = arith.constant 0 : i32
      %dma_start3A_333 = tpu.memref_slice %arg6[%run_scoped3A_316, %dma_start3A_331, %dma_start3A_332] : memref<4x128x128xf32, #tpu.memory_space<vmem>> -> memref<1x128x128xf32, #tpu.memory_space<vmem>>
      %dma_start3A_334 = tpu.memref_squeeze %dma_start3A_333 : memref<1x128x128xf32, #tpu.memory_space<vmem>> -> memref<128x128xf32, #tpu.memory_space<vmem>>
      tpu.enqueue_dma source(%dma_start3A_334 : memref<128x128xf32, #tpu.memory_space<vmem>>) target(%dma_start3A_330 : memref<128x128xf32, #tpu.memory_space<hbm>>) target_semaphore(%run_scoped3A_318 : memref<!tpu.dma_semaphore, #tpu.memory_space<semaphore_mem>>)
      %dma_wait3A_335 = arith.constant 0 : i32
      %dma_wait3A_336 = arith.constant 0 : i32
      %dma_wait3A_337 = tpu.memref_slice %arg6[%run_scoped3A_316, %dma_wait3A_335, %dma_wait3A_336] : memref<4x128x128xf32, #tpu.memory_space<vmem>> -> memref<1x128x128xf32, #tpu.memory_space<vmem>>
      %dma_wait3A_338 = tpu.memref_squeeze %dma_wait3A_337 : memref<1x128x128xf32, #tpu.memory_space<vmem>> -> memref<128x128xf32, #tpu.memory_space<vmem>>
      %dma_wait3A_339 = arith.constant 0 : i32
      %dma_wait3A_340 = arith.constant 0 : i32
      %dma_wait3A_341 = tpu.memref_slice %arg4[%add3A, %run_scoped3A_317, %dma_wait3A_339, %dma_wait3A_340] : memref<32x10x128x128xf32, #tpu.memory_space<hbm>> -> memref<1x1x128x128xf32, #tpu.memory_space<hbm>>
      %dma_wait3A_342 = tpu.memref_squeeze %dma_wait3A_341 : memref<1x1x128x128xf32, #tpu.memory_space<hbm>> -> memref<128x128xf32, #tpu.memory_space<hbm>>
      %dma_wait3A_343 = arith.constant 0 : i32
      %dma_wait3A_344 = arith.constant 0 : i32
      %dma_wait3A_345 = tpu.memref_slice %arg4[%add3A, %run_scoped3A_317, %dma_wait3A_343, %dma_wait3A_344] : memref<32x10x128x128xf32, #tpu.memory_space<hbm>> -> memref<1x1x128x128xf32, #tpu.memory_space<hbm>>
      %dma_wait3A_346 = tpu.memref_squeeze %dma_wait3A_345 : memref<1x1x128x128xf32, #tpu.memory_space<hbm>> -> memref<128x128xf32, #tpu.memory_space<hbm>>
      %dma_wait3A_347 = arith.constant 0 : i32
      %dma_wait3A_348 = arith.constant 0 : i32
      %dma_wait3A_349 = tpu.memref_slice %arg6[%run_scoped3A_316, %dma_wait3A_347, %dma_wait3A_348] : memref<4x128x128xf32, #tpu.memory_space<vmem>> -> memref<1x128x128xf32, #tpu.memory_space<vmem>>
      %dma_wait3A_350 = tpu.memref_squeeze %dma_wait3A_349 : memref<1x128x128xf32, #tpu.memory_space<vmem>> -> memref<128x128xf32, #tpu.memory_space<vmem>>
      tpu.wait_dma2 semaphore(%run_scoped3A_318 : memref<!tpu.dma_semaphore, #tpu.memory_space<semaphore_mem>>) src(%dma_wait3A_350 : memref<128x128xf32, #tpu.memory_space<vmem>>) dst(%dma_wait3A_346 : memref<128x128xf32, #tpu.memory_space<hbm>>)
      tpu.yield
    }) : () -> ()
    return
  }
}

module attributes {stable_mosaic.version = 14 : i64} {
  func.func @_knn_idx_kernel(%arg0: i32, %arg1: i32, %arg2: memref<1x3x2048xf32, #tpu.memory_space<vmem>>, %arg3: memref<1x1024x3xf32, #tpu.memory_space<vmem>>, %arg4: memref<5x1024xi32, #tpu.memory_space<vmem>>, %arg5: memref<1x1024x128xf32, #tpu.memory_space<vmem>>) attributes {dimension_semantics = [#tpu.dimension_semantics<parallel>, #tpu.dimension_semantics<arbitrary>], iteration_bounds = array<i64: 4, 2>, scalar_prefetch = 0 : i64, scratch_operands = 0 : i64, tpu.core_type = #tpu.core_type<tc>, window_params = [{transform_indices = @transform_0, window_bounds = array<i64: 1, 3, 2048>}, {transform_indices = @transform_1, window_bounds = array<i64: 1, 1024, 3>}, {transform_indices = @transform_2, window_bounds = array<i64: 5, 1024>}, {transform_indices = @transform_3, window_bounds = array<i64: 1, 1024, 128>}]} {
    %get3A = arith.constant 0 : index
    %get3A_0 = arith.constant 0 : index
    %get3A_1 = arith.constant 0 : index
    %get3A_2 = vector.load %arg2[%get3A, %get3A_0, %get3A_1] : memref<1x3x2048xf32, #tpu.memory_space<vmem>>, vector<1x3x2048xf32>
    %get3A_3 = vector.shape_cast %get3A_2 : vector<1x3x2048xf32> to vector<3x2048xf32>
    %get3A_4 = arith.constant 0 : index
    %get3A_5 = arith.constant 0 : index
    %get3A_6 = arith.constant 0 : index
    %get3A_7 = vector.load %arg3[%get3A_4, %get3A_5, %get3A_6] : memref<1x1024x3xf32, #tpu.memory_space<vmem>>, vector<1x1024x3xf32>
    %get3A_8 = vector.shape_cast %get3A_7 : vector<1x1024x3xf32> to vector<1024x3xf32>
    %mul3A = arith.mulf %get3A_3, %get3A_3 : vector<3x2048xf32>
    %reduce_sum3A = arith.constant dense<0.000000e+00> : vector<2048xf32>
    %reduce_sum3A_9 = vector.multi_reduction <add>, %mul3A, %reduce_sum3A [0] : vector<3x2048xf32> to vector<2048xf32>
    %broadcast_in_dim3A = vector.shape_cast %reduce_sum3A_9 : vector<2048xf32> to vector<1x2048xf32>
    %mul3A_10 = arith.mulf %get3A_8, %get3A_8 : vector<1024x3xf32>
    %reduce_sum3A_11 = arith.constant dense<0.000000e+00> : vector<1024xf32>
    %reduce_sum3A_12 = vector.multi_reduction <add>, %mul3A_10, %reduce_sum3A_11 [1] : vector<1024x3xf32> to vector<1024xf32>
    %broadcast_in_dim3A_13 = vector.shape_cast %reduce_sum3A_12 : vector<1024xf32> to vector<1024x1xf32>
    %convert_element_type3A = arith.truncf %get3A_8 : vector<1024x3xf32> to vector<1024x3xbf16>
    %convert_element_type3A_14 = arith.truncf %get3A_3 : vector<3x2048xf32> to vector<3x2048xbf16>
    %dot_general3A = arith.constant dense<0.000000e+00> : vector<1024x2048xf32>
    %dot_general3A_15 = tpu.matmul %convert_element_type3A, %convert_element_type3A_14, %dot_general3A {dimension_numbers = #tpu.dot_dimension_numbers<[1], [0], [0], [1], [0, 0, 1, 1], [], []>, transpose_lhs_hint = false} : vector<1024x3xbf16>, vector<3x2048xbf16>, vector<1024x2048xf32> -> vector<1024x2048xf32>
    %add3A = vector.broadcast %broadcast_in_dim3A_13 : vector<1024x1xf32> to vector<1024x2048xf32>
    %add3A_16 = vector.broadcast %broadcast_in_dim3A : vector<1x2048xf32> to vector<1024x2048xf32>
    %add3A_17 = arith.addf %add3A, %add3A_16 : vector<1024x2048xf32>
    %mul3A_18 = arith.constant 2.000000e+00 : f32
    %mul3A_19 = vector.broadcast %mul3A_18 : f32 to vector<1024x2048xf32>
    %mul3A_20 = arith.mulf %mul3A_19, %dot_general3A_15 : vector<1024x2048xf32>
    %sub3A = arith.subf %add3A_17, %mul3A_20 : vector<1024x2048xf32>
    %iota3A = tpu.iota {dimensions = array<i32: 1>} : vector<1024x2048xi32>
    %convert_element_type3A_21 = arith.sitofp %iota3A : vector<1024x2048xi32> to vector<1024x2048xf32>
    %reduce_min3A = arith.constant dense<0x7F800000> : vector<1024xf32>
    %reduce_min3A_22 = vector.multi_reduction <minimumf>, %sub3A, %reduce_min3A [1] : vector<1024x2048xf32> to vector<1024xf32>
    %broadcast_in_dim3A_23 = vector.shape_cast %reduce_min3A_22 : vector<1024xf32> to vector<1024x1xf32>
    %le3A = vector.broadcast %broadcast_in_dim3A_23 : vector<1024x1xf32> to vector<1024x2048xf32>
    %le3A_24 = arith.cmpf ole, %sub3A, %le3A : vector<1024x2048xf32>
    %jit3A = arith.constant 2.048000e+03 : f32
    %broadcast_in_dim3A_25 = vector.broadcast %jit3A : f32 to vector<1024x2048xf32>
    %select_n3A = arith.select %le3A_24, %convert_element_type3A_21, %broadcast_in_dim3A_25 : vector<1024x2048xi1>, vector<1024x2048xf32>
    %reduce_min3A_26 = arith.constant dense<0x7F800000> : vector<1024xf32>
    %reduce_min3A_27 = vector.multi_reduction <minimumf>, %select_n3A, %reduce_min3A_26 [1] : vector<1024x2048xf32> to vector<1024xf32>
    %broadcast_in_dim3A_28 = vector.shape_cast %reduce_min3A_27 : vector<1024xf32> to vector<1024x1xf32>
    %eq3A = vector.broadcast %broadcast_in_dim3A_28 : vector<1024x1xf32> to vector<1024x2048xf32>
    %eq3A_29 = arith.cmpf oeq, %convert_element_type3A_21, %eq3A : vector<1024x2048xf32>
    %jit3A_30 = arith.constant 0x7F800000 : f32
    %broadcast_in_dim3A_31 = vector.broadcast %jit3A_30 : f32 to vector<1024x2048xf32>
    %select_n3A_32 = arith.select %eq3A_29, %broadcast_in_dim3A_31, %sub3A : vector<1024x2048xi1>, vector<1024x2048xf32>
    %reduce_min3A_33 = arith.constant dense<0x7F800000> : vector<1024xf32>
    %reduce_min3A_34 = vector.multi_reduction <minimumf>, %select_n3A_32, %reduce_min3A_33 [1] : vector<1024x2048xf32> to vector<1024xf32>
    %broadcast_in_dim3A_35 = vector.shape_cast %reduce_min3A_34 : vector<1024xf32> to vector<1024x1xf32>
    %le3A_36 = vector.broadcast %broadcast_in_dim3A_35 : vector<1024x1xf32> to vector<1024x2048xf32>
    %le3A_37 = arith.cmpf ole, %select_n3A_32, %le3A_36 : vector<1024x2048xf32>
    %jit3A_38 = arith.constant 2.048000e+03 : f32
    %broadcast_in_dim3A_39 = vector.broadcast %jit3A_38 : f32 to vector<1024x2048xf32>
    %select_n3A_40 = arith.select %le3A_37, %convert_element_type3A_21, %broadcast_in_dim3A_39 : vector<1024x2048xi1>, vector<1024x2048xf32>
    %reduce_min3A_41 = arith.constant dense<0x7F800000> : vector<1024xf32>
    %reduce_min3A_42 = vector.multi_reduction <minimumf>, %select_n3A_40, %reduce_min3A_41 [1] : vector<1024x2048xf32> to vector<1024xf32>
    %broadcast_in_dim3A_43 = vector.shape_cast %reduce_min3A_42 : vector<1024xf32> to vector<1024x1xf32>
    %eq3A_44 = vector.broadcast %broadcast_in_dim3A_43 : vector<1024x1xf32> to vector<1024x2048xf32>
    %eq3A_45 = arith.cmpf oeq, %convert_element_type3A_21, %eq3A_44 : vector<1024x2048xf32>
    %jit3A_46 = arith.constant 0x7F800000 : f32
    %broadcast_in_dim3A_47 = vector.broadcast %jit3A_46 : f32 to vector<1024x2048xf32>
    %select_n3A_48 = arith.select %eq3A_45, %broadcast_in_dim3A_47, %select_n3A_32 : vector<1024x2048xi1>, vector<1024x2048xf32>
    %reduce_min3A_49 = arith.constant dense<0x7F800000> : vector<1024xf32>
    %reduce_min3A_50 = vector.multi_reduction <minimumf>, %select_n3A_48, %reduce_min3A_49 [1] : vector<1024x2048xf32> to vector<1024xf32>
    %broadcast_in_dim3A_51 = vector.shape_cast %reduce_min3A_50 : vector<1024xf32> to vector<1024x1xf32>
    %le3A_52 = vector.broadcast %broadcast_in_dim3A_51 : vector<1024x1xf32> to vector<1024x2048xf32>
    %le3A_53 = arith.cmpf ole, %select_n3A_48, %le3A_52 : vector<1024x2048xf32>
    %jit3A_54 = arith.constant 2.048000e+03 : f32
    %broadcast_in_dim3A_55 = vector.broadcast %jit3A_54 : f32 to vector<1024x2048xf32>
    %select_n3A_56 = arith.select %le3A_53, %convert_element_type3A_21, %broadcast_in_dim3A_55 : vector<1024x2048xi1>, vector<1024x2048xf32>
    %reduce_min3A_57 = arith.constant dense<0x7F800000> : vector<1024xf32>
    %reduce_min3A_58 = vector.multi_reduction <minimumf>, %select_n3A_56, %reduce_min3A_57 [1] : vector<1024x2048xf32> to vector<1024xf32>
    %broadcast_in_dim3A_59 = vector.shape_cast %reduce_min3A_58 : vector<1024xf32> to vector<1024x1xf32>
    %eq3A_60 = vector.broadcast %broadcast_in_dim3A_59 : vector<1024x1xf32> to vector<1024x2048xf32>
    %eq3A_61 = arith.cmpf oeq, %convert_element_type3A_21, %eq3A_60 : vector<1024x2048xf32>
    %jit3A_62 = arith.constant 0x7F800000 : f32
    %broadcast_in_dim3A_63 = vector.broadcast %jit3A_62 : f32 to vector<1024x2048xf32>
    %select_n3A_64 = arith.select %eq3A_61, %broadcast_in_dim3A_63, %select_n3A_48 : vector<1024x2048xi1>, vector<1024x2048xf32>
    %reduce_min3A_65 = arith.constant dense<0x7F800000> : vector<1024xf32>
    %reduce_min3A_66 = vector.multi_reduction <minimumf>, %select_n3A_64, %reduce_min3A_65 [1] : vector<1024x2048xf32> to vector<1024xf32>
    %broadcast_in_dim3A_67 = vector.shape_cast %reduce_min3A_66 : vector<1024xf32> to vector<1024x1xf32>
    %le3A_68 = vector.broadcast %broadcast_in_dim3A_67 : vector<1024x1xf32> to vector<1024x2048xf32>
    %le3A_69 = arith.cmpf ole, %select_n3A_64, %le3A_68 : vector<1024x2048xf32>
    %jit3A_70 = arith.constant 2.048000e+03 : f32
    %broadcast_in_dim3A_71 = vector.broadcast %jit3A_70 : f32 to vector<1024x2048xf32>
    %select_n3A_72 = arith.select %le3A_69, %convert_element_type3A_21, %broadcast_in_dim3A_71 : vector<1024x2048xi1>, vector<1024x2048xf32>
    %reduce_min3A_73 = arith.constant dense<0x7F800000> : vector<1024xf32>
    %reduce_min3A_74 = vector.multi_reduction <minimumf>, %select_n3A_72, %reduce_min3A_73 [1] : vector<1024x2048xf32> to vector<1024xf32>
    %broadcast_in_dim3A_75 = vector.shape_cast %reduce_min3A_74 : vector<1024xf32> to vector<1024x1xf32>
    %eq3A_76 = vector.broadcast %broadcast_in_dim3A_75 : vector<1024x1xf32> to vector<1024x2048xf32>
    %eq3A_77 = arith.cmpf oeq, %convert_element_type3A_21, %eq3A_76 : vector<1024x2048xf32>
    %jit3A_78 = arith.constant 0x7F800000 : f32
    %broadcast_in_dim3A_79 = vector.broadcast %jit3A_78 : f32 to vector<1024x2048xf32>
    %select_n3A_80 = arith.select %eq3A_77, %broadcast_in_dim3A_79, %select_n3A_64 : vector<1024x2048xi1>, vector<1024x2048xf32>
    %reduce_min3A_81 = arith.constant dense<0x7F800000> : vector<1024xf32>
    %reduce_min3A_82 = vector.multi_reduction <minimumf>, %select_n3A_80, %reduce_min3A_81 [1] : vector<1024x2048xf32> to vector<1024xf32>
    %broadcast_in_dim3A_83 = vector.shape_cast %reduce_min3A_82 : vector<1024xf32> to vector<1024x1xf32>
    %le3A_84 = vector.broadcast %broadcast_in_dim3A_83 : vector<1024x1xf32> to vector<1024x2048xf32>
    %le3A_85 = arith.cmpf ole, %select_n3A_80, %le3A_84 : vector<1024x2048xf32>
    %jit3A_86 = arith.constant 2.048000e+03 : f32
    %broadcast_in_dim3A_87 = vector.broadcast %jit3A_86 : f32 to vector<1024x2048xf32>
    %select_n3A_88 = arith.select %le3A_85, %convert_element_type3A_21, %broadcast_in_dim3A_87 : vector<1024x2048xi1>, vector<1024x2048xf32>
    %reduce_min3A_89 = arith.constant dense<0x7F800000> : vector<1024xf32>
    %reduce_min3A_90 = vector.multi_reduction <minimumf>, %select_n3A_88, %reduce_min3A_89 [1] : vector<1024x2048xf32> to vector<1024xf32>
    %broadcast_in_dim3A_91 = vector.shape_cast %reduce_min3A_90 : vector<1024xf32> to vector<1024x1xf32>
    %convert_element_type3A_92 = arith.sitofp %arg0 : i32 to f32
    %mul3A_93 = arith.constant 2.048000e+03 : f32
    %mul3A_94 = arith.mulf %mul3A_93, %convert_element_type3A_92 : f32
    %concatenate3A = tpu.concatenate %broadcast_in_dim3A_28, %broadcast_in_dim3A_43, %broadcast_in_dim3A_59, %broadcast_in_dim3A_75, %broadcast_in_dim3A_91 in 1 : vector<1024x1xf32>, vector<1024x1xf32>, vector<1024x1xf32>, vector<1024x1xf32>, vector<1024x1xf32> -> vector<1024x5xf32>
    %add3A_95 = vector.broadcast %mul3A_94 : f32 to vector<1024x5xf32>
    %add3A_96 = arith.addf %concatenate3A, %add3A_95 : vector<1024x5xf32>
    %broadcast_in_dim3A_97 = arith.constant 0.000000e+00 : f32
    %broadcast_in_dim3A_98 = vector.broadcast %broadcast_in_dim3A_97 : f32 to vector<1024x3xf32>
    %concatenate3A_99 = tpu.concatenate %add3A_96, %broadcast_in_dim3A_98 in 1 : vector<1024x5xf32>, vector<1024x3xf32> -> vector<1024x8xf32>
    %transpose3A = tpu.transpose %concatenate3A_99, [1, 0] : vector<1024x8xf32> -> vector<8x1024xf32>
    %convert_element_type3A_100 = arith.fptosi %transpose3A : vector<8x1024xf32> to vector<8x1024xi32>
    %slice3A = vector.extract_strided_slice %convert_element_type3A_100 {offsets = [0, 0], sizes = [5, 1024], strides = [1, 1]} : vector<8x1024xi32> to vector<5x1024xi32>
    %swap3A = arith.constant 0 : index
    %swap3A_101 = arith.constant 0 : index
    %swap3A_102 = vector.load %arg4[%swap3A, %swap3A_101] : memref<5x1024xi32, #tpu.memory_space<vmem>>, vector<5x1024xi32>
    tpu.vector_store %arg4[%swap3A, %swap3A_101], %slice3A {strides = array<i32>} : memref<5x1024xi32, #tpu.memory_space<vmem>>, vector<5x1024xi32>,
    %broadcast_in_dim3A_103 = arith.constant 0.000000e+00 : f32
    %broadcast_in_dim3A_104 = vector.broadcast %broadcast_in_dim3A_103 : f32 to vector<1024x125xf32>
    %concatenate3A_105 = tpu.concatenate %get3A_8, %broadcast_in_dim3A_104 in 1 : vector<1024x3xf32>, vector<1024x125xf32> -> vector<1024x128xf32>
    %swap3A_106 = arith.constant 0 : index
    %swap3A_107 = arith.constant 0 : index
    %swap3A_108 = arith.constant 0 : index
    %swap3A_109 = vector.load %arg5[%swap3A_106, %swap3A_107, %swap3A_108] : memref<1x1024x128xf32, #tpu.memory_space<vmem>>, vector<1x1024x128xf32>
    %swap3A_110 = vector.shape_cast %swap3A_109 : vector<1x1024x128xf32> to vector<1024x128xf32>
    %swap3A_111 = vector.shape_cast %concatenate3A_105 : vector<1024x128xf32> to vector<1x1024x128xf32>
    tpu.vector_store %arg5[%swap3A_106, %swap3A_107, %swap3A_108], %swap3A_111 {strides = array<i32>} : memref<1x1024x128xf32, #tpu.memory_space<vmem>>, vector<1x1024x128xf32>,
    return
  }
  func.func @transform_0(%arg0: i32, %arg1: i32) -> (i32, i32, i32) {
    %c0_i32 = arith.constant 0 : i32
    %c0_i32_0 = arith.constant 0 : i32
    %c0_i32_1 = arith.constant 0 : i32
    return %arg0, %c0_i32, %c0_i32_0 : i32, i32, i32
  }
  func.func @transform_1(%arg0: i32, %arg1: i32) -> (i32, i32, i32) {
    %c0_i32 = arith.constant 0 : i32
    %c0_i32_0 = arith.constant 0 : i32
    return %arg0, %arg1, %c0_i32 : i32, i32, i32
  }
  func.func @transform_2(%arg0: i32, %arg1: i32) -> (i32, i32) {
    %mul3A = arith.constant 2 : i32
    %mul3A_0 = arith.muli %arg0, %mul3A : i32
    %add3A = arith.addi %mul3A_0, %arg1 : i32
    %c0_i32 = arith.constant 0 : i32
    %c0_i32_1 = arith.constant 0 : i32
    return %c0_i32, %add3A : i32, i32
  }
  func.func @transform_3(%arg0: i32, %arg1: i32) -> (i32, i32, i32) {
    %c0_i32 = arith.constant 0 : i32
    %c0_i32_0 = arith.constant 0 : i32
    return %arg0, %arg1, %c0_i32 : i32, i32, i32
  }
}

module attributes {stable_mosaic.version = 14 : i64} {
  func.func @_head_kernel(%arg0: i32, %arg1: memref<1x2048x64xf32, #tpu.memory_space<vmem>>, %arg2: memref<1x2048x64xf32, #tpu.memory_space<vmem>>, %arg3: memref<8x128xf32, #tpu.memory_space<vmem>>, %arg4: memref<8x128xf32, #tpu.memory_space<vmem>>, %arg5: memref<8x64xf32, #tpu.memory_space<vmem>>, %arg6: memref<1x64xf32, #tpu.memory_space<vmem>>, %arg7: memref<1x64xf32, #tpu.memory_space<vmem>>, %arg8: memref<64x64xbf16, #tpu.memory_space<vmem>>, %arg9: memref<1x64xf32, #tpu.memory_space<vmem>>, %arg10: memref<64x128xbf16, #tpu.memory_space<vmem>>, %arg11: memref<1x128xf32, #tpu.memory_space<vmem>>, %arg12: memref<128x256xbf16, #tpu.memory_space<vmem>>, %arg13: memref<1x256xf32, #tpu.memory_space<vmem>>, %arg14: memref<256x128xbf16, #tpu.memory_space<vmem>>, %arg15: memref<1x128xf32, #tpu.memory_space<vmem>>, %arg16: memref<128x64xbf16, #tpu.memory_space<vmem>>, %arg17: memref<1x64xf32, #tpu.memory_space<vmem>>, %arg18: memref<64x13xbf16, #tpu.memory_space<vmem>>, %arg19: memref<1x13xf32, #tpu.memory_space<vmem>>, %arg20: memref<1x2048x13xf32, #tpu.memory_space<vmem>>) attributes {dimension_semantics = [#tpu.dimension_semantics<arbitrary>], iteration_bounds = array<i64: 4>, scalar_prefetch = 0 : i64, scratch_operands = 0 : i64, tpu.core_type = #tpu.core_type<tc>, window_params = [{transform_indices = @transform_0, window_bounds = array<i64: 1, 2048, 64>}, {transform_indices = @transform_1, window_bounds = array<i64: 1, 2048, 64>}, {pipeline_mode = #tpu.pipeline_mode<synchronous>, transform_indices = @transform_2, window_bounds = array<i64: 8, 128>}, {pipeline_mode = #tpu.pipeline_mode<synchronous>, transform_indices = @transform_3, window_bounds = array<i64: 8, 128>}, {pipeline_mode = #tpu.pipeline_mode<synchronous>, transform_indices = @transform_4, window_bounds = array<i64: 8, 64>}, {pipeline_mode = #tpu.pipeline_mode<synchronous>, transform_indices = @transform_5, window_bounds = array<i64: 1, 64>}, {pipeline_mode = #tpu.pipeline_mode<synchronous>, transform_indices = @transform_6, window_bounds = array<i64: 1, 64>}, {pipeline_mode = #tpu.pipeline_mode<synchronous>, transform_indices = @transform_7, window_bounds = array<i64: 64, 64>}, {pipeline_mode = #tpu.pipeline_mode<synchronous>, transform_indices = @transform_8, window_bounds = array<i64: 1, 64>}, {pipeline_mode = #tpu.pipeline_mode<synchronous>, transform_indices = @transform_9, window_bounds = array<i64: 64, 128>}, {pipeline_mode = #tpu.pipeline_mode<synchronous>, transform_indices = @transform_10, window_bounds = array<i64: 1, 128>}, {pipeline_mode = #tpu.pipeline_mode<synchronous>, transform_indices = @transform_11, window_bounds = array<i64: 128, 256>}, {pipeline_mode = #tpu.pipeline_mode<synchronous>, transform_indices = @transform_12, window_bounds = array<i64: 1, 256>}, {pipeline_mode = #tpu.pipeline_mode<synchronous>, transform_indices = @transform_13, window_bounds = array<i64: 256, 128>}, {pipeline_mode = #tpu.pipeline_mode<synchronous>, transform_indices = @transform_14, window_bounds = array<i64: 1, 128>}, {pipeline_mode = #tpu.pipeline_mode<synchronous>, transform_indices = @transform_15, window_bounds = array<i64: 128, 64>}, {pipeline_mode = #tpu.pipeline_mode<synchronous>, transform_indices = @transform_16, window_bounds = array<i64: 1, 64>}, {pipeline_mode = #tpu.pipeline_mode<synchronous>, transform_indices = @transform_17, window_bounds = array<i64: 64, 13>}, {pipeline_mode = #tpu.pipeline_mode<synchronous>, transform_indices = @transform_18, window_bounds = array<i64: 1, 13>}, {transform_indices = @transform_19, window_bounds = array<i64: 1, 2048, 13>}]} {
    %get3A = arith.constant 0 : index
    %get3A_0 = arith.constant 0 : index
    %get3A_1 = vector.load %arg5[%get3A, %get3A_0] : memref<8x64xf32, #tpu.memory_space<vmem>>, vector<8x64xf32>
    %get3A_2 = arith.constant 0 : index
    %get3A_3 = arith.constant 0 : index
    %get3A_4 = vector.load %arg3[%get3A_2, %get3A_3] : memref<8x128xf32, #tpu.memory_space<vmem>>, vector<8x128xf32>
    %get3A_5 = arith.constant 0 : index
    %get3A_6 = arith.constant 0 : index
    %get3A_7 = vector.load %arg4[%get3A_5, %get3A_6] : memref<8x128xf32, #tpu.memory_space<vmem>>, vector<8x128xf32>
    %add3A = arith.addf %get3A_4, %get3A_7 : vector<8x128xf32>
    %slice3A = vector.extract_strided_slice %add3A {offsets = [0, 0], sizes = [1, 3], strides = [1, 1]} : vector<8x128xf32> to vector<1x3xf32>
    %mul3A = arith.constant 1.22070314E-5 : f32
    %mul3A_8 = vector.broadcast %mul3A : f32 to vector<1x3xf32>
    %mul3A_9 = arith.mulf %slice3A, %mul3A_8 : vector<1x3xf32>
    %slice3A_10 = vector.extract_strided_slice %add3A {offsets = [1, 0], sizes = [3, 3], strides = [1, 1]} : vector<8x128xf32> to vector<3x3xf32>
    %mul3A_11 = arith.constant 1.22070314E-5 : f32
    %mul3A_12 = vector.broadcast %mul3A_11 : f32 to vector<3x3xf32>
    %mul3A_13 = arith.mulf %slice3A_10, %mul3A_12 : vector<3x3xf32>
    %slice3A_14 = vector.extract_strided_slice %mul3A_9 {offsets = [0, 0], sizes = [1, 1], strides = [1, 1]} : vector<1x3xf32> to vector<1x1xf32>
    %slice3A_15 = vector.extract_strided_slice %get3A_1 {offsets = [0, 0], sizes = [1, 64], strides = [1, 1]} : vector<8x64xf32> to vector<1x64xf32>
    %mul3A_16 = vector.broadcast %slice3A_14 : vector<1x1xf32> to vector<1x64xf32>
    %mul3A_17 = arith.mulf %mul3A_16, %slice3A_15 : vector<1x64xf32>
    %slice3A_18 = vector.extract_strided_slice %mul3A_9 {offsets = [0, 1], sizes = [1, 1], strides = [1, 1]} : vector<1x3xf32> to vector<1x1xf32>
    %slice3A_19 = vector.extract_strided_slice %get3A_1 {offsets = [1, 0], sizes = [1, 64], strides = [1, 1]} : vector<8x64xf32> to vector<1x64xf32>
    %mul3A_20 = vector.broadcast %slice3A_18 : vector<1x1xf32> to vector<1x64xf32>
    %mul3A_21 = arith.mulf %mul3A_20, %slice3A_19 : vector<1x64xf32>
    %add3A_22 = arith.addf %mul3A_17, %mul3A_21 : vector<1x64xf32>
    %slice3A_23 = vector.extract_strided_slice %mul3A_9 {offsets = [0, 2], sizes = [1, 1], strides = [1, 1]} : vector<1x3xf32> to vector<1x1xf32>
    %slice3A_24 = vector.extract_strided_slice %get3A_1 {offsets = [2, 0], sizes = [1, 64], strides = [1, 1]} : vector<8x64xf32> to vector<1x64xf32>
    %mul3A_25 = vector.broadcast %slice3A_23 : vector<1x1xf32> to vector<1x64xf32>
    %mul3A_26 = arith.mulf %mul3A_25, %slice3A_24 : vector<1x64xf32>
    %add3A_27 = arith.addf %add3A_22, %mul3A_26 : vector<1x64xf32>
    %slice3A_28 = vector.extract_strided_slice %mul3A_13 {offsets = [0, 0], sizes = [3, 1], strides = [1, 1]} : vector<3x3xf32> to vector<3x1xf32>
    %slice3A_29 = vector.extract_strided_slice %get3A_1 {offsets = [0, 0], sizes = [1, 64], strides = [1, 1]} : vector<8x64xf32> to vector<1x64xf32>
    %mul3A_30 = vector.broadcast %slice3A_28 : vector<3x1xf32> to vector<3x64xf32>
    %mul3A_31 = vector.broadcast %slice3A_29 : vector<1x64xf32> to vector<3x64xf32>
    %mul3A_32 = arith.mulf %mul3A_30, %mul3A_31 : vector<3x64xf32>
    %slice3A_33 = vector.extract_strided_slice %mul3A_13 {offsets = [0, 1], sizes = [3, 1], strides = [1, 1]} : vector<3x3xf32> to vector<3x1xf32>
    %slice3A_34 = vector.extract_strided_slice %get3A_1 {offsets = [1, 0], sizes = [1, 64], strides = [1, 1]} : vector<8x64xf32> to vector<1x64xf32>
    %mul3A_35 = vector.broadcast %slice3A_33 : vector<3x1xf32> to vector<3x64xf32>
    %mul3A_36 = vector.broadcast %slice3A_34 : vector<1x64xf32> to vector<3x64xf32>
    %mul3A_37 = arith.mulf %mul3A_35, %mul3A_36 : vector<3x64xf32>
    %add3A_38 = arith.addf %mul3A_32, %mul3A_37 : vector<3x64xf32>
    %slice3A_39 = vector.extract_strided_slice %mul3A_13 {offsets = [0, 2], sizes = [3, 1], strides = [1, 1]} : vector<3x3xf32> to vector<3x1xf32>
    %slice3A_40 = vector.extract_strided_slice %get3A_1 {offsets = [2, 0], sizes = [1, 64], strides = [1, 1]} : vector<8x64xf32> to vector<1x64xf32>
    %mul3A_41 = vector.broadcast %slice3A_39 : vector<3x1xf32> to vector<3x64xf32>
    %mul3A_42 = vector.broadcast %slice3A_40 : vector<1x64xf32> to vector<3x64xf32>
    %mul3A_43 = arith.mulf %mul3A_41, %mul3A_42 : vector<3x64xf32>
    %add3A_44 = arith.addf %add3A_38, %mul3A_43 : vector<3x64xf32>
    %slice3A_45 = vector.extract_strided_slice %get3A_1 {offsets = [0, 0], sizes = [3, 64], strides = [1, 1]} : vector<8x64xf32> to vector<3x64xf32>
    %mul3A_46 = arith.mulf %slice3A_45, %add3A_44 : vector<3x64xf32>
    %reduce_sum3A = arith.constant dense<0.000000e+00> : vector<64xf32>
    %reduce_sum3A_47 = vector.multi_reduction <add>, %mul3A_46, %reduce_sum3A [0] : vector<3x64xf32> to vector<64xf32>
    %broadcast_in_dim3A = vector.shape_cast %reduce_sum3A_47 : vector<64xf32> to vector<1x64xf32>
    %mul3A_48 = arith.mulf %add3A_27, %add3A_27 : vector<1x64xf32>
    %sub3A = arith.subf %broadcast_in_dim3A, %mul3A_48 : vector<1x64xf32>
    %get3A_49 = arith.constant 0 : index
    %get3A_50 = arith.constant 0 : index
    %get3A_51 = vector.load %arg6[%get3A_49, %get3A_50] : memref<1x64xf32, #tpu.memory_space<vmem>>, vector<1x64xf32>
    %add3A_52 = arith.constant 9.99999974E-6 : f32
    %add3A_53 = vector.broadcast %add3A_52 : f32 to vector<1x64xf32>
    %add3A_54 = arith.addf %sub3A, %add3A_53 : vector<1x64xf32>
    %rsqrt3A = math.rsqrt %add3A_54 : vector<1x64xf32>
    %mul3A_55 = arith.mulf %get3A_51, %rsqrt3A : vector<1x64xf32>
    %get3A_56 = arith.constant 0 : index
    %get3A_57 = arith.constant 0 : index
    %get3A_58 = vector.load %arg7[%get3A_56, %get3A_57] : memref<1x64xf32, #tpu.memory_space<vmem>>, vector<1x64xf32>
    %mul3A_59 = arith.mulf %add3A_27, %mul3A_55 : vector<1x64xf32>
    %sub3A_60 = arith.subf %get3A_58, %mul3A_59 : vector<1x64xf32>
    %ge3A = arith.constant 0.000000e+00 : f32
    %ge3A_61 = vector.broadcast %ge3A : f32 to vector<1x64xf32>
    %ge3A_62 = arith.cmpf oge, %mul3A_55, %ge3A_61 : vector<1x64xf32>
    %get3A_63 = arith.constant 0 : index
    %get3A_64 = arith.constant 0 : index
    %get3A_65 = arith.constant 0 : index
    %get3A_66 = vector.load %arg1[%get3A_63, %get3A_64, %get3A_65] : memref<1x2048x64xf32, #tpu.memory_space<vmem>>, vector<1x2048x64xf32>
    %get3A_67 = vector.shape_cast %get3A_66 : vector<1x2048x64xf32> to vector<2048x64xf32>
    %mul3A_68 = vector.broadcast %mul3A_55 : vector<1x64xf32> to vector<2048x64xf32>
    %mul3A_69 = arith.mulf %get3A_67, %mul3A_68 : vector<2048x64xf32>
    %get3A_70 = arith.constant 0 : index
    %get3A_71 = arith.constant 0 : index
    %get3A_72 = arith.constant 0 : index
    %get3A_73 = vector.load %arg2[%get3A_70, %get3A_71, %get3A_72] : memref<1x2048x64xf32, #tpu.memory_space<vmem>>, vector<1x2048x64xf32>
    %get3A_74 = vector.shape_cast %get3A_73 : vector<1x2048x64xf32> to vector<2048x64xf32>
    %mul3A_75 = vector.broadcast %mul3A_55 : vector<1x64xf32> to vector<2048x64xf32>
    %mul3A_76 = arith.mulf %get3A_74, %mul3A_75 : vector<2048x64xf32>
    %broadcast_in_dim3A_77 = vector.shape_cast %ge3A_62 : vector<1x64xi1> to vector<1x64xi1>
    %broadcast_in_dim3A_78 = vector.broadcast %broadcast_in_dim3A_77 : vector<1x64xi1> to vector<2048x64xi1>
    %select_n3A = arith.select %broadcast_in_dim3A_78, %mul3A_69, %mul3A_76 : vector<2048x64xi1>, vector<2048x64xf32>
    %add3A_79 = vector.broadcast %sub3A_60 : vector<1x64xf32> to vector<2048x64xf32>
    %add3A_80 = arith.addf %select_n3A, %add3A_79 : vector<2048x64xf32>
    %ge3A_81 = arith.constant 0.000000e+00 : f32
    %ge3A_82 = vector.broadcast %ge3A_81 : f32 to vector<2048x64xf32>
    %ge3A_83 = arith.cmpf oge, %add3A_80, %ge3A_82 : vector<2048x64xf32>
    %mul3A_84 = arith.constant 2.000000e-01 : f32
    %mul3A_85 = vector.broadcast %mul3A_84 : f32 to vector<2048x64xf32>
    %mul3A_86 = arith.mulf %mul3A_85, %add3A_80 : vector<2048x64xf32>
    %select_n3A_87 = arith.select %ge3A_83, %add3A_80, %mul3A_86 : vector<2048x64xi1>, vector<2048x64xf32>
    %convert_element_type3A = arith.truncf %select_n3A_87 : vector<2048x64xf32> to vector<2048x64xbf16>
    %get3A_88 = arith.constant 0 : index
    %get3A_89 = arith.constant 0 : index
    %get3A_90 = vector.load %arg8[%get3A_88, %get3A_89] : memref<64x64xbf16, #tpu.memory_space<vmem>>, vector<64x64xbf16>
    %dot_general3A = arith.constant dense<0.000000e+00> : vector<2048x64xf32>
    %dot_general3A_91 = tpu.matmul %convert_element_type3A, %get3A_90, %dot_general3A {dimension_numbers = #tpu.dot_dimension_numbers<[1], [0], [0], [1], [0, 0, 1, 1], [], []>, transpose_lhs_hint = false} : vector<2048x64xbf16>, vector<64x64xbf16>, vector<2048x64xf32> -> vector<2048x64xf32>
    %get3A_92 = arith.constant 0 : index
    %get3A_93 = arith.constant 0 : index
    %get3A_94 = vector.load %arg9[%get3A_92, %get3A_93] : memref<1x64xf32, #tpu.memory_space<vmem>>, vector<1x64xf32>
    %add3A_95 = vector.broadcast %get3A_94 : vector<1x64xf32> to vector<2048x64xf32>
    %add3A_96 = arith.addf %dot_general3A_91, %add3A_95 : vector<2048x64xf32>
    %max3A = arith.constant 0.000000e+00 : f32
    %max3A_97 = vector.broadcast %max3A : f32 to vector<2048x64xf32>
    %max3A_98 = arith.maximumf %add3A_96, %max3A_97 : vector<2048x64xf32>
    %convert_element_type3A_99 = arith.truncf %max3A_98 : vector<2048x64xf32> to vector<2048x64xbf16>
    %get3A_100 = arith.constant 0 : index
    %get3A_101 = arith.constant 0 : index
    %get3A_102 = vector.load %arg10[%get3A_100, %get3A_101] : memref<64x128xbf16, #tpu.memory_space<vmem>>, vector<64x128xbf16>
    %dot_general3A_103 = arith.constant dense<0.000000e+00> : vector<2048x128xf32>
    %dot_general3A_104 = tpu.matmul %convert_element_type3A_99, %get3A_102, %dot_general3A_103 {dimension_numbers = #tpu.dot_dimension_numbers<[1], [0], [0], [1], [0, 0, 1, 1], [], []>, transpose_lhs_hint = false} : vector<2048x64xbf16>, vector<64x128xbf16>, vector<2048x128xf32> -> vector<2048x128xf32>
    %get3A_105 = arith.constant 0 : index
    %get3A_106 = arith.constant 0 : index
    %get3A_107 = vector.load %arg11[%get3A_105, %get3A_106] : memref<1x128xf32, #tpu.memory_space<vmem>>, vector<1x128xf32>
    %add3A_108 = vector.broadcast %get3A_107 : vector<1x128xf32> to vector<2048x128xf32>
    %add3A_109 = arith.addf %dot_general3A_104, %add3A_108 : vector<2048x128xf32>
    %max3A_110 = arith.constant 0.000000e+00 : f32
    %max3A_111 = vector.broadcast %max3A_110 : f32 to vector<2048x128xf32>
    %max3A_112 = arith.maximumf %add3A_109, %max3A_111 : vector<2048x128xf32>
    %convert_element_type3A_113 = arith.truncf %max3A_112 : vector<2048x128xf32> to vector<2048x128xbf16>
    %get3A_114 = arith.constant 0 : index
    %get3A_115 = arith.constant 0 : index
    %get3A_116 = vector.load %arg12[%get3A_114, %get3A_115] : memref<128x256xbf16, #tpu.memory_space<vmem>>, vector<128x256xbf16>
    %dot_general3A_117 = arith.constant dense<0.000000e+00> : vector<2048x256xf32>
    %dot_general3A_118 = tpu.matmul %convert_element_type3A_113, %get3A_116, %dot_general3A_117 {dimension_numbers = #tpu.dot_dimension_numbers<[1], [0], [0], [1], [0, 0, 1, 1], [], []>, transpose_lhs_hint = false} : vector<2048x128xbf16>, vector<128x256xbf16>, vector<2048x256xf32> -> vector<2048x256xf32>
    %get3A_119 = arith.constant 0 : index
    %get3A_120 = arith.constant 0 : index
    %get3A_121 = vector.load %arg13[%get3A_119, %get3A_120] : memref<1x256xf32, #tpu.memory_space<vmem>>, vector<1x256xf32>
    %add3A_122 = vector.broadcast %get3A_121 : vector<1x256xf32> to vector<2048x256xf32>
    %add3A_123 = arith.addf %dot_general3A_118, %add3A_122 : vector<2048x256xf32>
    %max3A_124 = arith.constant 0.000000e+00 : f32
    %max3A_125 = vector.broadcast %max3A_124 : f32 to vector<2048x256xf32>
    %max3A_126 = arith.maximumf %add3A_123, %max3A_125 : vector<2048x256xf32>
    %convert_element_type3A_127 = arith.truncf %max3A_126 : vector<2048x256xf32> to vector<2048x256xbf16>
    %get3A_128 = arith.constant 0 : index
    %get3A_129 = arith.constant 0 : index
    %get3A_130 = vector.load %arg14[%get3A_128, %get3A_129] : memref<256x128xbf16, #tpu.memory_space<vmem>>, vector<256x128xbf16>
    %dot_general3A_131 = arith.constant dense<0.000000e+00> : vector<2048x128xf32>
    %dot_general3A_132 = tpu.matmul %convert_element_type3A_127, %get3A_130, %dot_general3A_131 {dimension_numbers = #tpu.dot_dimension_numbers<[1], [0], [0], [1], [0, 0, 1, 1], [], []>, transpose_lhs_hint = false} : vector<2048x256xbf16>, vector<256x128xbf16>, vector<2048x128xf32> -> vector<2048x128xf32>
    %get3A_133 = arith.constant 0 : index
    %get3A_134 = arith.constant 0 : index
    %get3A_135 = vector.load %arg15[%get3A_133, %get3A_134] : memref<1x128xf32, #tpu.memory_space<vmem>>, vector<1x128xf32>
    %add3A_136 = vector.broadcast %get3A_135 : vector<1x128xf32> to vector<2048x128xf32>
    %add3A_137 = arith.addf %dot_general3A_132, %add3A_136 : vector<2048x128xf32>
    %max3A_138 = arith.constant 0.000000e+00 : f32
    %max3A_139 = vector.broadcast %max3A_138 : f32 to vector<2048x128xf32>
    %max3A_140 = arith.maximumf %add3A_137, %max3A_139 : vector<2048x128xf32>
    %convert_element_type3A_141 = arith.truncf %max3A_140 : vector<2048x128xf32> to vector<2048x128xbf16>
    %get3A_142 = arith.constant 0 : index
    %get3A_143 = arith.constant 0 : index
    %get3A_144 = vector.load %arg16[%get3A_142, %get3A_143] : memref<128x64xbf16, #tpu.memory_space<vmem>>, vector<128x64xbf16>
    %dot_general3A_145 = arith.constant dense<0.000000e+00> : vector<2048x64xf32>
    %dot_general3A_146 = tpu.matmul %convert_element_type3A_141, %get3A_144, %dot_general3A_145 {dimension_numbers = #tpu.dot_dimension_numbers<[1], [0], [0], [1], [0, 0, 1, 1], [], []>, transpose_lhs_hint = false} : vector<2048x128xbf16>, vector<128x64xbf16>, vector<2048x64xf32> -> vector<2048x64xf32>
    %get3A_147 = arith.constant 0 : index
    %get3A_148 = arith.constant 0 : index
    %get3A_149 = vector.load %arg17[%get3A_147, %get3A_148] : memref<1x64xf32, #tpu.memory_space<vmem>>, vector<1x64xf32>
    %add3A_150 = vector.broadcast %get3A_149 : vector<1x64xf32> to vector<2048x64xf32>
    %add3A_151 = arith.addf %dot_general3A_146, %add3A_150 : vector<2048x64xf32>
    %max3A_152 = arith.constant 0.000000e+00 : f32
    %max3A_153 = vector.broadcast %max3A_152 : f32 to vector<2048x64xf32>
    %max3A_154 = arith.maximumf %add3A_151, %max3A_153 : vector<2048x64xf32>
    %convert_element_type3A_155 = arith.truncf %max3A_154 : vector<2048x64xf32> to vector<2048x64xbf16>
    %get3A_156 = arith.constant 0 : index
    %get3A_157 = arith.constant 0 : index
    %get3A_158 = vector.load %arg18[%get3A_156, %get3A_157] : memref<64x13xbf16, #tpu.memory_space<vmem>>, vector<64x13xbf16>
    %dot_general3A_159 = arith.constant dense<0.000000e+00> : vector<2048x13xf32>
    %dot_general3A_160 = tpu.matmul %convert_element_type3A_155, %get3A_158, %dot_general3A_159 {dimension_numbers = #tpu.dot_dimension_numbers<[1], [0], [0], [1], [0, 0, 1, 1], [], []>, transpose_lhs_hint = false} : vector<2048x64xbf16>, vector<64x13xbf16>, vector<2048x13xf32> -> vector<2048x13xf32>
    %get3A_161 = arith.constant 0 : index
    %get3A_162 = arith.constant 0 : index
    %get3A_163 = vector.load %arg19[%get3A_161, %get3A_162] : memref<1x13xf32, #tpu.memory_space<vmem>>, vector<1x13xf32>
    %add3A_164 = vector.broadcast %get3A_163 : vector<1x13xf32> to vector<2048x13xf32>
    %add3A_165 = arith.addf %dot_general3A_160, %add3A_164 : vector<2048x13xf32>
    %swap3A = arith.constant 0 : index
    %swap3A_166 = arith.constant 0 : index
    %swap3A_167 = arith.constant 0 : index
    %swap3A_168 = vector.load %arg20[%swap3A, %swap3A_166, %swap3A_167] : memref<1x2048x13xf32, #tpu.memory_space<vmem>>, vector<1x2048x13xf32>
    %swap3A_169 = vector.shape_cast %swap3A_168 : vector<1x2048x13xf32> to vector<2048x13xf32>
    %swap3A_170 = vector.shape_cast %add3A_165 : vector<2048x13xf32> to vector<1x2048x13xf32>
    tpu.vector_store %arg20[%swap3A, %swap3A_166, %swap3A_167], %swap3A_170 {strides = array<i32>} : memref<1x2048x13xf32, #tpu.memory_space<vmem>>, vector<1x2048x13xf32>,
    return
  }
  func.func @transform_0(%arg0: i32) -> (i32, i32, i32) {
    %c0_i32 = arith.constant 0 : i32
    %c0_i32_0 = arith.constant 0 : i32
    %c0_i32_1 = arith.constant 0 : i32
    return %arg0, %c0_i32, %c0_i32_0 : i32, i32, i32
  }
  func.func @transform_1(%arg0: i32) -> (i32, i32, i32) {
    %c0_i32 = arith.constant 0 : i32
    %c0_i32_0 = arith.constant 0 : i32
    %c0_i32_1 = arith.constant 0 : i32
    return %arg0, %c0_i32, %c0_i32_0 : i32, i32, i32
  }
  func.func @transform_2(%arg0: i32) -> (i32, i32) {
    %c0_i32 = arith.constant 0 : i32
    %c0_i32_0 = arith.constant 0 : i32
    %c0_i32_1 = arith.constant 0 : i32
    return %c0_i32, %c0_i32_0 : i32, i32
  }
  func.func @transform_3(%arg0: i32) -> (i32, i32) {
    %c0_i32 = arith.constant 0 : i32
    %c0_i32_0 = arith.constant 0 : i32
    %c0_i32_1 = arith.constant 0 : i32
    return %c0_i32, %c0_i32_0 : i32, i32
  }
  func.func @transform_4(%arg0: i32) -> (i32, i32) {
    %c0_i32 = arith.constant 0 : i32
    %c0_i32_0 = arith.constant 0 : i32
    %c0_i32_1 = arith.constant 0 : i32
    return %c0_i32, %c0_i32_0 : i32, i32
  }
  func.func @transform_5(%arg0: i32) -> (i32, i32) {
    %c0_i32 = arith.constant 0 : i32
    %c0_i32_0 = arith.constant 0 : i32
    %c0_i32_1 = arith.constant 0 : i32
    return %c0_i32, %c0_i32_0 : i32, i32
  }
  func.func @transform_6(%arg0: i32) -> (i32, i32) {
    %c0_i32 = arith.constant 0 : i32
    %c0_i32_0 = arith.constant 0 : i32
    %c0_i32_1 = arith.constant 0 : i32
    return %c0_i32, %c0_i32_0 : i32, i32
  }
  func.func @transform_7(%arg0: i32) -> (i32, i32) {
    %c0_i32 = arith.constant 0 : i32
    %c0_i32_0 = arith.constant 0 : i32
    %c0_i32_1 = arith.constant 0 : i32
    return %c0_i32, %c0_i32_0 : i32, i32
  }
  func.func @transform_8(%arg0: i32) -> (i32, i32) {
    %c0_i32 = arith.constant 0 : i32
    %c0_i32_0 = arith.constant 0 : i32
    %c0_i32_1 = arith.constant 0 : i32
    return %c0_i32, %c0_i32_0 : i32, i32
  }
  func.func @transform_9(%arg0: i32) -> (i32, i32) {
    %c0_i32 = arith.constant 0 : i32
    %c0_i32_0 = arith.constant 0 : i32
    %c0_i32_1 = arith.constant 0 : i32
    return %c0_i32, %c0_i32_0 : i32, i32
  }
  func.func @transform_10(%arg0: i32) -> (i32, i32) {
    %c0_i32 = arith.constant 0 : i32
    %c0_i32_0 = arith.constant 0 : i32
    %c0_i32_1 = arith.constant 0 : i32
    return %c0_i32, %c0_i32_0 : i32, i32
  }
  func.func @transform_11(%arg0: i32) -> (i32, i32) {
    %c0_i32 = arith.constant 0 : i32
    %c0_i32_0 = arith.constant 0 : i32
    %c0_i32_1 = arith.constant 0 : i32
    return %c0_i32, %c0_i32_0 : i32, i32
  }
  func.func @transform_12(%arg0: i32) -> (i32, i32) {
    %c0_i32 = arith.constant 0 : i32
    %c0_i32_0 = arith.constant 0 : i32
    %c0_i32_1 = arith.constant 0 : i32
    return %c0_i32, %c0_i32_0 : i32, i32
  }
  func.func @transform_13(%arg0: i32) -> (i32, i32) {
    %c0_i32 = arith.constant 0 : i32
    %c0_i32_0 = arith.constant 0 : i32
    %c0_i32_1 = arith.constant 0 : i32
    return %c0_i32, %c0_i32_0 : i32, i32
  }
  func.func @transform_14(%arg0: i32) -> (i32, i32) {
    %c0_i32 = arith.constant 0 : i32
    %c0_i32_0 = arith.constant 0 : i32
    %c0_i32_1 = arith.constant 0 : i32
    return %c0_i32, %c0_i32_0 : i32, i32
  }
  func.func @transform_15(%arg0: i32) -> (i32, i32) {
    %c0_i32 = arith.constant 0 : i32
    %c0_i32_0 = arith.constant 0 : i32
    %c0_i32_1 = arith.constant 0 : i32
    return %c0_i32, %c0_i32_0 : i32, i32
  }
  func.func @transform_16(%arg0: i32) -> (i32, i32) {
    %c0_i32 = arith.constant 0 : i32
    %c0_i32_0 = arith.constant 0 : i32
    %c0_i32_1 = arith.constant 0 : i32
    return %c0_i32, %c0_i32_0 : i32, i32
  }
  func.func @transform_17(%arg0: i32) -> (i32, i32) {
    %c0_i32 = arith.constant 0 : i32
    %c0_i32_0 = arith.constant 0 : i32
    %c0_i32_1 = arith.constant 0 : i32
    return %c0_i32, %c0_i32_0 : i32, i32
  }
  func.func @transform_18(%arg0: i32) -> (i32, i32) {
    %c0_i32 = arith.constant 0 : i32
    %c0_i32_0 = arith.constant 0 : i32
    %c0_i32_1 = arith.constant 0 : i32
    return %c0_i32, %c0_i32_0 : i32, i32
  }
  func.func @transform_19(%arg0: i32) -> (i32, i32, i32) {
    %c0_i32 = arith.constant 0 : i32
    %c0_i32_0 = arith.constant 0 : i32
    %c0_i32_1 = arith.constant 0 : i32
    return %arg0, %c0_i32, %c0_i32_0 : i32, i32, i32
  }
}

module attributes {stable_mosaic.version = 14 : i64} {
  func.func @_edge_kernel(%arg0: i32, %arg1: memref<5x2048x128xf32, #tpu.memory_space<vmem>>, %arg2: memref<2048x3xf32, #tpu.memory_space<vmem>>, %arg3: memref<8x64xf32, #tpu.memory_space<vmem>>, %arg4: memref<2048x64xf32, #tpu.memory_space<vmem>>, %arg5: memref<2048x64xf32, #tpu.memory_space<vmem>>, %arg6: memref<8x128xf32, #tpu.memory_space<vmem>>) attributes {dimension_semantics = [#tpu.dimension_semantics<arbitrary>], iteration_bounds = array<i64: 4>, scalar_prefetch = 0 : i64, scratch_operands = 0 : i64, tpu.core_type = #tpu.core_type<tc>, window_params = [{transform_indices = @transform_0, window_bounds = array<i64: 5, 2048, 128>}, {transform_indices = @transform_1, window_bounds = array<i64: 2048, 3>}, {pipeline_mode = #tpu.pipeline_mode<synchronous>, transform_indices = @transform_2, window_bounds = array<i64: 8, 64>}, {transform_indices = @transform_3, window_bounds = array<i64: 2048, 64>}, {transform_indices = @transform_4, window_bounds = array<i64: 2048, 64>}, {pipeline_mode = #tpu.pipeline_mode<synchronous>, transform_indices = @transform_5, window_bounds = array<i64: 8, 128>}]} {
    %get3A = arith.constant 0 : index
    %get3A_0 = arith.constant 0 : index
    %get3A_1 = vector.load %arg2[%get3A, %get3A_0] : memref<2048x3xf32, #tpu.memory_space<vmem>>, vector<2048x3xf32>
    %get3A_2 = arith.constant 0 : index
    %get3A_3 = arith.constant 0 : index
    %get3A_4 = vector.load %arg3[%get3A_2, %get3A_3] : memref<8x64xf32, #tpu.memory_space<vmem>>, vector<8x64xf32>
    %broadcast_in_dim3A = arith.constant 0.000000e+00 : f32
    %broadcast_in_dim3A_5 = vector.broadcast %broadcast_in_dim3A : f32 to vector<1x3xf32>
    %broadcast_in_dim3A_6 = arith.constant 0.000000e+00 : f32
    %broadcast_in_dim3A_7 = vector.broadcast %broadcast_in_dim3A_6 : f32 to vector<3x3xf32>
    %get3A_8 = arith.constant 0 : index
    %get3A_9 = arith.constant 0 : index
    %get3A_10 = arith.constant 0 : index
    %get3A_11 = vector.load %arg1[%get3A_8, %get3A_9, %get3A_10] : memref<5x2048x128xf32, #tpu.memory_space<vmem>>, vector<1x2048x128xf32>
    %get3A_12 = vector.shape_cast %get3A_11 : vector<1x2048x128xf32> to vector<2048x128xf32>
    %slice3A = vector.extract_strided_slice %get3A_12 {offsets = [0, 0], sizes = [2048, 3], strides = [1, 1]} : vector<2048x128xf32> to vector<2048x3xf32>
    %sub3A = arith.subf %slice3A, %get3A_1 : vector<2048x3xf32>
    %convert_element_type3A = arith.truncf %sub3A : vector<2048x3xf32> to vector<2048x3xbf16>
    %convert_element_type3A_13 = arith.extf %convert_element_type3A : vector<2048x3xbf16> to vector<2048x3xf32>
    %slice3A_14 = vector.extract_strided_slice %convert_element_type3A_13 {offsets = [0, 0], sizes = [2048, 1], strides = [1, 1]} : vector<2048x3xf32> to vector<2048x1xf32>
    %slice3A_15 = vector.extract_strided_slice %get3A_4 {offsets = [0, 0], sizes = [1, 64], strides = [1, 1]} : vector<8x64xf32> to vector<1x64xf32>
    %mul3A = vector.broadcast %slice3A_14 : vector<2048x1xf32> to vector<2048x64xf32>
    %mul3A_16 = vector.broadcast %slice3A_15 : vector<1x64xf32> to vector<2048x64xf32>
    %mul3A_17 = arith.mulf %mul3A, %mul3A_16 : vector<2048x64xf32>
    %slice3A_18 = vector.extract_strided_slice %convert_element_type3A_13 {offsets = [0, 1], sizes = [2048, 1], strides = [1, 1]} : vector<2048x3xf32> to vector<2048x1xf32>
    %slice3A_19 = vector.extract_strided_slice %get3A_4 {offsets = [1, 0], sizes = [1, 64], strides = [1, 1]} : vector<8x64xf32> to vector<1x64xf32>
    %mul3A_20 = vector.broadcast %slice3A_18 : vector<2048x1xf32> to vector<2048x64xf32>
    %mul3A_21 = vector.broadcast %slice3A_19 : vector<1x64xf32> to vector<2048x64xf32>
    %mul3A_22 = arith.mulf %mul3A_20, %mul3A_21 : vector<2048x64xf32>
    %add3A = arith.addf %mul3A_17, %mul3A_22 : vector<2048x64xf32>
    %slice3A_23 = vector.extract_strided_slice %convert_element_type3A_13 {offsets = [0, 2], sizes = [2048, 1], strides = [1, 1]} : vector<2048x3xf32> to vector<2048x1xf32>
    %slice3A_24 = vector.extract_strided_slice %get3A_4 {offsets = [2, 0], sizes = [1, 64], strides = [1, 1]} : vector<8x64xf32> to vector<1x64xf32>
    %mul3A_25 = vector.broadcast %slice3A_23 : vector<2048x1xf32> to vector<2048x64xf32>
    %mul3A_26 = vector.broadcast %slice3A_24 : vector<1x64xf32> to vector<2048x64xf32>
    %mul3A_27 = arith.mulf %mul3A_25, %mul3A_26 : vector<2048x64xf32>
    %add3A_28 = arith.addf %add3A, %mul3A_27 : vector<2048x64xf32>
    %reduce_sum3A = arith.constant dense<0.000000e+00> : vector<3xf32>
    %reduce_sum3A_29 = vector.multi_reduction <add>, %sub3A, %reduce_sum3A [0] : vector<2048x3xf32> to vector<3xf32>
    %broadcast_in_dim3A_30 = vector.shape_cast %reduce_sum3A_29 : vector<3xf32> to vector<1x3xf32>
    %add3A_31 = arith.addf %broadcast_in_dim3A_5, %broadcast_in_dim3A_30 : vector<1x3xf32>
    %dot_general3A = arith.constant dense<0.000000e+00> : vector<3x3xf32>
    %dot_general3A_32 = tpu.matmul %sub3A, %sub3A, %dot_general3A {dimension_numbers = #tpu.dot_dimension_numbers<[0], [0], [1], [1], [0, 1, 1, 1], [], []>, transpose_lhs_hint = false} : vector<2048x3xf32>, vector<2048x3xf32>, vector<3x3xf32> -> vector<3x3xf32>
    %add3A_33 = arith.addf %broadcast_in_dim3A_7, %dot_general3A_32 : vector<3x3xf32>
    %get3A_34 = arith.constant 1 : index
    %get3A_35 = arith.constant 0 : index
    %get3A_36 = arith.constant 0 : index
    %get3A_37 = vector.load %arg1[%get3A_34, %get3A_35, %get3A_36] : memref<5x2048x128xf32, #tpu.memory_space<vmem>>, vector<1x2048x128xf32>
    %get3A_38 = vector.shape_cast %get3A_37 : vector<1x2048x128xf32> to vector<2048x128xf32>
    %slice3A_39 = vector.extract_strided_slice %get3A_38 {offsets = [0, 0], sizes = [2048, 3], strides = [1, 1]} : vector<2048x128xf32> to vector<2048x3xf32>
    %sub3A_40 = arith.subf %slice3A_39, %get3A_1 : vector<2048x3xf32>
    %convert_element_type3A_41 = arith.truncf %sub3A_40 : vector<2048x3xf32> to vector<2048x3xbf16>
    %convert_element_type3A_42 = arith.extf %convert_element_type3A_41 : vector<2048x3xbf16> to vector<2048x3xf32>
    %slice3A_43 = vector.extract_strided_slice %convert_element_type3A_42 {offsets = [0, 0], sizes = [2048, 1], strides = [1, 1]} : vector<2048x3xf32> to vector<2048x1xf32>
    %slice3A_44 = vector.extract_strided_slice %get3A_4 {offsets = [0, 0], sizes = [1, 64], strides = [1, 1]} : vector<8x64xf32> to vector<1x64xf32>
    %mul3A_45 = vector.broadcast %slice3A_43 : vector<2048x1xf32> to vector<2048x64xf32>
    %mul3A_46 = vector.broadcast %slice3A_44 : vector<1x64xf32> to vector<2048x64xf32>
    %mul3A_47 = arith.mulf %mul3A_45, %mul3A_46 : vector<2048x64xf32>
    %slice3A_48 = vector.extract_strided_slice %convert_element_type3A_42 {offsets = [0, 1], sizes = [2048, 1], strides = [1, 1]} : vector<2048x3xf32> to vector<2048x1xf32>
    %slice3A_49 = vector.extract_strided_slice %get3A_4 {offsets = [1, 0], sizes = [1, 64], strides = [1, 1]} : vector<8x64xf32> to vector<1x64xf32>
    %mul3A_50 = vector.broadcast %slice3A_48 : vector<2048x1xf32> to vector<2048x64xf32>
    %mul3A_51 = vector.broadcast %slice3A_49 : vector<1x64xf32> to vector<2048x64xf32>
    %mul3A_52 = arith.mulf %mul3A_50, %mul3A_51 : vector<2048x64xf32>
    %add3A_53 = arith.addf %mul3A_47, %mul3A_52 : vector<2048x64xf32>
    %slice3A_54 = vector.extract_strided_slice %convert_element_type3A_42 {offsets = [0, 2], sizes = [2048, 1], strides = [1, 1]} : vector<2048x3xf32> to vector<2048x1xf32>
    %slice3A_55 = vector.extract_strided_slice %get3A_4 {offsets = [2, 0], sizes = [1, 64], strides = [1, 1]} : vector<8x64xf32> to vector<1x64xf32>
    %mul3A_56 = vector.broadcast %slice3A_54 : vector<2048x1xf32> to vector<2048x64xf32>
    %mul3A_57 = vector.broadcast %slice3A_55 : vector<1x64xf32> to vector<2048x64xf32>
    %mul3A_58 = arith.mulf %mul3A_56, %mul3A_57 : vector<2048x64xf32>
    %add3A_59 = arith.addf %add3A_53, %mul3A_58 : vector<2048x64xf32>
    %max3A = arith.maximumf %add3A_28, %add3A_59 : vector<2048x64xf32>
    %min3A = arith.minimumf %add3A_28, %add3A_59 : vector<2048x64xf32>
    %reduce_sum3A_60 = arith.constant dense<0.000000e+00> : vector<3xf32>
    %reduce_sum3A_61 = vector.multi_reduction <add>, %sub3A_40, %reduce_sum3A_60 [0] : vector<2048x3xf32> to vector<3xf32>
    %broadcast_in_dim3A_62 = vector.shape_cast %reduce_sum3A_61 : vector<3xf32> to vector<1x3xf32>
    %add3A_63 = arith.addf %add3A_31, %broadcast_in_dim3A_62 : vector<1x3xf32>
    %dot_general3A_64 = arith.constant dense<0.000000e+00> : vector<3x3xf32>
    %dot_general3A_65 = tpu.matmul %sub3A_40, %sub3A_40, %dot_general3A_64 {dimension_numbers = #tpu.dot_dimension_numbers<[0], [0], [1], [1], [0, 1, 1, 1], [], []>, transpose_lhs_hint = false} : vector<2048x3xf32>, vector<2048x3xf32>, vector<3x3xf32> -> vector<3x3xf32>
    %add3A_66 = arith.addf %add3A_33, %dot_general3A_65 : vector<3x3xf32>
    %get3A_67 = arith.constant 2 : index
    %get3A_68 = arith.constant 0 : index
    %get3A_69 = arith.constant 0 : index
    %get3A_70 = vector.load %arg1[%get3A_67, %get3A_68, %get3A_69] : memref<5x2048x128xf32, #tpu.memory_space<vmem>>, vector<1x2048x128xf32>
    %get3A_71 = vector.shape_cast %get3A_70 : vector<1x2048x128xf32> to vector<2048x128xf32>
    %slice3A_72 = vector.extract_strided_slice %get3A_71 {offsets = [0, 0], sizes = [2048, 3], strides = [1, 1]} : vector<2048x128xf32> to vector<2048x3xf32>
    %sub3A_73 = arith.subf %slice3A_72, %get3A_1 : vector<2048x3xf32>
    %convert_element_type3A_74 = arith.truncf %sub3A_73 : vector<2048x3xf32> to vector<2048x3xbf16>
    %convert_element_type3A_75 = arith.extf %convert_element_type3A_74 : vector<2048x3xbf16> to vector<2048x3xf32>
    %slice3A_76 = vector.extract_strided_slice %convert_element_type3A_75 {offsets = [0, 0], sizes = [2048, 1], strides = [1, 1]} : vector<2048x3xf32> to vector<2048x1xf32>
    %slice3A_77 = vector.extract_strided_slice %get3A_4 {offsets = [0, 0], sizes = [1, 64], strides = [1, 1]} : vector<8x64xf32> to vector<1x64xf32>
    %mul3A_78 = vector.broadcast %slice3A_76 : vector<2048x1xf32> to vector<2048x64xf32>
    %mul3A_79 = vector.broadcast %slice3A_77 : vector<1x64xf32> to vector<2048x64xf32>
    %mul3A_80 = arith.mulf %mul3A_78, %mul3A_79 : vector<2048x64xf32>
    %slice3A_81 = vector.extract_strided_slice %convert_element_type3A_75 {offsets = [0, 1], sizes = [2048, 1], strides = [1, 1]} : vector<2048x3xf32> to vector<2048x1xf32>
    %slice3A_82 = vector.extract_strided_slice %get3A_4 {offsets = [1, 0], sizes = [1, 64], strides = [1, 1]} : vector<8x64xf32> to vector<1x64xf32>
    %mul3A_83 = vector.broadcast %slice3A_81 : vector<2048x1xf32> to vector<2048x64xf32>
    %mul3A_84 = vector.broadcast %slice3A_82 : vector<1x64xf32> to vector<2048x64xf32>
    %mul3A_85 = arith.mulf %mul3A_83, %mul3A_84 : vector<2048x64xf32>
    %add3A_86 = arith.addf %mul3A_80, %mul3A_85 : vector<2048x64xf32>
    %slice3A_87 = vector.extract_strided_slice %convert_element_type3A_75 {offsets = [0, 2], sizes = [2048, 1], strides = [1, 1]} : vector<2048x3xf32> to vector<2048x1xf32>
    %slice3A_88 = vector.extract_strided_slice %get3A_4 {offsets = [2, 0], sizes = [1, 64], strides = [1, 1]} : vector<8x64xf32> to vector<1x64xf32>
    %mul3A_89 = vector.broadcast %slice3A_87 : vector<2048x1xf32> to vector<2048x64xf32>
    %mul3A_90 = vector.broadcast %slice3A_88 : vector<1x64xf32> to vector<2048x64xf32>
    %mul3A_91 = arith.mulf %mul3A_89, %mul3A_90 : vector<2048x64xf32>
    %add3A_92 = arith.addf %add3A_86, %mul3A_91 : vector<2048x64xf32>
    %max3A_93 = arith.maximumf %max3A, %add3A_92 : vector<2048x64xf32>
    %min3A_94 = arith.minimumf %min3A, %add3A_92 : vector<2048x64xf32>
    %reduce_sum3A_95 = arith.constant dense<0.000000e+00> : vector<3xf32>
    %reduce_sum3A_96 = vector.multi_reduction <add>, %sub3A_73, %reduce_sum3A_95 [0] : vector<2048x3xf32> to vector<3xf32>
    %broadcast_in_dim3A_97 = vector.shape_cast %reduce_sum3A_96 : vector<3xf32> to vector<1x3xf32>
    %add3A_98 = arith.addf %add3A_63, %broadcast_in_dim3A_97 : vector<1x3xf32>
    %dot_general3A_99 = arith.constant dense<0.000000e+00> : vector<3x3xf32>
    %dot_general3A_100 = tpu.matmul %sub3A_73, %sub3A_73, %dot_general3A_99 {dimension_numbers = #tpu.dot_dimension_numbers<[0], [0], [1], [1], [0, 1, 1, 1], [], []>, transpose_lhs_hint = false} : vector<2048x3xf32>, vector<2048x3xf32>, vector<3x3xf32> -> vector<3x3xf32>
    %add3A_101 = arith.addf %add3A_66, %dot_general3A_100 : vector<3x3xf32>
    %get3A_102 = arith.constant 3 : index
    %get3A_103 = arith.constant 0 : index
    %get3A_104 = arith.constant 0 : index
    %get3A_105 = vector.load %arg1[%get3A_102, %get3A_103, %get3A_104] : memref<5x2048x128xf32, #tpu.memory_space<vmem>>, vector<1x2048x128xf32>
    %get3A_106 = vector.shape_cast %get3A_105 : vector<1x2048x128xf32> to vector<2048x128xf32>
    %slice3A_107 = vector.extract_strided_slice %get3A_106 {offsets = [0, 0], sizes = [2048, 3], strides = [1, 1]} : vector<2048x128xf32> to vector<2048x3xf32>
    %sub3A_108 = arith.subf %slice3A_107, %get3A_1 : vector<2048x3xf32>
    %convert_element_type3A_109 = arith.truncf %sub3A_108 : vector<2048x3xf32> to vector<2048x3xbf16>
    %convert_element_type3A_110 = arith.extf %convert_element_type3A_109 : vector<2048x3xbf16> to vector<2048x3xf32>
    %slice3A_111 = vector.extract_strided_slice %convert_element_type3A_110 {offsets = [0, 0], sizes = [2048, 1], strides = [1, 1]} : vector<2048x3xf32> to vector<2048x1xf32>
    %slice3A_112 = vector.extract_strided_slice %get3A_4 {offsets = [0, 0], sizes = [1, 64], strides = [1, 1]} : vector<8x64xf32> to vector<1x64xf32>
    %mul3A_113 = vector.broadcast %slice3A_111 : vector<2048x1xf32> to vector<2048x64xf32>
    %mul3A_114 = vector.broadcast %slice3A_112 : vector<1x64xf32> to vector<2048x64xf32>
    %mul3A_115 = arith.mulf %mul3A_113, %mul3A_114 : vector<2048x64xf32>
    %slice3A_116 = vector.extract_strided_slice %convert_element_type3A_110 {offsets = [0, 1], sizes = [2048, 1], strides = [1, 1]} : vector<2048x3xf32> to vector<2048x1xf32>
    %slice3A_117 = vector.extract_strided_slice %get3A_4 {offsets = [1, 0], sizes = [1, 64], strides = [1, 1]} : vector<8x64xf32> to vector<1x64xf32>
    %mul3A_118 = vector.broadcast %slice3A_116 : vector<2048x1xf32> to vector<2048x64xf32>
    %mul3A_119 = vector.broadcast %slice3A_117 : vector<1x64xf32> to vector<2048x64xf32>
    %mul3A_120 = arith.mulf %mul3A_118, %mul3A_119 : vector<2048x64xf32>
    %add3A_121 = arith.addf %mul3A_115, %mul3A_120 : vector<2048x64xf32>
    %slice3A_122 = vector.extract_strided_slice %convert_element_type3A_110 {offsets = [0, 2], sizes = [2048, 1], strides = [1, 1]} : vector<2048x3xf32> to vector<2048x1xf32>
    %slice3A_123 = vector.extract_strided_slice %get3A_4 {offsets = [2, 0], sizes = [1, 64], strides = [1, 1]} : vector<8x64xf32> to vector<1x64xf32>
    %mul3A_124 = vector.broadcast %slice3A_122 : vector<2048x1xf32> to vector<2048x64xf32>
    %mul3A_125 = vector.broadcast %slice3A_123 : vector<1x64xf32> to vector<2048x64xf32>
    %mul3A_126 = arith.mulf %mul3A_124, %mul3A_125 : vector<2048x64xf32>
    %add3A_127 = arith.addf %add3A_121, %mul3A_126 : vector<2048x64xf32>
    %max3A_128 = arith.maximumf %max3A_93, %add3A_127 : vector<2048x64xf32>
    %min3A_129 = arith.minimumf %min3A_94, %add3A_127 : vector<2048x64xf32>
    %reduce_sum3A_130 = arith.constant dense<0.000000e+00> : vector<3xf32>
    %reduce_sum3A_131 = vector.multi_reduction <add>, %sub3A_108, %reduce_sum3A_130 [0] : vector<2048x3xf32> to vector<3xf32>
    %broadcast_in_dim3A_132 = vector.shape_cast %reduce_sum3A_131 : vector<3xf32> to vector<1x3xf32>
    %add3A_133 = arith.addf %add3A_98, %broadcast_in_dim3A_132 : vector<1x3xf32>
    %dot_general3A_134 = arith.constant dense<0.000000e+00> : vector<3x3xf32>
    %dot_general3A_135 = tpu.matmul %sub3A_108, %sub3A_108, %dot_general3A_134 {dimension_numbers = #tpu.dot_dimension_numbers<[0], [0], [1], [1], [0, 1, 1, 1], [], []>, transpose_lhs_hint = false} : vector<2048x3xf32>, vector<2048x3xf32>, vector<3x3xf32> -> vector<3x3xf32>
    %add3A_136 = arith.addf %add3A_101, %dot_general3A_135 : vector<3x3xf32>
    %get3A_137 = arith.constant 4 : index
    %get3A_138 = arith.constant 0 : index
    %get3A_139 = arith.constant 0 : index
    %get3A_140 = vector.load %arg1[%get3A_137, %get3A_138, %get3A_139] : memref<5x2048x128xf32, #tpu.memory_space<vmem>>, vector<1x2048x128xf32>
    %get3A_141 = vector.shape_cast %get3A_140 : vector<1x2048x128xf32> to vector<2048x128xf32>
    %slice3A_142 = vector.extract_strided_slice %get3A_141 {offsets = [0, 0], sizes = [2048, 3], strides = [1, 1]} : vector<2048x128xf32> to vector<2048x3xf32>
    %sub3A_143 = arith.subf %slice3A_142, %get3A_1 : vector<2048x3xf32>
    %convert_element_type3A_144 = arith.truncf %sub3A_143 : vector<2048x3xf32> to vector<2048x3xbf16>
    %convert_element_type3A_145 = arith.extf %convert_element_type3A_144 : vector<2048x3xbf16> to vector<2048x3xf32>
    %slice3A_146 = vector.extract_strided_slice %convert_element_type3A_145 {offsets = [0, 0], sizes = [2048, 1], strides = [1, 1]} : vector<2048x3xf32> to vector<2048x1xf32>
    %slice3A_147 = vector.extract_strided_slice %get3A_4 {offsets = [0, 0], sizes = [1, 64], strides = [1, 1]} : vector<8x64xf32> to vector<1x64xf32>
    %mul3A_148 = vector.broadcast %slice3A_146 : vector<2048x1xf32> to vector<2048x64xf32>
    %mul3A_149 = vector.broadcast %slice3A_147 : vector<1x64xf32> to vector<2048x64xf32>
    %mul3A_150 = arith.mulf %mul3A_148, %mul3A_149 : vector<2048x64xf32>
    %slice3A_151 = vector.extract_strided_slice %convert_element_type3A_145 {offsets = [0, 1], sizes = [2048, 1], strides = [1, 1]} : vector<2048x3xf32> to vector<2048x1xf32>
    %slice3A_152 = vector.extract_strided_slice %get3A_4 {offsets = [1, 0], sizes = [1, 64], strides = [1, 1]} : vector<8x64xf32> to vector<1x64xf32>
    %mul3A_153 = vector.broadcast %slice3A_151 : vector<2048x1xf32> to vector<2048x64xf32>
    %mul3A_154 = vector.broadcast %slice3A_152 : vector<1x64xf32> to vector<2048x64xf32>
    %mul3A_155 = arith.mulf %mul3A_153, %mul3A_154 : vector<2048x64xf32>
    %add3A_156 = arith.addf %mul3A_150, %mul3A_155 : vector<2048x64xf32>
    %slice3A_157 = vector.extract_strided_slice %convert_element_type3A_145 {offsets = [0, 2], sizes = [2048, 1], strides = [1, 1]} : vector<2048x3xf32> to vector<2048x1xf32>
    %slice3A_158 = vector.extract_strided_slice %get3A_4 {offsets = [2, 0], sizes = [1, 64], strides = [1, 1]} : vector<8x64xf32> to vector<1x64xf32>
    %mul3A_159 = vector.broadcast %slice3A_157 : vector<2048x1xf32> to vector<2048x64xf32>
    %mul3A_160 = vector.broadcast %slice3A_158 : vector<1x64xf32> to vector<2048x64xf32>
    %mul3A_161 = arith.mulf %mul3A_159, %mul3A_160 : vector<2048x64xf32>
    %add3A_162 = arith.addf %add3A_156, %mul3A_161 : vector<2048x64xf32>
    %max3A_163 = arith.maximumf %max3A_128, %add3A_162 : vector<2048x64xf32>
    %min3A_164 = arith.minimumf %min3A_129, %add3A_162 : vector<2048x64xf32>
    %reduce_sum3A_165 = arith.constant dense<0.000000e+00> : vector<3xf32>
    %reduce_sum3A_166 = vector.multi_reduction <add>, %sub3A_143, %reduce_sum3A_165 [0] : vector<2048x3xf32> to vector<3xf32>
    %broadcast_in_dim3A_167 = vector.shape_cast %reduce_sum3A_166 : vector<3xf32> to vector<1x3xf32>
    %add3A_168 = arith.addf %add3A_133, %broadcast_in_dim3A_167 : vector<1x3xf32>
    %dot_general3A_169 = arith.constant dense<0.000000e+00> : vector<3x3xf32>
    %dot_general3A_170 = tpu.matmul %sub3A_143, %sub3A_143, %dot_general3A_169 {dimension_numbers = #tpu.dot_dimension_numbers<[0], [0], [1], [1], [0, 1, 1, 1], [], []>, transpose_lhs_hint = false} : vector<2048x3xf32>, vector<2048x3xf32>, vector<3x3xf32> -> vector<3x3xf32>
    %add3A_171 = arith.addf %add3A_136, %dot_general3A_170 : vector<3x3xf32>
    %swap3A = arith.constant 0 : index
    %swap3A_172 = arith.constant 0 : index
    %swap3A_173 = vector.load %arg4[%swap3A, %swap3A_172] : memref<2048x64xf32, #tpu.memory_space<vmem>>, vector<2048x64xf32>
    tpu.vector_store %arg4[%swap3A, %swap3A_172], %max3A_163 {strides = array<i32>} : memref<2048x64xf32, #tpu.memory_space<vmem>>, vector<2048x64xf32>,
    %swap3A_174 = arith.constant 0 : index
    %swap3A_175 = arith.constant 0 : index
    %swap3A_176 = vector.load %arg5[%swap3A_174, %swap3A_175] : memref<2048x64xf32, #tpu.memory_space<vmem>>, vector<2048x64xf32>
    tpu.vector_store %arg5[%swap3A_174, %swap3A_175], %min3A_164 {strides = array<i32>} : memref<2048x64xf32, #tpu.memory_space<vmem>>, vector<2048x64xf32>,
    %broadcast_in_dim3A_177 = arith.constant 0.000000e+00 : f32
    %broadcast_in_dim3A_178 = vector.broadcast %broadcast_in_dim3A_177 : f32 to vector<1x125xf32>
    %concatenate3A = tpu.concatenate %add3A_168, %broadcast_in_dim3A_178 in 1 : vector<1x3xf32>, vector<1x125xf32> -> vector<1x128xf32>
    %broadcast_in_dim3A_179 = arith.constant 0.000000e+00 : f32
    %broadcast_in_dim3A_180 = vector.broadcast %broadcast_in_dim3A_179 : f32 to vector<3x125xf32>
    %concatenate3A_181 = tpu.concatenate %add3A_171, %broadcast_in_dim3A_180 in 1 : vector<3x3xf32>, vector<3x125xf32> -> vector<3x128xf32>
    %broadcast_in_dim3A_182 = arith.constant 0.000000e+00 : f32
    %broadcast_in_dim3A_183 = vector.broadcast %broadcast_in_dim3A_182 : f32 to vector<4x128xf32>
    %concatenate3A_184 = tpu.concatenate %concatenate3A, %concatenate3A_181, %broadcast_in_dim3A_183 in 0 : vector<1x128xf32>, vector<3x128xf32>, vector<4x128xf32> -> vector<8x128xf32>
    %eq3A = arith.constant 0 : i32
    %eq3A_185 = arith.cmpi eq, %arg0, %eq3A : i32
    %convert_element_type3A_186 = arith.extui %eq3A_185 : i1 to i32
    %cond3A = arith.constant 0 : i32
    %cond3A_187 = arith.cmpi ne, %convert_element_type3A_186, %cond3A : i32
    scf.if %cond3A_187 {
      %swap3A_192 = arith.constant 0 : index
      %swap3A_193 = arith.constant 0 : index
      %swap3A_194 = vector.load %arg6[%swap3A_192, %swap3A_193] : memref<8x128xf32, #tpu.memory_space<vmem>>, vector<8x128xf32>
      tpu.vector_store %arg6[%swap3A_192, %swap3A_193], %concatenate3A_184 {strides = array<i32>} : memref<8x128xf32, #tpu.memory_space<vmem>>, vector<8x128xf32>,
    } else {
    }
    %not3A = arith.constant true
    %not3A_188 = arith.xori %eq3A_185, %not3A : i1
    %convert_element_type3A_189 = arith.extui %not3A_188 : i1 to i32
    %cond3A_190 = arith.constant 0 : i32
    %cond3A_191 = arith.cmpi ne, %convert_element_type3A_189, %cond3A_190 : i32
    scf.if %cond3A_191 {
      %get3A_192 = arith.constant 0 : index
      %get3A_193 = arith.constant 0 : index
      %get3A_194 = vector.load %arg6[%get3A_192, %get3A_193] : memref<8x128xf32, #tpu.memory_space<vmem>>, vector<8x128xf32>
      %add3A_195 = arith.addf %get3A_194, %concatenate3A_184 : vector<8x128xf32>
      %swap3A_196 = arith.constant 0 : index
      %swap3A_197 = arith.constant 0 : index
      %swap3A_198 = vector.load %arg6[%swap3A_196, %swap3A_197] : memref<8x128xf32, #tpu.memory_space<vmem>>, vector<8x128xf32>
      tpu.vector_store %arg6[%swap3A_196, %swap3A_197], %add3A_195 {strides = array<i32>} : memref<8x128xf32, #tpu.memory_space<vmem>>, vector<8x128xf32>,
    } else {
    }
    return
  }
  func.func @transform_0(%arg0: i32) -> (i32, i32, i32) {
    %c0_i32 = arith.constant 0 : i32
    %c0_i32_0 = arith.constant 0 : i32
    %c0_i32_1 = arith.constant 0 : i32
    return %c0_i32, %arg0, %c0_i32_0 : i32, i32, i32
  }
  func.func @transform_1(%arg0: i32) -> (i32, i32) {
    %c0_i32 = arith.constant 0 : i32
    %c0_i32_0 = arith.constant 0 : i32
    return %arg0, %c0_i32 : i32, i32
  }
  func.func @transform_2(%arg0: i32) -> (i32, i32) {
    %c0_i32 = arith.constant 0 : i32
    %c0_i32_0 = arith.constant 0 : i32
    %c0_i32_1 = arith.constant 0 : i32
    return %c0_i32, %c0_i32_0 : i32, i32
  }
  func.func @transform_3(%arg0: i32) -> (i32, i32) {
    %c0_i32 = arith.constant 0 : i32
    %c0_i32_0 = arith.constant 0 : i32
    return %arg0, %c0_i32 : i32, i32
  }
  func.func @transform_4(%arg0: i32) -> (i32, i32) {
    %c0_i32 = arith.constant 0 : i32
    %c0_i32_0 = arith.constant 0 : i32
    return %arg0, %c0_i32 : i32, i32
  }
  func.func @transform_5(%arg0: i32) -> (i32, i32) {
    %c0_i32 = arith.constant 0 : i32
    %c0_i32_0 = arith.constant 0 : i32
    %c0_i32_1 = arith.constant 0 : i32
    return %c0_i32, %c0_i32_0 : i32, i32
  }
}

</mosaic_0001>

<sc_bundles>
// kernel: kernel.10.cloned.1.call-start
scs
__scs_entry_jumppad:
0x0: {  	(pc) =	sbr.rel $0x88, $3  }
0x1: {  	(tag) =	ssettag $0x0;
	lr =	simm.s32 $0x1  }
0x2: {  	[smem:$0x3F91] =	sst lr;
	_ =	strace $0xD0000000  }
0x3: {  	_ = 	snop  }
0x4: {  	_ = 	snop  }
0x5: {  	_ = 	snop  }
0x6: {  	_ = 	snop  }
0x7: {  	_ = 	snop  }
__scs_overlays_trampoline_lowered:
0x8: {  	[smem:$0x3FA0] =	sst s0  }
0x9: {  	[smem:$0x3FA1] =	sst s1  }
0xa: {  	[smem:$0x3FA2] =	sst s2  }
0xb: {  	[smem:$0x3FA3] =	sst s3  }
0xc: {  	[smem:$0x3FA4] =	sst s4  }
0xd: {  	[smem:$0x3FA5] =	sst s5  }
0xe: {  	[smem:$0x3FA6] =	sst s6  }
0xf: {  	[smem:$0x3FA7] =	sst s7  }
0x10: {  	[smem:$0x3FA8] =	sst s8  }
0x11: {  	[smem:$0x3FA9] =	sst s9;
	s0 =	simm.s32 @!p0 $0x0  }
0x12: {  	s1 =	sld [smem:$0x3F8F];
	s0 =	simm.s32 @p0 $0x1  }
0x13: {  	[smem:$0x3FAA] =	sst s0;
	s0 =	simm.s32 @!p1 $0x0  }
0x14: {  	s2 =	sld [smem:$0x3F8E];
	s0 =	simm.s32 @p1 $0x1  }
0x15: {  	[smem:$0x3FAB] =	sst s0;
	s0 =	simm.s32 @!p2 $0x0  }
0x16: {  	s3 =	sld [smem:$0x3FDB];
	s0 =	simm.s32 @p2 $0x1  }
0x17: {  	s4 =	simm.s32 $0x1BF5;
	[smem:$0x3FAD] =	sst s0  }
0x18: {  	s0 =	sld [smem:$0x3F90];
	_ =	swait.ge [sflag:s4], $0x0  }
0x19: {  	s7 =	sld [smem:$0x3F91]  }
0x1a: {  	s8 =	sadd.s32 $0xFFFFE003, lr  }
0x1b: {  	s9 =	sadd.s32 $0xFFFFFEF7, lr;
	s5 =	simm.s32 $0xFFFFFFFF;
	p2 =	slt.u32 s8, $0xFFFFF086  }
0x1c: {  	p1 =	slt.u32 s9, $0xF7A;
	s5 =	simm.s32 @!p2 $0x0  }
0x1d: {  	s5 =	simm.s32 @p1 $0x1;
	p0 =	seq.s32 s7, s2  }
0x1e: {  	s7 =	smul.u32 @!p0 $0xF7A, s2;
	p2 =	seq.s32 @!p0 s5, $0x0  }
0x1f: {  	s9 =	smul.u32 $0xF7A, s1;
	s8 =	simm.s32 @!p0 $0x1BF5;
	p2 =	por !p2, p0  }
0x20: {  	[sflag:s8] =	ssyncset.s32 @!p0 $0xFFFFF086;
	s6 =	sadd.s32 @!p0 s3, s7;
	s7 =	simm.s32 @!p0 $0x108  }
0x21: {  	s3 =	sadd.s32 s3, s9;
	s6 =	sadd.s32 @!p0 $0x88, s6;
	s7 =	simm.s32 @p2 $0x1082  }
0x22: {  	[simem:s7], [sflag:s8] =	dma.local @!p0 [hbm:s6], $0xF7A  }
0x23: {  	s9 =	sor.u32 $0xD0000000, s2;
	s6 =	simm.s32 $0x108;
	_ =	swait.ge @!p0 [sflag:s8], $0x0  }
0x24: {  	s3 =	sadd.s32 $0x88, s3;
	s6 =	simm.s32 @!p1 $0x1082;
	[sflag:s4] =	ssyncset.s32 $0xFFFFF086  }
0x25: {  	[simem:s6], [sflag:s4] =	dma.local [hbm:s3], $0xF7A  }
0x26: {  	[smem:$0x3F91] =	sst s1;
	(tag) =	ssettag s2;
	_ =	strace s9  }
0x27: {  	s1 =	sld [smem:$0x3FA1]  }
0x28: {  	s2 =	sld [smem:$0x3FA2]  }
0x29: {  	s4 =	sld [smem:$0x3FA4]  }
0x2a: {  	p0 =	seq.s32 s5, $0x0;
	s5 =	sld [smem:$0x3FA5]  }
0x2b: {  	s6 =	sld [smem:$0x3FA6]  }
0x2c: {  	s7 =	sld [smem:$0x3FA7]  }
0x2d: {  	s3 =	simm.s32 $0x108;
	s8 =	sld [smem:$0x3FA8]  }
0x2e: {  	s3 =	simm.s32 @!p0 $0x1082;
	s9 =	sld [smem:$0x3FA9]  }
0x2f: {  	lr =	sadd.s32 s0, s3;
	s0 =	sld [smem:$0x3FA0]  }
0x30: {  	s3 =	sld [smem:$0x3FA3]  }
0x31: {  	[smem:$0x3FAC] =	sst s10  }
0x32: {  	s10 =	sld [smem:$0x3FAA];
	_ =	sdelay $0x3  }
0x33: {  	p0 =	seq.s32 s10, $0x1;
	s10 =	sld [smem:$0x3FAC];
	_ =	sdelay $0x3  }
0x34: {  	[smem:$0x3FAC] =	sst s10  }
0x35: {  	s10 =	sld [smem:$0x3FAB];
	_ =	sdelay $0x3  }
0x36: {  	p1 =	seq.s32 s10, $0x1;
	s10 =	sld [smem:$0x3FAC];
	_ =	sdelay $0x3  }
0x37: {  	[smem:$0x3FAC] =	sst s10  }
0x38: {  	s10 =	sld [smem:$0x3FAD]  }
0x39: {  	_ = 	snop;
	(pc) =	sbr.ind lr, $3  }
0x3a: {  	_ = 	snop  }
0x3b: {  	_ = 	snop  }
0x3c: {  	p2 =	seq.s32 s10, $0x1;
	s10 =	sld [smem:$0x3FAC]  }
0x3d: {  	_ =	shalt  }
0x3e: {  	_ =	shalt  }
0x3f: {  	_ =	shalt  }
0x40: {  	_ =	shalt  }
0x41: {  	_ =	shalt  }
0x42: {  	_ =	shalt  }
0x43: {  	_ =	shalt  }
0x44: {  	_ =	shalt  }
0x45: {  	_ =	shalt  }
0x46: {  	_ =	shalt  }
0x47: {  	_ =	shalt  }
0x48: {  	_ =	shalt  }
0x49: {  	_ =	shalt  }
0x4a: {  	_ =	shalt  }
0x4b: {  	_ =	shalt  }
0x4c: {  	_ =	shalt  }
0x4d: {  	_ =	shalt  }
0x4e: {  	_ =	shalt  }
0x4f: {  	_ =	shalt  }
0x50: {  	_ =	shalt  }
0x51: {  	_ =	shalt  }
0x52: {  	_ =	shalt  }
0x53: {  	_ =	shalt  }
0x54: {  	_ =	shalt  }
0x55: {  	_ =	shalt  }
0x56: {  	_ =	shalt  }
0x57: {  	_ =	shalt  }
0x58: {  	_ =	shalt  }
0x59: {  	_ =	shalt  }
0x5a: {  	_ =	shalt  }
0x5b: {  	_ =	shalt  }
0x5c: {  	_ =	shalt  }
0x5d: {  	_ =	shalt  }
0x5e: {  	_ =	shalt  }
0x5f: {  	_ =	shalt  }
0x60: {  	_ =	shalt  }
0x61: {  	_ =	shalt  }
0x62: {  	_ =	shalt  }
0x63: {  	_ =	shalt  }
0x64: {  	_ =	shalt  }
0x65: {  	_ =	shalt  }
0x66: {  	_ =	shalt  }
0x67: {  	_ =	shalt  }
0x68: {  	_ =	shalt  }
0x69: {  	_ =	shalt  }
0x6a: {  	_ =	shalt  }
0x6b: {  	_ =	shalt  }
0x6c: {  	_ =	shalt  }
0x6d: {  	_ =	shalt  }
0x6e: {  	_ =	shalt  }
0x6f: {  	_ =	shalt  }
0x70: {  	_ =	shalt  }
0x71: {  	_ =	shalt  }
0x72: {  	_ =	shalt  }
0x73: {  	_ =	shalt  }
0x74: {  	_ =	shalt  }
0x75: {  	_ =	shalt  }
0x76: {  	_ =	shalt  }
0x77: {  	_ =	shalt  }
0x78: {  	_ =	shalt  }
0x79: {  	_ =	shalt  }
0x7a: {  	_ =	shalt  }
0x7b: {  	_ =	shalt  }
0x7c: {  	_ =	shalt  }
0x7d: {  	_ =	shalt  }
0x7e: {  	_ =	shalt  }
0x7f: {  	_ =	shalt  }
0x80: {  	_ =	shalt  }
0x81: {  	_ =	shalt  }
0x82: {  	_ =	shalt  }
0x83: {  	_ =	shalt  }
0x84: {  	_ =	shalt  }
0x85: {  	_ =	shalt  }
0x86: {  	_ =	shalt  }
0x87: {  	_ =	shalt  }
.Lfunc_end0:
.L_simem_size_0:
called_computation_lowered:
.L_overlay_start_0:
0x88: {  	s2 =	sld [smem:$0x3FD9]  }
0x89: {  	s3 =	sld [smem:$0x3FFE];
	_ =	sdelay $0x1  }
0x8a: {  	s1 =	srdreg.scid  }
0x8b: {  	s0 =	sand.u32 $0x1, s1  }
0x8c: {  	s16 =	sshll.u32 s0, $0xA;
	s2 =	sadd.s32 s3, s2  }
0x8d: {  	s2 =	sadd.s32 s2, s16  }
0x8e: {  	[smem:$0x3FB8] =	sst s2  }
0x8f: {  	_ = 	snop  }
0x90: {  	(tm) =	ssettm $0x1  }
0x91: {  	s17 =	sld [smem:$0x3FFB];
	_ =	sdelay $0x3  }
0x92: {  	_ =	strace s17  }
0x93: {  	s2 =	sld [smem:$0x3FFC];
	_ =	sdelay $0x3  }
0x94: {  	_ =	strace s2  }
0x95: {  	s2 =	sld [smem:$0x3FFD];
	_ =	sdelay $0x3  }
0x96: {  	_ =	strace s2  }
0x97: {  	_ =	strace $0x8FFFFFFF  }
0x98: {  	s18 =	sld [smem:$0x3FDB];
	_ =	sdelay $0x1  }
0x99: {  	s19 =	simm.s32 $_scs_section_size  }
0x9a: {  	s4 =	simm.s32 $_size__tile_overlayer_lowered;
	s5 =	simm.s32 $_tile_overlayer_lowered  }
0x9b: {  	s22 =	simm.s32 $0x1BFF;
	s21 =	sshll.u32 s5, $0x1;
	s2 =	sadd.s32 s19, s18  }
0x9c: {  	s6 =	simm.s32 $0x0;
	s20 =	sshll.u32 s4, $0x1;
	s4 =	sadd.s32 s21, s2  }
0x9d: {  	[timem:s6], [sflag:s22] =	dma.local [hbm:s4], s20  }
0x9e: {  	_ =	swait.ge [sflag:s22], s20  }
0x9f: {  	s3 =	ssub.s32 $0x0, s20;
	[sflag:s22] =	ssyncset.done $0x0  }
0xa0: {  	[sflag:s22] =	ssyncadd.s32 s3;
	_ =	sdelay $0x1  }
0xa1: {  	s23 =	simm.s32 $0x1B8B  }
0xa2: {  	_ =	swait.ge [sflag:s23], $0x1  }
0xa3: {  	[sflag:s23] =	ssyncset.done $0x0  }
0xa4: {  	s25 =	simm.s32 $0x1B8E;
	s24 =	sld [smem:$0x3FFE];
	[sflag:s23] =	ssyncadd.s32 $0xFFFFFFFF  }
0xa5: {  	s26 =	simm.s32 $execute0_lowered;
	[smem:$0x3FD2] =	sst s25  }
0xa6: {  	s4 =	sshll.u32 s26, $0x1;
	_ =	strace $0x80000046;
	[dreg:$0x1] =	wrdreg $0xFFFFFFFF  }
0xa7: {  	s28 =	simm.s32 $_size_execute0_lowered;
	s2 =	sadd.s32 s2, s4;
	[dreg:$0x0] =	wrdreg $0x0  }
0xa8: {  	s4 =	sshll.u32 s28, $0x1;
	[dreg:$0x2] =	wrdreg s2  }
0xa9: {  	[dreg:$0x3] =	wrdreg s4  }
0xaa: {  	[dreg:$0x4] =	wrdreg $0xC0  }
0xab: {  	_ =	task [dreg:s6], $0x5FFFF  }
0xac: {  	[dreg:$0x1] =	wrdreg $0xFFFFFFFF  }
0xad: {  	[dreg:$0x0] =	wrdreg $0x60  }
0xae: {  	[dreg:$0x2] =	wrdreg s24  }
0xaf: {  	[dreg:$0x3] =	wrdreg $0x9  }
0xb0: {  	_ =	task.clear_ibuf [dreg:s6], $0x4FFFF;
	_ =	strace $0x90000046  }
0xb1: {  	s29 =	simm.s32 $0x9;
	_ =	strace $0x80000048  }
0xb2: {  	_ =	swait.ge [sflag:s29], $0x1  }
0xb3: {  	[sflag:s29] =	ssyncadd.s32 $0xFFFFFFFF  }
0xb4: {  	_ =	strace $0x90000048  }
0xb5: {  	_ =	sfence  }
0xb6: {  	s30 =	sld [smem:$0x0];
	_ =	sdelay $0x2  }
0xb7: {  	s31 =	sshll.u32 s1, $0xD;
	s1 =	sshrl.u32 s1, $0x2  }
0xb8: {  	s3 =	sand.u32 $0x4000, s31;
	s1 =	sadd.s32 s1, s30  }
0xb9: {  	s0 =	sor.u32 s3, s0;
	s1 =	sshll.u32 s1, $0x11  }
0xba: {  	s0 =	sor.u32 s1, s0  }
0xbb: {  	s0 =	sadd.s32 $0x8F2B, s0  }
0xbc: {  	[sflag:s0] =	ssyncadd.remote.s32 $0x1  }
0xbd: {  	_ =	sfence.sel $0xFFFF  }
0xbe: {  	[dreg:$0x0] =	wrdreg $0xFFFFFFFF;
	(pc) =	sbr.abs _section_cstart, $3  }
0xbf: {  	[dreg:$0x1] =	wrdreg $0xFFFFFFFF  }
0xc0: {  	_ =	task.clear_ibuf [dreg:s6], $0x2FFFF;
	_ =	strace $0x9FFFFFFF  }
0xc1: {  	(tm) =	ssettm $0x7FFFFFFF  }
tec
execute0_lowered:
.L_overlay_start_1:
0x0: {  	(tag) =	ssettag $0x1  }
0x1: {  	s1 =	srdreg.scid;
	s0 =	stileid.u32  }
0x2: {  	s1 =	sand.u32 $0x1, s1;
	s2 =	sshll.u32 s0, $0x1  }
0x3: {  	s3 =	sor.u32 s1, s2  }
0x4: {  	s4 =	rddreg [dreg:$0x0];
	s5 =	sshll.u32 s3, $0x8;
	s3 =	smul.u32 $0x28000, s3  }
0x5: {  	s2 =	simm.s32 $0x0;
	s5 =	sadd.s32 s5, s4  }
0x6: {  	[smem:$0x7FF] =	sst s2;
	s5 =	sadd.s32 $0x23800, s5;
	s3 =	sshrl.u32 s3, $0x3  }
0x7: {  	_ =	strace $0x80000047;
	[dreg:$0x2] =	wrdreg s5;
	s31 =	sadd.s32 s3, s4  }
0x8: {  	s5 =	rddreg [dreg:$0x2];
	s3 =	sadd.s32 $0x25800, s31  }
0x9: {  	[dreg:$0x3] =	wrdreg s3;
	s3 =	simm.s32 $0x5  }
0xa: {  	[tilespmem:s2], [sflag:$0x5] =	stream.linear.gather [hbm4b:s5+s2], $0x500, $0x38;
	[tilespmem:$0x10800] =	vst v63  }
0xb: {  	_ =	swait.ge [sflag:s3], $0x500  }
0xc: {  	s6 =	simm.s32 $0x800;
	[sflag:s3] =	ssyncset.done $0x0  }
0xd: {  	s4 =	sadd.s32 $0x3800, s4;
	s5 =	simm.s32 $0x80;
	[sflag:s3] =	ssyncadd.s32 $0xFFFFFB00  }
0xe: {  	[tilespmem:s6], [sflag:$0x1] =	stream.indirect.gather [hbm4b:s4+s5], $0x80, s2, s5, $0xb8;
	[tilespmem:$0x10800] =	vst v63  }
0xf: {  	s7 =	simm.s32 $0x4800  }
0x10: {  	[tilespmem:s7], [sflag:$0x2] =	stream.indirect.gather [hbm4b:s4+s5], $0x80, s5, s5, $0xb8;
	[tilespmem:$0x10800] =	vst v63  }
0x11: {  	s8 =	simm.s32 $0x100;
	s9 =	simm.s32 $0x8800  }
0x12: {  	[tilespmem:s9], [sflag:$0x3] =	stream.indirect.gather [hbm4b:s4+s5], $0x80, s8, s5, $0xb8;
	[tilespmem:$0x10800] =	vst v63  }
0x13: {  	s10 =	simm.s32 $0x180;
	s11 =	simm.s32 $0xC800;
	s12 =	simm.s32 $0x1  }
0x14: {  	[tilespmem:s11], [sflag:$0x4] =	stream.indirect.gather [hbm4b:s4+s5], $0x80, s10, s5, $0xb8;
	[tilespmem:$0x10800] =	vst v63  }
0x15: {  	_ =	swait.ge [sflag:s12], $0x4000  }
0x16: {  	[sflag:s12] =	ssyncset.done $0x0  }
0x17: {  	s13 =	rddreg [dreg:$0x3];
	[sflag:s12] =	ssyncadd.s32 $0xFFFFC000  }
0x18: {  	[hbm4b:s13+s2] =	stream.linear.scatter [tilespmem:s6], [sflag:$0x5], $0x4000, $0x38;
	[tilespmem:$0x10800] =	vst v63  }
0x19: {  	_ =	swait.ge [sflag:s3], $0x4000  }
0x1a: {  	[sflag:s3] =	ssyncset.done $0x0  }
0x1b: {  	s14 =	simm.s32 $0x2;
	s13 =	simm.s32 $0x200;
	[sflag:s3] =	ssyncadd.s32 $0xFFFFC000  }
0x1c: {  	[tilespmem:s6], [sflag:$0x1] =	stream.indirect.gather [hbm4b:s4+s5], $0x80, s13, s5, $0xb8;
	[tilespmem:$0x10800] =	vst v63  }
0x1d: {  	_ =	swait.ge [sflag:s14], $0x4000  }
0x1e: {  	[sflag:s14] =	ssyncset.done $0x0  }
0x1f: {  	s15 =	sadd.s32 $0x26000, s31;
	[sflag:s14] =	ssyncadd.s32 $0xFFFFC000  }
0x20: {  	[hbm4b:s15+s2] =	stream.linear.scatter [tilespmem:s7], [sflag:$0x5], $0x4000, $0x38;
	[tilespmem:$0x10800] =	vst v63  }
0x21: {  	_ =	swait.ge [sflag:s3], $0x4000  }
0x22: {  	[sflag:s3] =	ssyncset.done $0x0  }
0x23: {  	s16 =	simm.s32 $0x280;
	s17 =	simm.s32 $0x3;
	[sflag:s3] =	ssyncadd.s32 $0xFFFFC000  }
0x24: {  	[tilespmem:s7], [sflag:$0x2] =	stream.indirect.gather [hbm4b:s4+s5], $0x80, s16, s5, $0xb8;
	[tilespmem:$0x10800] =	vst v63  }
0x25: {  	_ =	swait.ge [sflag:s17], $0x4000  }
0x26: {  	[sflag:s17] =	ssyncset.done $0x0  }
0x27: {  	s18 =	sadd.s32 $0x26800, s31;
	[sflag:s17] =	ssyncadd.s32 $0xFFFFC000  }
0x28: {  	[hbm4b:s18+s2] =	stream.linear.scatter [tilespmem:s9], [sflag:$0x5], $0x4000, $0x38;
	[tilespmem:$0x10800] =	vst v63  }
0x29: {  	_ =	swait.ge [sflag:s3], $0x4000  }
0x2a: {  	[sflag:s3] =	ssyncset.done $0x0  }
0x2b: {  	s19 =	simm.s32 $0x300;
	s20 =	simm.s32 $0x4;
	[sflag:s3] =	ssyncadd.s32 $0xFFFFC000  }
0x2c: {  	[tilespmem:s9], [sflag:$0x3] =	stream.indirect.gather [hbm4b:s4+s5], $0x80, s19, s5, $0xb8;
	[tilespmem:$0x10800] =	vst v63  }
0x2d: {  	_ =	swait.ge [sflag:s20], $0x4000  }
0x2e: {  	[sflag:s20] =	ssyncset.done $0x0  }
0x2f: {  	s21 =	sadd.s32 $0x27000, s31;
	[sflag:s20] =	ssyncadd.s32 $0xFFFFC000  }
0x30: {  	[hbm4b:s21+s2] =	stream.linear.scatter [tilespmem:s11], [sflag:$0x5], $0x4000, $0x38;
	[tilespmem:$0x10800] =	vst v63  }
0x31: {  	_ =	swait.ge [sflag:s3], $0x4000  }
0x32: {  	[sflag:s3] =	ssyncset.done $0x0  }
0x33: {  	s22 =	simm.s32 $0x380;
	[sflag:s3] =	ssyncadd.s32 $0xFFFFC000  }
0x34: {  	[tilespmem:s11], [sflag:$0x4] =	stream.indirect.gather [hbm4b:s4+s5], $0x80, s22, s5, $0xb8;
	[tilespmem:$0x10800] =	vst v63  }
0x35: {  	_ =	swait.ge [sflag:s12], $0x4000  }
0x36: {  	[sflag:s12] =	ssyncset.done $0x0  }
0x37: {  	s23 =	sadd.s32 $0x27800, s31;
	[sflag:s12] =	ssyncadd.s32 $0xFFFFC000  }
0x38: {  	[hbm4b:s23+s2] =	stream.linear.scatter [tilespmem:s6], [sflag:$0x5], $0x4000, $0x38;
	[tilespmem:$0x10800] =	vst v63  }
0x39: {  	_ =	swait.ge [sflag:s3], $0x4000  }
0x3a: {  	[sflag:s3] =	ssyncset.done $0x0  }
0x3b: {  	s24 =	simm.s32 $0x400;
	[sflag:s3] =	ssyncadd.s32 $0xFFFFC000  }
0x3c: {  	[tilespmem:s6], [sflag:$0x1] =	stream.indirect.gather [hbm4b:s4+s5], $0x80, s24, s5, $0xb8;
	[tilespmem:$0x10800] =	vst v63  }
0x3d: {  	_ =	swait.ge [sflag:s14], $0x4000  }
0x3e: {  	[sflag:s14] =	ssyncset.done $0x0  }
0x3f: {  	s25 =	sadd.s32 $0x28000, s31;
	[sflag:s14] =	ssyncadd.s32 $0xFFFFC000  }
0x40: {  	[hbm4b:s25+s2] =	stream.linear.scatter [tilespmem:s7], [sflag:$0x5], $0x4000, $0x38;
	[tilespmem:$0x10800] =	vst v63  }
0x41: {  	_ =	swait.ge [sflag:s3], $0x4000  }
0x42: {  	[sflag:s3] =	ssyncset.done $0x0  }
0x43: {  	s26 =	simm.s32 $0x480;
	[sflag:s3] =	ssyncadd.s32 $0xFFFFC000  }
0x44: {  	[tilespmem:s7], [sflag:$0x2] =	stream.indirect.gather [hbm4b:s4+s5], $0x80, s26, s5, $0xb8;
	[tilespmem:$0x10800] =	vst v63  }
0x45: {  	_ =	swait.ge [sflag:s17], $0x4000  }
0x46: {  	[sflag:s17] =	ssyncset.done $0x0  }
0x47: {  	s28 =	sadd.s32 $0x28800, s31;
	[sflag:s17] =	ssyncadd.s32 $0xFFFFC000  }
0x48: {  	[hbm4b:s28+s2] =	stream.linear.scatter [tilespmem:s9], [sflag:$0x5], $0x4000, $0x38;
	[tilespmem:$0x10800] =	vst v63  }
0x49: {  	_ =	swait.ge [sflag:s3], $0x4000  }
0x4a: {  	[sflag:s3] =	ssyncset.done $0x0  }
0x4b: {  	[sflag:s3] =	ssyncadd.s32 $0xFFFFC000  }
0x4c: {  	_ =	swait.ge [sflag:s20], $0x4000  }
0x4d: {  	[sflag:s20] =	ssyncset.done $0x0  }
0x4e: {  	s29 =	sadd.s32 $0x29000, s31;
	[sflag:s20] =	ssyncadd.s32 $0xFFFFC000  }
0x4f: {  	[hbm4b:s29+s2] =	stream.linear.scatter [tilespmem:s11], [sflag:$0x5], $0x4000, $0x38;
	[tilespmem:$0x10800] =	vst v63  }
0x50: {  	_ =	swait.ge [sflag:s3], $0x4000  }
0x51: {  	[sflag:s3] =	ssyncset.done $0x0  }
0x52: {  	[sflag:s3] =	ssyncadd.s32 $0xFFFFC000  }
0x53: {  	_ =	swait.ge [sflag:s12], $0x4000  }
0x54: {  	s1 =	ssub.s32 $0x2, s1;
	[sflag:s12] =	ssyncset.done $0x0  }
0x55: {  	s0 =	sshrl.u32 s1, $0x1;
	s30 =	sadd.s32 $0x29800, s31;
	[sflag:s12] =	ssyncadd.s32 $0xFFFFC000  }
0x56: {  	[hbm4b:s30+s2] =	stream.linear.scatter [tilespmem:s6], [sflag:$0x5], $0x4000, $0x38;
	[tilespmem:$0x10800] =	vst v63  }
0x57: {  	s0 =	ssub.s32 s1, s0;
	_ =	swait.ge [sflag:s3], $0x4000  }
0x58: {  	s0 =	smax.u32 s0, $0x1;
	[sflag:s3] =	ssyncset.done $0x0  }
0x59: {  	p0 =	sne.s32 s0, $0x1;
	[sflag:s3] =	ssyncadd.s32 $0xFFFFC000  }
.Ltmp0:
0x5a: {  	_ =	swait.ge [sflag:s14], $0x4000;
	(pc) =	sbr.rel @!p0 .LBB2_2-.Ltmp0, $4  }
0x5b: {  	[sflag:s14] =	ssyncset.done $0x0  }
0x5c: {  	s31 =	sadd.s32 $0x2A000, s31;
	[sflag:s14] =	ssyncadd.s32 $0xFFFFC000  }
0x5d: {  	[hbm4b:s31+s2] =	stream.linear.scatter [tilespmem:s7], [sflag:$0x5], $0x4000, $0x38;
	[tilespmem:$0x10800] =	vst v63  }
0x5e: {  	s1 =	sadd.s32 $0xFFFFFFFF, s0;
	_ =	swait.ge [sflag:s3], $0x4000  }
.LBB2_1:
0x5f: {  	[sflag:s3] =	ssyncset.done $0x0  }
0x60: {  	s0 =	rddreg [dreg:$0x2];
	[sflag:s3] =	ssyncadd.s32 $0xFFFFC000  }
0x61: {  	[tilespmem:s2], [sflag:$0x5] =	stream.linear.gather [hbm4b:s0+s2], $0x500, $0x38;
	[tilespmem:$0x10800] =	vst v63  }
0x62: {  	_ =	swait.ge [sflag:s3], $0x500  }
0x63: {  	[sflag:s3] =	ssyncset.done $0x0  }
0x64: {  	[sflag:s3] =	ssyncadd.s32 $0xFFFFFB00  }
0x65: {  	[tilespmem:s6], [sflag:$0x1] =	stream.indirect.gather [hbm4b:s4+s5], $0x80, s2, s5, $0xb8;
	[tilespmem:$0x10800] =	vst v63  }
0x66: {  	_ = 	snop  }
0x67: {  	[tilespmem:s7], [sflag:$0x2] =	stream.indirect.gather [hbm4b:s4+s5], $0x80, s5, s5, $0xb8;
	[tilespmem:$0x10800] =	vst v63  }
0x68: {  	_ = 	snop  }
0x69: {  	[tilespmem:s9], [sflag:$0x3] =	stream.indirect.gather [hbm4b:s4+s5], $0x80, s8, s5, $0xb8;
	[tilespmem:$0x10800] =	vst v63  }
0x6a: {  	_ = 	snop  }
0x6b: {  	[tilespmem:s11], [sflag:$0x4] =	stream.indirect.gather [hbm4b:s4+s5], $0x80, s10, s5, $0xb8;
	[tilespmem:$0x10800] =	vst v63  }
0x6c: {  	_ =	swait.ge [sflag:s12], $0x4000  }
0x6d: {  	[sflag:s12] =	ssyncset.done $0x0  }
0x6e: {  	s0 =	rddreg [dreg:$0x3];
	[sflag:s12] =	ssyncadd.s32 $0xFFFFC000  }
0x6f: {  	[hbm4b:s0+s2] =	stream.linear.scatter [tilespmem:s6], [sflag:$0x5], $0x4000, $0x38;
	[tilespmem:$0x10800] =	vst v63  }
0x70: {  	_ =	swait.ge [sflag:s3], $0x4000  }
0x71: {  	[sflag:s3] =	ssyncset.done $0x0  }
0x72: {  	[sflag:s3] =	ssyncadd.s32 $0xFFFFC000  }
0x73: {  	[tilespmem:s6], [sflag:$0x1] =	stream.indirect.gather [hbm4b:s4+s5], $0x80, s13, s5, $0xb8;
	[tilespmem:$0x10800] =	vst v63  }
0x74: {  	_ =	swait.ge [sflag:s14], $0x4000  }
0x75: {  	[sflag:s14] =	ssyncset.done $0x0  }
0x76: {  	[sflag:s14] =	ssyncadd.s32 $0xFFFFC000  }
0x77: {  	[hbm4b:s15+s2] =	stream.linear.scatter [tilespmem:s7], [sflag:$0x5], $0x4000, $0x38;
	[tilespmem:$0x10800] =	vst v63  }
0x78: {  	_ =	swait.ge [sflag:s3], $0x4000  }
0x79: {  	[sflag:s3] =	ssyncset.done $0x0  }
0x7a: {  	[sflag:s3] =	ssyncadd.s32 $0xFFFFC000  }
0x7b: {  	[tilespmem:s7], [sflag:$0x2] =	stream.indirect.gather [hbm4b:s4+s5], $0x80, s16, s5, $0xb8;
	[tilespmem:$0x10800] =	vst v63  }
0x7c: {  	_ =	swait.ge [sflag:s17], $0x4000  }
0x7d: {  	[sflag:s17] =	ssyncset.done $0x0  }
0x7e: {  	[sflag:s17] =	ssyncadd.s32 $0xFFFFC000  }
0x7f: {  	[hbm4b:s18+s2] =	stream.linear.scatter [tilespmem:s9], [sflag:$0x5], $0x4000, $0x38;
	[tilespmem:$0x10800] =	vst v63  }
0x80: {  	_ =	swait.ge [sflag:s3], $0x4000  }
0x81: {  	[sflag:s3] =	ssyncset.done $0x0  }
0x82: {  	[sflag:s3] =	ssyncadd.s32 $0xFFFFC000  }
0x83: {  	[tilespmem:s9], [sflag:$0x3] =	stream.indirect.gather [hbm4b:s4+s5], $0x80, s19, s5, $0xb8;
	[tilespmem:$0x10800] =	vst v63  }
0x84: {  	_ =	swait.ge [sflag:s20], $0x4000  }
0x85: {  	[sflag:s20] =	ssyncset.done $0x0  }
0x86: {  	[sflag:s20] =	ssyncadd.s32 $0xFFFFC000  }
0x87: {  	[hbm4b:s21+s2] =	stream.linear.scatter [tilespmem:s11], [sflag:$0x5], $0x4000, $0x38;
	[tilespmem:$0x10800] =	vst v63  }
0x88: {  	_ =	swait.ge [sflag:s3], $0x4000  }
0x89: {  	[sflag:s3] =	ssyncset.done $0x0  }
0x8a: {  	[sflag:s3] =	ssyncadd.s32 $0xFFFFC000  }
0x8b: {  	[tilespmem:s11], [sflag:$0x4] =	stream.indirect.gather [hbm4b:s4+s5], $0x80, s22, s5, $0xb8;
	[tilespmem:$0x10800] =	vst v63  }
0x8c: {  	_ =	swait.ge [sflag:s12], $0x4000  }
0x8d: {  	[sflag:s12] =	ssyncset.done $0x0  }
0x8e: {  	[sflag:s12] =	ssyncadd.s32 $0xFFFFC000  }
0x8f: {  	[hbm4b:s23+s2] =	stream.linear.scatter [tilespmem:s6], [sflag:$0x5], $0x4000, $0x38;
	[tilespmem:$0x10800] =	vst v63  }
0x90: {  	_ =	swait.ge [sflag:s3], $0x4000  }
0x91: {  	[sflag:s3] =	ssyncset.done $0x0  }
0x92: {  	[sflag:s3] =	ssyncadd.s32 $0xFFFFC000  }
0x93: {  	[tilespmem:s6], [sflag:$0x1] =	stream.indirect.gather [hbm4b:s4+s5], $0x80, s24, s5, $0xb8;
	[tilespmem:$0x10800] =	vst v63  }
0x94: {  	_ =	swait.ge [sflag:s14], $0x4000  }
0x95: {  	[sflag:s14] =	ssyncset.done $0x0  }
0x96: {  	[sflag:s14] =	ssyncadd.s32 $0xFFFFC000  }
0x97: {  	[hbm4b:s25+s2] =	stream.linear.scatter [tilespmem:s7], [sflag:$0x5], $0x4000, $0x38;
	[tilespmem:$0x10800] =	vst v63  }
0x98: {  	_ =	swait.ge [sflag:s3], $0x4000  }
0x99: {  	[sflag:s3] =	ssyncset.done $0x0  }
0x9a: {  	[sflag:s3] =	ssyncadd.s32 $0xFFFFC000  }
0x9b: {  	[tilespmem:s7], [sflag:$0x2] =	stream.indirect.gather [hbm4b:s4+s5], $0x80, s26, s5, $0xb8;
	[tilespmem:$0x10800] =	vst v63  }
0x9c: {  	_ =	swait.ge [sflag:s17], $0x4000  }
0x9d: {  	[sflag:s17] =	ssyncset.done $0x0  }
0x9e: {  	[sflag:s17] =	ssyncadd.s32 $0xFFFFC000  }
0x9f: {  	[hbm4b:s28+s2] =	stream.linear.scatter [tilespmem:s9], [sflag:$0x5], $0x4000, $0x38;
	[tilespmem:$0x10800] =	vst v63  }
0xa0: {  	_ =	swait.ge [sflag:s3], $0x4000  }
0xa1: {  	[sflag:s3] =	ssyncset.done $0x0  }
0xa2: {  	[sflag:s3] =	ssyncadd.s32 $0xFFFFC000  }
0xa3: {  	_ =	swait.ge [sflag:s20], $0x4000  }
0xa4: {  	[sflag:s20] =	ssyncset.done $0x0  }
0xa5: {  	[sflag:s20] =	ssyncadd.s32 $0xFFFFC000  }
0xa6: {  	[hbm4b:s29+s2] =	stream.linear.scatter [tilespmem:s11], [sflag:$0x5], $0x4000, $0x38;
	[tilespmem:$0x10800] =	vst v63  }
0xa7: {  	_ =	swait.ge [sflag:s3], $0x4000  }
0xa8: {  	[sflag:s3] =	ssyncset.done $0x0  }
0xa9: {  	[sflag:s3] =	ssyncadd.s32 $0xFFFFC000  }
0xaa: {  	_ =	swait.ge [sflag:s12], $0x4000  }
0xab: {  	[sflag:s12] =	ssyncset.done $0x0  }
0xac: {  	[sflag:s12] =	ssyncadd.s32 $0xFFFFC000  }
0xad: {  	[hbm4b:s30+s2] =	stream.linear.scatter [tilespmem:s6], [sflag:$0x5], $0x4000, $0x38;
	[tilespmem:$0x10800] =	vst v63  }
0xae: {  	_ =	swait.ge [sflag:s3], $0x4000  }
0xaf: {  	[sflag:s3] =	ssyncset.done $0x0  }
0xb0: {  	p0 =	sne.s32 s1, $0x1;
	[sflag:s3] =	ssyncadd.s32 $0xFFFFC000  }
.Ltmp1:
0xb1: {  	_ =	swait.ge [sflag:s14], $0x4000;
	(pc) =	sbr.rel @p0 .LBB2_1-.Ltmp1, $4  }
0xb2: {  	[sflag:s14] =	ssyncset.done $0x0  }
0xb3: {  	[sflag:s14] =	ssyncadd.s32 $0xFFFFC000  }
0xb4: {  	[hbm4b:s31+s2] =	stream.linear.scatter [tilespmem:s7], [sflag:$0x5], $0x4000, $0x38;
	[tilespmem:$0x10800] =	vst v63  }
0xb5: {  	s1 =	sadd.s32 $0xFFFFFFFF, s1;
	_ =	swait.ge [sflag:s3], $0x4000  }
.LBB2_2:
0xb6: {  	[sflag:s3] =	ssyncset.done $0x0  }
0xb7: {  	[sflag:s3] =	ssyncadd.s32 $0xFFFFC000  }
0xb8: {  	_ =	sfence.sel $0x180000  }
0xb9: {  	[bflag:$0x0] =	sbarrier.arrive $0xFFFF  }
0xba: {  	_ =	strace $0x90000047  }
0xbb: {  	s0 =	stileid.u32;
	[bflag:$0x2] =	sbarrier.arrive $0xFFFF  }
0xbc: {  	p0 =	sne.s32 s0, $0x0;
	s0 =	rddreg [dreg:$0x1]  }
0xbd: {  	s0 =	sadd.s32 @!p0 $0x100000, s0  }
0xbe: {  	[sflag:s0] =	ssyncadd.tile.s32 @!p0 $0x1;
	_ =	shalt  }
.Lfunc_end2:
_tile_overlayer_lowered:
.L_overlay_start_2:
0xbf: {  	(tag) =	ssettag $0x2  }
0xc0: {  	s0 =	rddreg [dreg:$0x0];
	s2 =	stileid.u32  }
0xc1: {  	s1 =	rddreg [dreg:$0x1];
	p0 =	sne.s32 s2, $0x0  }
0xc2: {  	s3 =	rddreg [dreg:$0x2];
	[bflag:$0x3] =	sbarrier.arrive $0xFFFF;
	s2 =	simm.s32 @!p0 $0x1C05  }
0xc3: {  	[timem:s3], [sflag:s2] =	dma.local @!p0 [hbm:s0], s1  }
0xc4: {  	s0 =	simm.s32 @!p0 $0x5  }
0xc5: {  	_ =	swait.ge @!p0 [sflag:s0], s1  }
0xc6: {  	s1 =	ssub.s32 @!p0 $0x0, s1;
	[sflag:s0] =	ssyncset.done @!p0 $0x0  }
0xc7: {  	[sflag:s0] =	ssyncadd.s32 @!p0 s1  }
0xc8: {  	[bflag:$0x3] =	sbarrier.arrive $0xFFFF  }
0xc9: {  	_ =	shalt  }

// kernel: kernel.13.cloned.1.call-start
scs
__scs_entry_jumppad:
0x0: {  	(pc) =	sbr.rel $0x88, $3  }
0x1: {  	(tag) =	ssettag $0x0;
	lr =	simm.s32 $0x1  }
0x2: {  	[smem:$0x3F91] =	sst lr;
	_ =	strace $0xD0000000  }
0x3: {  	_ = 	snop  }
0x4: {  	_ = 	snop  }
0x5: {  	_ = 	snop  }
0x6: {  	_ = 	snop  }
0x7: {  	_ = 	snop  }
__scs_overlays_trampoline_lowered:
0x8: {  	[smem:$0x3FA0] =	sst s0  }
0x9: {  	[smem:$0x3FA1] =	sst s1  }
0xa: {  	[smem:$0x3FA2] =	sst s2  }
0xb: {  	[smem:$0x3FA3] =	sst s3  }
0xc: {  	[smem:$0x3FA4] =	sst s4  }
0xd: {  	[smem:$0x3FA5] =	sst s5  }
0xe: {  	[smem:$0x3FA6] =	sst s6  }
0xf: {  	[smem:$0x3FA7] =	sst s7  }
0x10: {  	[smem:$0x3FA8] =	sst s8  }
0x11: {  	[smem:$0x3FA9] =	sst s9;
	s0 =	simm.s32 @!p0 $0x0  }
0x12: {  	s1 =	sld [smem:$0x3F8F];
	s0 =	simm.s32 @p0 $0x1  }
0x13: {  	[smem:$0x3FAA] =	sst s0;
	s0 =	simm.s32 @!p1 $0x0  }
0x14: {  	s2 =	sld [smem:$0x3F8E];
	s0 =	simm.s32 @p1 $0x1  }
0x15: {  	[smem:$0x3FAB] =	sst s0;
	s0 =	simm.s32 @!p2 $0x0  }
0x16: {  	s3 =	sld [smem:$0x3FDB];
	s0 =	simm.s32 @p2 $0x1  }
0x17: {  	s4 =	simm.s32 $0x1BF5;
	[smem:$0x3FAD] =	sst s0  }
0x18: {  	s0 =	sld [smem:$0x3F90];
	_ =	swait.ge [sflag:s4], $0x0  }
0x19: {  	s7 =	sld [smem:$0x3F91]  }
0x1a: {  	s8 =	sadd.s32 $0xFFFFE003, lr  }
0x1b: {  	s9 =	sadd.s32 $0xFFFFFEF7, lr;
	s5 =	simm.s32 $0xFFFFFFFF;
	p2 =	slt.u32 s8, $0xFFFFF086  }
0x1c: {  	p1 =	slt.u32 s9, $0xF7A;
	s5 =	simm.s32 @!p2 $0x0  }
0x1d: {  	s5 =	simm.s32 @p1 $0x1;
	p0 =	seq.s32 s7, s2  }
0x1e: {  	s7 =	smul.u32 @!p0 $0xF7A, s2;
	p2 =	seq.s32 @!p0 s5, $0x0  }
0x1f: {  	s9 =	smul.u32 $0xF7A, s1;
	s8 =	simm.s32 @!p0 $0x1BF5;
	p2 =	por !p2, p0  }
0x20: {  	[sflag:s8] =	ssyncset.s32 @!p0 $0xFFFFF086;
	s6 =	sadd.s32 @!p0 s3, s7;
	s7 =	simm.s32 @!p0 $0x108  }
0x21: {  	s3 =	sadd.s32 s3, s9;
	s6 =	sadd.s32 @!p0 $0x88, s6;
	s7 =	simm.s32 @p2 $0x1082  }
0x22: {  	[simem:s7], [sflag:s8] =	dma.local @!p0 [hbm:s6], $0xF7A  }
0x23: {  	s9 =	sor.u32 $0xD0000000, s2;
	s6 =	simm.s32 $0x108;
	_ =	swait.ge @!p0 [sflag:s8], $0x0  }
0x24: {  	s3 =	sadd.s32 $0x88, s3;
	s6 =	simm.s32 @!p1 $0x1082;
	[sflag:s4] =	ssyncset.s32 $0xFFFFF086  }
0x25: {  	[simem:s6], [sflag:s4] =	dma.local [hbm:s3], $0xF7A  }
0x26: {  	[smem:$0x3F91] =	sst s1;
	(tag) =	ssettag s2;
	_ =	strace s9  }
0x27: {  	s1 =	sld [smem:$0x3FA1]  }
0x28: {  	s2 =	sld [smem:$0x3FA2]  }
0x29: {  	s4 =	sld [smem:$0x3FA4]  }
0x2a: {  	p0 =	seq.s32 s5, $0x0;
	s5 =	sld [smem:$0x3FA5]  }
0x2b: {  	s6 =	sld [smem:$0x3FA6]  }
0x2c: {  	s7 =	sld [smem:$0x3FA7]  }
0x2d: {  	s3 =	simm.s32 $0x108;
	s8 =	sld [smem:$0x3FA8]  }
0x2e: {  	s3 =	simm.s32 @!p0 $0x1082;
	s9 =	sld [smem:$0x3FA9]  }
0x2f: {  	lr =	sadd.s32 s0, s3;
	s0 =	sld [smem:$0x3FA0]  }
0x30: {  	s3 =	sld [smem:$0x3FA3]  }
0x31: {  	[smem:$0x3FAC] =	sst s10  }
0x32: {  	s10 =	sld [smem:$0x3FAA];
	_ =	sdelay $0x3  }
0x33: {  	p0 =	seq.s32 s10, $0x1;
	s10 =	sld [smem:$0x3FAC];
	_ =	sdelay $0x3  }
0x34: {  	[smem:$0x3FAC] =	sst s10  }
0x35: {  	s10 =	sld [smem:$0x3FAB];
	_ =	sdelay $0x3  }
0x36: {  	p1 =	seq.s32 s10, $0x1;
	s10 =	sld [smem:$0x3FAC];
	_ =	sdelay $0x3  }
0x37: {  	[smem:$0x3FAC] =	sst s10  }
0x38: {  	s10 =	sld [smem:$0x3FAD]  }
0x39: {  	_ = 	snop;
	(pc) =	sbr.ind lr, $3  }
0x3a: {  	_ = 	snop  }
0x3b: {  	_ = 	snop  }
0x3c: {  	p2 =	seq.s32 s10, $0x1;
	s10 =	sld [smem:$0x3FAC]  }
0x3d: {  	_ =	shalt  }
0x3e: {  	_ =	shalt  }
0x3f: {  	_ =	shalt  }
0x40: {  	_ =	shalt  }
0x41: {  	_ =	shalt  }
0x42: {  	_ =	shalt  }
0x43: {  	_ =	shalt  }
0x44: {  	_ =	shalt  }
0x45: {  	_ =	shalt  }
0x46: {  	_ =	shalt  }
0x47: {  	_ =	shalt  }
0x48: {  	_ =	shalt  }
0x49: {  	_ =	shalt  }
0x4a: {  	_ =	shalt  }
0x4b: {  	_ =	shalt  }
0x4c: {  	_ =	shalt  }
0x4d: {  	_ =	shalt  }
0x4e: {  	_ =	shalt  }
0x4f: {  	_ =	shalt  }
0x50: {  	_ =	shalt  }
0x51: {  	_ =	shalt  }
0x52: {  	_ =	shalt  }
0x53: {  	_ =	shalt  }
0x54: {  	_ =	shalt  }
0x55: {  	_ =	shalt  }
0x56: {  	_ =	shalt  }
0x57: {  	_ =	shalt  }
0x58: {  	_ =	shalt  }
0x59: {  	_ =	shalt  }
0x5a: {  	_ =	shalt  }
0x5b: {  	_ =	shalt  }
0x5c: {  	_ =	shalt  }
0x5d: {  	_ =	shalt  }
0x5e: {  	_ =	shalt  }
0x5f: {  	_ =	shalt  }
0x60: {  	_ =	shalt  }
0x61: {  	_ =	shalt  }
0x62: {  	_ =	shalt  }
0x63: {  	_ =	shalt  }
0x64: {  	_ =	shalt  }
0x65: {  	_ =	shalt  }
0x66: {  	_ =	shalt  }
0x67: {  	_ =	shalt  }
0x68: {  	_ =	shalt  }
0x69: {  	_ =	shalt  }
0x6a: {  	_ =	shalt  }
0x6b: {  	_ =	shalt  }
0x6c: {  	_ =	shalt  }
0x6d: {  	_ =	shalt  }
0x6e: {  	_ =	shalt  }
0x6f: {  	_ =	shalt  }
0x70: {  	_ =	shalt  }
0x71: {  	_ =	shalt  }
0x72: {  	_ =	shalt  }
0x73: {  	_ =	shalt  }
0x74: {  	_ =	shalt  }
0x75: {  	_ =	shalt  }
0x76: {  	_ =	shalt  }
0x77: {  	_ =	shalt  }
0x78: {  	_ =	shalt  }
0x79: {  	_ =	shalt  }
0x7a: {  	_ =	shalt  }
0x7b: {  	_ =	shalt  }
0x7c: {  	_ =	shalt  }
0x7d: {  	_ =	shalt  }
0x7e: {  	_ =	shalt  }
0x7f: {  	_ =	shalt  }
0x80: {  	_ =	shalt  }
0x81: {  	_ =	shalt  }
0x82: {  	_ =	shalt  }
0x83: {  	_ =	shalt  }
0x84: {  	_ =	shalt  }
0x85: {  	_ =	shalt  }
0x86: {  	_ =	shalt  }
0x87: {  	_ =	shalt  }
.Lfunc_end0:
.L_simem_size_0:
called_computation.1_lowered:
.L_overlay_start_0:
0x88: {  	s2 =	sld [smem:$0x3FD9]  }
0x89: {  	s3 =	sld [smem:$0x3FFE];
	_ =	sdelay $0x1  }
0x8a: {  	s1 =	srdreg.scid  }
0x8b: {  	s0 =	sand.u32 $0x1, s1  }
0x8c: {  	s17 =	sshll.u32 s0, $0xA;
	s2 =	sadd.s32 s3, s2  }
0x8d: {  	s2 =	sadd.s32 s2, s17  }
0x8e: {  	[smem:$0x3FB8] =	sst s2  }
0x8f: {  	_ = 	snop  }
0x90: {  	s18 =	sld [smem:$0x3FD0];
	(tm) =	ssettm $0x1  }
0x91: {  	s19 =	sld [smem:$0x3FFB];
	_ =	sdelay $0x3  }
0x92: {  	_ =	strace s19  }
0x93: {  	s2 =	sld [smem:$0x3FFC];
	_ =	sdelay $0x3  }
0x94: {  	_ =	strace s2  }
0x95: {  	s2 =	sld [smem:$0x3FFD];
	_ =	sdelay $0x3  }
0x96: {  	_ =	strace s2  }
0x97: {  	_ =	strace $0x8FFFFFFF  }
0x98: {  	s20 =	sld [smem:$0x3FDB];
	_ =	sdelay $0x1  }
0x99: {  	s4 =	simm.s32 $_scs_section_size  }
0x9a: {  	s5 =	simm.s32 $_size__tile_overlayer_lowered;
	s6 =	simm.s32 $_tile_overlayer_lowered  }
0x9b: {  	s7 =	simm.s32 $0x1BFF;
	s21 =	sshll.u32 s6, $0x1;
	s4 =	sadd.s32 s4, s20  }
0x9c: {  	s22 =	simm.s32 $0x0;
	s5 =	sshll.u32 s5, $0x1;
	s6 =	sadd.s32 s21, s4  }
0x9d: {  	[timem:s22], [sflag:s7] =	dma.local [hbm:s6], s5  }
0x9e: {  	_ =	swait.ge [sflag:s7], s5  }
0x9f: {  	s5 =	ssub.s32 $0x0, s5;
	[sflag:s7] =	ssyncset.done $0x0  }
0xa0: {  	[sflag:s7] =	ssyncadd.s32 s5;
	_ =	sdelay $0x1  }
0xa1: {  	s23 =	simm.s32 $0x1B8B  }
0xa2: {  	_ =	swait.ge [sflag:s23], $0x1  }
0xa3: {  	[sflag:s23] =	ssyncset.done $0x0  }
0xa4: {  	[sflag:s23] =	ssyncadd.s32 $0xFFFFFFFF  }
0xa5: {  	s5 =	sld [smem:$0x0]  }
0xa6: {  	s6 =	sand.u32 $0xFFFFFFFE, s1  }
0xa7: {  	p0 =	sne.s32 s1, s6  }
0xa8: {  	s6 =	sshll.u32 @p0 s6, $0xE  }
0xa9: {  	s6 =	sadd.s32 @p0 $0x11B8D, s6;
	s7 =	sshll.u32 @p0 s5, $0x11  }
0xaa: {  	s6 =	sor.u32 @p0 s7, s6  }
0xab: {  	[sflag:s6] =	ssyncadd.remote.s32 @p0 $0x1;
	_ =	sdelay $0x1  }
0xac: {  	s6 =	simm.s32 @p0 $0x1B8D  }
0xad: {  	_ =	swait.eq @p0 [sflag:s6], $0x1  }
0xae: {  	[sflag:s6] =	ssyncadd.s32 @p0 $0xFFFFFFFF  }
0xaf: {  	s7 =	sshll.u32 @!p0 s1, $0xE  }
0xb0: {  	s7 =	sor.u32 @!p0 $0x4000, s7;
	s6 =	simm.s32 @!p0 $0x1B8D  }
0xb1: {  	s5 =	sshll.u32 @!p0 s5, $0x11;
	s7 =	sadd.s32 @!p0 $0x11B8D, s7;
	_ =	swait.eq @!p0 [sflag:s6], $0x1  }
0xb2: {  	s5 =	sor.u32 @!p0 s5, s7;
	[sflag:s6] =	ssyncadd.s32 @!p0 $0xFFFFFFFF  }
0xb3: {  	s25 =	simm.s32 $0x1B8E;
	s24 =	sld [smem:$0x3FFE];
	[sflag:s5] =	ssyncadd.remote.s32 @!p0 $0x1  }
0xb4: {  	s26 =	simm.s32 $execute0_lowered;
	[smem:$0x3FD2] =	sst s25  }
0xb5: {  	s6 =	sshll.u32 s26, $0x1;
	_ =	strace $0x80000049;
	[dreg:$0x1] =	wrdreg $0xFFFFFFFF  }
0xb6: {  	s28 =	simm.s32 $_size_execute0_lowered;
	s4 =	sadd.s32 s4, s6;
	[dreg:$0x0] =	wrdreg $0x0  }
0xb7: {  	s6 =	sshll.u32 s28, $0x1;
	[dreg:$0x2] =	wrdreg s4  }
0xb8: {  	[dreg:$0x3] =	wrdreg s6  }
0xb9: {  	[dreg:$0x4] =	wrdreg $0xC0  }
0xba: {  	_ =	task [dreg:s22], $0x5FFFF  }
0xbb: {  	[dreg:$0x1] =	wrdreg $0xFFFFFFFF  }
0xbc: {  	[dreg:$0x0] =	wrdreg $0x60  }
0xbd: {  	[dreg:$0x2] =	wrdreg s24  }
0xbe: {  	[dreg:$0x3] =	wrdreg s18  }
0xbf: {  	[dreg:$0x4] =	wrdreg $0xA  }
0xc0: {  	_ =	task.clear_ibuf [dreg:s22], $0x5FFFF;
	_ =	strace $0x90000049  }
0xc1: {  	s29 =	simm.s32 $0xA;
	_ =	strace $0x8000004B  }
0xc2: {  	_ =	swait.ge [sflag:s29], $0x1  }
0xc3: {  	[sflag:s29] =	ssyncadd.s32 $0xFFFFFFFF  }
0xc4: {  	_ =	strace $0x9000004B  }
0xc5: {  	_ =	sfence  }
0xc6: {  	s30 =	sld [smem:$0x0];
	_ =	sdelay $0x2  }
0xc7: {  	s31 =	sshll.u32 s1, $0xD;
	s1 =	sshrl.u32 s1, $0x2  }
0xc8: {  	s4 =	sand.u32 $0x4000, s31;
	s1 =	sadd.s32 s1, s30  }
0xc9: {  	s0 =	sor.u32 s4, s0;
	s1 =	sshll.u32 s1, $0x11  }
0xca: {  	s0 =	sor.u32 s1, s0  }
0xcb: {  	s0 =	sadd.s32 $0x8F2B, s0  }
0xcc: {  	[sflag:s0] =	ssyncadd.remote.s32 $0x1  }
0xcd: {  	_ =	sfence.sel $0xFFFF  }
0xce: {  	[dreg:$0x0] =	wrdreg $0xFFFFFFFF;
	(pc) =	sbr.abs _section_cstart, $3  }
0xcf: {  	[dreg:$0x1] =	wrdreg $0xFFFFFFFF  }
0xd0: {  	_ =	task.clear_ibuf [dreg:s22], $0x2FFFF;
	_ =	strace $0x9FFFFFFF  }
0xd1: {  	(tm) =	ssettm $0x7FFFFFFF  }
tec
execute0_lowered:
.L_overlay_start_1:
0x0: {  	(tag) =	ssettag $0x1  }
0x1: {  	s1 =	srdreg.scid;
	s0 =	stileid.u32  }
0x2: {  	s1 =	sand.u32 $0x1, s1;
	s5 =	sshll.u32 s0, $0x1  }
0x3: {  	s5 =	sor.u32 s1, s5  }
0x4: {  	s4 =	rddreg [dreg:$0x0];
	s6 =	smul.u32 $0x28000, s5  }
0x5: {  	s3 =	rddreg [dreg:$0x1];
	s2 =	simm.s32 $0x0;
	s5 =	sshll.u32 s5, $0x8  }
0x6: {  	[smem:$0x7FF] =	sst s2;
	s3 =	sadd.s32 s3, s5;
	s24 =	sshrl.u32 s6, $0x3  }
0x7: {  	_ =	strace $0x8000004A;
	[dreg:$0x3] =	wrdreg s3;
	s31 =	sadd.s32 s24, s4  }
0x8: {  	s25 =	rddreg [dreg:$0x3];
	s26 =	sadd.s32 $0xE5800, s31  }
0x9: {  	[tilespmem:s2], [sflag:$0x5] =	stream.linear.gather [hbm4b:s25+s2], $0x500, $0x38;
	[tilespmem:$0x10800] =	vst v63  }
0xa: {  	s3 =	simm.s32 $0x5;
	[dreg:$0x4] =	wrdreg s26  }
0xb: {  	_ =	swait.ge [sflag:s3], $0x500  }
0xc: {  	s5 =	simm.s32 $0x80;
	[sflag:s3] =	ssyncset.done $0x0  }
0xd: {  	s6 =	simm.s32 $0x800;
	s4 =	sadd.s32 $0xC5800, s4;
	[sflag:s3] =	ssyncadd.s32 $0xFFFFFB00  }
0xe: {  	[tilespmem:s6], [sflag:$0x1] =	stream.indirect.gather [hbm4b:s4+s5], $0x80, s2, s5, $0xb8;
	[tilespmem:$0x10800] =	vst v63  }
0xf: {  	s7 =	simm.s32 $0x4800  }
0x10: {  	[tilespmem:s7], [sflag:$0x2] =	stream.indirect.gather [hbm4b:s4+s5], $0x80, s5, s5, $0xb8;
	[tilespmem:$0x10800] =	vst v63  }
0x11: {  	s8 =	simm.s32 $0x100;
	s9 =	simm.s32 $0x8800  }
0x12: {  	[tilespmem:s9], [sflag:$0x3] =	stream.indirect.gather [hbm4b:s4+s5], $0x80, s8, s5, $0xb8;
	[tilespmem:$0x10800] =	vst v63  }
0x13: {  	s10 =	simm.s32 $0x180;
	s11 =	simm.s32 $0xC800;
	s12 =	simm.s32 $0x1  }
0x14: {  	[tilespmem:s11], [sflag:$0x4] =	stream.indirect.gather [hbm4b:s4+s5], $0x80, s10, s5, $0xb8;
	[tilespmem:$0x10800] =	vst v63  }
0x15: {  	_ =	swait.ge [sflag:s12], $0x4000  }
0x16: {  	[sflag:s12] =	ssyncset.done $0x0  }
0x17: {  	s13 =	rddreg [dreg:$0x4];
	[sflag:s12] =	ssyncadd.s32 $0xFFFFC000  }
0x18: {  	[hbm4b:s13+s2] =	stream.linear.scatter [tilespmem:s6], [sflag:$0x5], $0x4000, $0x38;
	[tilespmem:$0x10800] =	vst v63  }
0x19: {  	_ =	swait.ge [sflag:s3], $0x4000  }
0x1a: {  	[sflag:s3] =	ssyncset.done $0x0  }
0x1b: {  	s14 =	simm.s32 $0x2;
	s13 =	simm.s32 $0x200;
	[sflag:s3] =	ssyncadd.s32 $0xFFFFC000  }
0x1c: {  	[tilespmem:s6], [sflag:$0x1] =	stream.indirect.gather [hbm4b:s4+s5], $0x80, s13, s5, $0xb8;
	[tilespmem:$0x10800] =	vst v63  }
0x1d: {  	_ =	swait.ge [sflag:s14], $0x4000  }
0x1e: {  	[sflag:s14] =	ssyncset.done $0x0  }
0x1f: {  	s15 =	sadd.s32 $0xE6000, s31;
	[sflag:s14] =	ssyncadd.s32 $0xFFFFC000  }
0x20: {  	[hbm4b:s15+s2] =	stream.linear.scatter [tilespmem:s7], [sflag:$0x5], $0x4000, $0x38;
	[tilespmem:$0x10800] =	vst v63  }
0x21: {  	_ =	swait.ge [sflag:s3], $0x4000  }
0x22: {  	[sflag:s3] =	ssyncset.done $0x0  }
0x23: {  	s16 =	simm.s32 $0x280;
	s17 =	simm.s32 $0x3;
	[sflag:s3] =	ssyncadd.s32 $0xFFFFC000  }
0x24: {  	[tilespmem:s7], [sflag:$0x2] =	stream.indirect.gather [hbm4b:s4+s5], $0x80, s16, s5, $0xb8;
	[tilespmem:$0x10800] =	vst v63  }
0x25: {  	_ =	swait.ge [sflag:s17], $0x4000  }
0x26: {  	[sflag:s17] =	ssyncset.done $0x0  }
0x27: {  	s18 =	sadd.s32 $0xE6800, s31;
	[sflag:s17] =	ssyncadd.s32 $0xFFFFC000  }
0x28: {  	[hbm4b:s18+s2] =	stream.linear.scatter [tilespmem:s9], [sflag:$0x5], $0x4000, $0x38;
	[tilespmem:$0x10800] =	vst v63  }
0x29: {  	_ =	swait.ge [sflag:s3], $0x4000  }
0x2a: {  	[sflag:s3] =	ssyncset.done $0x0  }
0x2b: {  	s19 =	simm.s32 $0x300;
	s20 =	simm.s32 $0x4;
	[sflag:s3] =	ssyncadd.s32 $0xFFFFC000  }
0x2c: {  	[tilespmem:s9], [sflag:$0x3] =	stream.indirect.gather [hbm4b:s4+s5], $0x80, s19, s5, $0xb8;
	[tilespmem:$0x10800] =	vst v63  }
0x2d: {  	_ =	swait.ge [sflag:s20], $0x4000  }
0x2e: {  	[sflag:s20] =	ssyncset.done $0x0  }
0x2f: {  	s21 =	sadd.s32 $0xE7000, s31;
	[sflag:s20] =	ssyncadd.s32 $0xFFFFC000  }
0x30: {  	[hbm4b:s21+s2] =	stream.linear.scatter [tilespmem:s11], [sflag:$0x5], $0x4000, $0x38;
	[tilespmem:$0x10800] =	vst v63  }
0x31: {  	_ =	swait.ge [sflag:s3], $0x4000  }
0x32: {  	[sflag:s3] =	ssyncset.done $0x0  }
0x33: {  	s22 =	simm.s32 $0x380;
	[sflag:s3] =	ssyncadd.s32 $0xFFFFC000  }
0x34: {  	[tilespmem:s11], [sflag:$0x4] =	stream.indirect.gather [hbm4b:s4+s5], $0x80, s22, s5, $0xb8;
	[tilespmem:$0x10800] =	vst v63  }
0x35: {  	_ =	swait.ge [sflag:s12], $0x4000  }
0x36: {  	[sflag:s12] =	ssyncset.done $0x0  }
0x37: {  	s23 =	sadd.s32 $0xE7800, s31;
	[sflag:s12] =	ssyncadd.s32 $0xFFFFC000  }
0x38: {  	[hbm4b:s23+s2] =	stream.linear.scatter [tilespmem:s6], [sflag:$0x5], $0x4000, $0x38;
	[tilespmem:$0x10800] =	vst v63  }
0x39: {  	_ =	swait.ge [sflag:s3], $0x4000  }
0x3a: {  	[sflag:s3] =	ssyncset.done $0x0  }
0x3b: {  	s24 =	simm.s32 $0x400;
	[sflag:s3] =	ssyncadd.s32 $0xFFFFC000  }
0x3c: {  	[tilespmem:s6], [sflag:$0x1] =	stream.indirect.gather [hbm4b:s4+s5], $0x80, s24, s5, $0xb8;
	[tilespmem:$0x10800] =	vst v63  }
0x3d: {  	_ =	swait.ge [sflag:s14], $0x4000  }
0x3e: {  	[sflag:s14] =	ssyncset.done $0x0  }
0x3f: {  	s25 =	sadd.s32 $0xE8000, s31;
	[sflag:s14] =	ssyncadd.s32 $0xFFFFC000  }
0x40: {  	[hbm4b:s25+s2] =	stream.linear.scatter [tilespmem:s7], [sflag:$0x5], $0x4000, $0x38;
	[tilespmem:$0x10800] =	vst v63  }
0x41: {  	_ =	swait.ge [sflag:s3], $0x4000  }
0x42: {  	[sflag:s3] =	ssyncset.done $0x0  }
0x43: {  	s26 =	simm.s32 $0x480;
	[sflag:s3] =	ssyncadd.s32 $0xFFFFC000  }
0x44: {  	[tilespmem:s7], [sflag:$0x2] =	stream.indirect.gather [hbm4b:s4+s5], $0x80, s26, s5, $0xb8;
	[tilespmem:$0x10800] =	vst v63  }
0x45: {  	_ =	swait.ge [sflag:s17], $0x4000  }
0x46: {  	[sflag:s17] =	ssyncset.done $0x0  }
0x47: {  	s28 =	sadd.s32 $0xE8800, s31;
	[sflag:s17] =	ssyncadd.s32 $0xFFFFC000  }
0x48: {  	[hbm4b:s28+s2] =	stream.linear.scatter [tilespmem:s9], [sflag:$0x5], $0x4000, $0x38;
	[tilespmem:$0x10800] =	vst v63  }
0x49: {  	_ =	swait.ge [sflag:s3], $0x4000  }
0x4a: {  	[sflag:s3] =	ssyncset.done $0x0  }
0x4b: {  	[sflag:s3] =	ssyncadd.s32 $0xFFFFC000  }
0x4c: {  	_ =	swait.ge [sflag:s20], $0x4000  }
0x4d: {  	[sflag:s20] =	ssyncset.done $0x0  }
0x4e: {  	s29 =	sadd.s32 $0xE9000, s31;
	[sflag:s20] =	ssyncadd.s32 $0xFFFFC000  }
0x4f: {  	[hbm4b:s29+s2] =	stream.linear.scatter [tilespmem:s11], [sflag:$0x5], $0x4000, $0x38;
	[tilespmem:$0x10800] =	vst v63  }
0x50: {  	_ =	swait.ge [sflag:s3], $0x4000  }
0x51: {  	[sflag:s3] =	ssyncset.done $0x0  }
0x52: {  	[sflag:s3] =	ssyncadd.s32 $0xFFFFC000  }
0x53: {  	_ =	swait.ge [sflag:s12], $0x4000  }
0x54: {  	s1 =	ssub.s32 $0x2, s1;
	[sflag:s12] =	ssyncset.done $0x0  }
0x55: {  	s0 =	sshrl.u32 s1, $0x1;
	s30 =	sadd.s32 $0xE9800, s31;
	[sflag:s12] =	ssyncadd.s32 $0xFFFFC000  }
0x56: {  	[hbm4b:s30+s2] =	stream.linear.scatter [tilespmem:s6], [sflag:$0x5], $0x4000, $0x38;
	[tilespmem:$0x10800] =	vst v63  }
0x57: {  	s0 =	ssub.s32 s1, s0;
	_ =	swait.ge [sflag:s3], $0x4000  }
0x58: {  	s0 =	smax.u32 s0, $0x1;
	[sflag:s3] =	ssyncset.done $0x0  }
0x59: {  	p0 =	sne.s32 s0, $0x1;
	[sflag:s3] =	ssyncadd.s32 $0xFFFFC000  }
.Ltmp0:
0x5a: {  	_ =	swait.ge [sflag:s14], $0x4000;
	(pc) =	sbr.rel @!p0 .LBB2_2-.Ltmp0, $4  }
0x5b: {  	[sflag:s14] =	ssyncset.done $0x0  }
0x5c: {  	s31 =	sadd.s32 $0xEA000, s31;
	[sflag:s14] =	ssyncadd.s32 $0xFFFFC000  }
0x5d: {  	[hbm4b:s31+s2] =	stream.linear.scatter [tilespmem:s7], [sflag:$0x5], $0x4000, $0x38;
	[tilespmem:$0x10800] =	vst v63  }
0x5e: {  	s1 =	sadd.s32 $0xFFFFFFFF, s0;
	_ =	swait.ge [sflag:s3], $0x4000  }
.LBB2_1:
0x5f: {  	[sflag:s3] =	ssyncset.done $0x0  }
0x60: {  	s0 =	rddreg [dreg:$0x3];
	[sflag:s3] =	ssyncadd.s32 $0xFFFFC000  }
0x61: {  	[tilespmem:s2], [sflag:$0x5] =	stream.linear.gather [hbm4b:s0+s2], $0x500, $0x38;
	[tilespmem:$0x10800] =	vst v63  }
0x62: {  	_ =	swait.ge [sflag:s3], $0x500  }
0x63: {  	[sflag:s3] =	ssyncset.done $0x0  }
0x64: {  	[sflag:s3] =	ssyncadd.s32 $0xFFFFFB00  }
0x65: {  	[tilespmem:s6], [sflag:$0x1] =	stream.indirect.gather [hbm4b:s4+s5], $0x80, s2, s5, $0xb8;
	[tilespmem:$0x10800] =	vst v63  }
0x66: {  	_ = 	snop  }
0x67: {  	[tilespmem:s7], [sflag:$0x2] =	stream.indirect.gather [hbm4b:s4+s5], $0x80, s5, s5, $0xb8;
	[tilespmem:$0x10800] =	vst v63  }
0x68: {  	_ = 	snop  }
0x69: {  	[tilespmem:s9], [sflag:$0x3] =	stream.indirect.gather [hbm4b:s4+s5], $0x80, s8, s5, $0xb8;
	[tilespmem:$0x10800] =	vst v63  }
0x6a: {  	_ = 	snop  }
0x6b: {  	[tilespmem:s11], [sflag:$0x4] =	stream.indirect.gather [hbm4b:s4+s5], $0x80, s10, s5, $0xb8;
	[tilespmem:$0x10800] =	vst v63  }
0x6c: {  	_ =	swait.ge [sflag:s12], $0x4000  }
0x6d: {  	[sflag:s12] =	ssyncset.done $0x0  }
0x6e: {  	s0 =	rddreg [dreg:$0x4];
	[sflag:s12] =	ssyncadd.s32 $0xFFFFC000  }
0x6f: {  	[hbm4b:s0+s2] =	stream.linear.scatter [tilespmem:s6], [sflag:$0x5], $0x4000, $0x38;
	[tilespmem:$0x10800] =	vst v63  }
0x70: {  	_ =	swait.ge [sflag:s3], $0x4000  }
0x71: {  	[sflag:s3] =	ssyncset.done $0x0  }
0x72: {  	[sflag:s3] =	ssyncadd.s32 $0xFFFFC000  }
0x73: {  	[tilespmem:s6], [sflag:$0x1] =	stream.indirect.gather [hbm4b:s4+s5], $0x80, s13, s5, $0xb8;
	[tilespmem:$0x10800] =	vst v63  }
0x74: {  	_ =	swait.ge [sflag:s14], $0x4000  }
0x75: {  	[sflag:s14] =	ssyncset.done $0x0  }
0x76: {  	[sflag:s14] =	ssyncadd.s32 $0xFFFFC000  }
0x77: {  	[hbm4b:s15+s2] =	stream.linear.scatter [tilespmem:s7], [sflag:$0x5], $0x4000, $0x38;
	[tilespmem:$0x10800] =	vst v63  }
0x78: {  	_ =	swait.ge [sflag:s3], $0x4000  }
0x79: {  	[sflag:s3] =	ssyncset.done $0x0  }
0x7a: {  	[sflag:s3] =	ssyncadd.s32 $0xFFFFC000  }
0x7b: {  	[tilespmem:s7], [sflag:$0x2] =	stream.indirect.gather [hbm4b:s4+s5], $0x80, s16, s5, $0xb8;
	[tilespmem:$0x10800] =	vst v63  }
0x7c: {  	_ =	swait.ge [sflag:s17], $0x4000  }
0x7d: {  	[sflag:s17] =	ssyncset.done $0x0  }
0x7e: {  	[sflag:s17] =	ssyncadd.s32 $0xFFFFC000  }
0x7f: {  	[hbm4b:s18+s2] =	stream.linear.scatter [tilespmem:s9], [sflag:$0x5], $0x4000, $0x38;
	[tilespmem:$0x10800] =	vst v63  }
0x80: {  	_ =	swait.ge [sflag:s3], $0x4000  }
0x81: {  	[sflag:s3] =	ssyncset.done $0x0  }
0x82: {  	[sflag:s3] =	ssyncadd.s32 $0xFFFFC000  }
0x83: {  	[tilespmem:s9], [sflag:$0x3] =	stream.indirect.gather [hbm4b:s4+s5], $0x80, s19, s5, $0xb8;
	[tilespmem:$0x10800] =	vst v63  }
0x84: {  	_ =	swait.ge [sflag:s20], $0x4000  }
0x85: {  	[sflag:s20] =	ssyncset.done $0x0  }
0x86: {  	[sflag:s20] =	ssyncadd.s32 $0xFFFFC000  }
0x87: {  	[hbm4b:s21+s2] =	stream.linear.scatter [tilespmem:s11], [sflag:$0x5], $0x4000, $0x38;
	[tilespmem:$0x10800] =	vst v63  }
0x88: {  	_ =	swait.ge [sflag:s3], $0x4000  }
0x89: {  	[sflag:s3] =	ssyncset.done $0x0  }
0x8a: {  	[sflag:s3] =	ssyncadd.s32 $0xFFFFC000  }
0x8b: {  	[tilespmem:s11], [sflag:$0x4] =	stream.indirect.gather [hbm4b:s4+s5], $0x80, s22, s5, $0xb8;
	[tilespmem:$0x10800] =	vst v63  }
0x8c: {  	_ =	swait.ge [sflag:s12], $0x4000  }
0x8d: {  	[sflag:s12] =	ssyncset.done $0x0  }
0x8e: {  	[sflag:s12] =	ssyncadd.s32 $0xFFFFC000  }
0x8f: {  	[hbm4b:s23+s2] =	stream.linear.scatter [tilespmem:s6], [sflag:$0x5], $0x4000, $0x38;
	[tilespmem:$0x10800] =	vst v63  }
0x90: {  	_ =	swait.ge [sflag:s3], $0x4000  }
0x91: {  	[sflag:s3] =	ssyncset.done $0x0  }
0x92: {  	[sflag:s3] =	ssyncadd.s32 $0xFFFFC000  }
0x93: {  	[tilespmem:s6], [sflag:$0x1] =	stream.indirect.gather [hbm4b:s4+s5], $0x80, s24, s5, $0xb8;
	[tilespmem:$0x10800] =	vst v63  }
0x94: {  	_ =	swait.ge [sflag:s14], $0x4000  }
0x95: {  	[sflag:s14] =	ssyncset.done $0x0  }
0x96: {  	[sflag:s14] =	ssyncadd.s32 $0xFFFFC000  }
0x97: {  	[hbm4b:s25+s2] =	stream.linear.scatter [tilespmem:s7], [sflag:$0x5], $0x4000, $0x38;
	[tilespmem:$0x10800] =	vst v63  }
0x98: {  	_ =	swait.ge [sflag:s3], $0x4000  }
0x99: {  	[sflag:s3] =	ssyncset.done $0x0  }
0x9a: {  	[sflag:s3] =	ssyncadd.s32 $0xFFFFC000  }
0x9b: {  	[tilespmem:s7], [sflag:$0x2] =	stream.indirect.gather [hbm4b:s4+s5], $0x80, s26, s5, $0xb8;
	[tilespmem:$0x10800] =	vst v63  }
0x9c: {  	_ =	swait.ge [sflag:s17], $0x4000  }
0x9d: {  	[sflag:s17] =	ssyncset.done $0x0  }
0x9e: {  	[sflag:s17] =	ssyncadd.s32 $0xFFFFC000  }
0x9f: {  	[hbm4b:s28+s2] =	stream.linear.scatter [tilespmem:s9], [sflag:$0x5], $0x4000, $0x38;
	[tilespmem:$0x10800] =	vst v63  }
0xa0: {  	_ =	swait.ge [sflag:s3], $0x4000  }
0xa1: {  	[sflag:s3] =	ssyncset.done $0x0  }
0xa2: {  	[sflag:s3] =	ssyncadd.s32 $0xFFFFC000  }
0xa3: {  	_ =	swait.ge [sflag:s20], $0x4000  }
0xa4: {  	[sflag:s20] =	ssyncset.done $0x0  }
0xa5: {  	[sflag:s20] =	ssyncadd.s32 $0xFFFFC000  }
0xa6: {  	[hbm4b:s29+s2] =	stream.linear.scatter [tilespmem:s11], [sflag:$0x5], $0x4000, $0x38;
	[tilespmem:$0x10800] =	vst v63  }
0xa7: {  	_ =	swait.ge [sflag:s3], $0x4000  }
0xa8: {  	[sflag:s3] =	ssyncset.done $0x0  }
0xa9: {  	[sflag:s3] =	ssyncadd.s32 $0xFFFFC000  }
0xaa: {  	_ =	swait.ge [sflag:s12], $0x4000  }
0xab: {  	[sflag:s12] =	ssyncset.done $0x0  }
0xac: {  	[sflag:s12] =	ssyncadd.s32 $0xFFFFC000  }
0xad: {  	[hbm4b:s30+s2] =	stream.linear.scatter [tilespmem:s6], [sflag:$0x5], $0x4000, $0x38;
	[tilespmem:$0x10800] =	vst v63  }
0xae: {  	_ =	swait.ge [sflag:s3], $0x4000  }
0xaf: {  	[sflag:s3] =	ssyncset.done $0x0  }
0xb0: {  	p0 =	sne.s32 s1, $0x1;
	[sflag:s3] =	ssyncadd.s32 $0xFFFFC000  }
.Ltmp1:
0xb1: {  	_ =	swait.ge [sflag:s14], $0x4000;
	(pc) =	sbr.rel @p0 .LBB2_1-.Ltmp1, $4  }
0xb2: {  	[sflag:s14] =	ssyncset.done $0x0  }
0xb3: {  	[sflag:s14] =	ssyncadd.s32 $0xFFFFC000  }
0xb4: {  	[hbm4b:s31+s2] =	stream.linear.scatter [tilespmem:s7], [sflag:$0x5], $0x4000, $0x38;
	[tilespmem:$0x10800] =	vst v63  }
0xb5: {  	s1 =	sadd.s32 $0xFFFFFFFF, s1;
	_ =	swait.ge [sflag:s3], $0x4000  }
.LBB2_2:
0xb6: {  	[sflag:s3] =	ssyncset.done $0x0  }
0xb7: {  	[sflag:s3] =	ssyncadd.s32 $0xFFFFC000  }
0xb8: {  	_ =	sfence.sel $0x180000  }
0xb9: {  	[bflag:$0x0] =	sbarrier.arrive $0xFFFF  }
0xba: {  	_ =	strace $0x9000004A  }
0xbb: {  	s0 =	stileid.u32;
	[bflag:$0x2] =	sbarrier.arrive $0xFFFF  }
0xbc: {  	p0 =	sne.s32 s0, $0x0;
	s0 =	rddreg [dreg:$0x2]  }
0xbd: {  	s0 =	sadd.s32 @!p0 $0x100000, s0  }
0xbe: {  	[sflag:s0] =	ssyncadd.tile.s32 @!p0 $0x1;
	_ =	shalt  }
.Lfunc_end2:
_tile_overlayer_lowered:
.L_overlay_start_2:
0xbf: {  	(tag) =	ssettag $0x2  }
0xc0: {  	s0 =	rddreg [dreg:$0x0];
	s2 =	stileid.u32  }
0xc1: {  	s1 =	rddreg [dreg:$0x1];
	p0 =	sne.s32 s2, $0x0  }
0xc2: {  	s3 =	rddreg [dreg:$0x2];
	[bflag:$0x3] =	sbarrier.arrive $0xFFFF;
	s2 =	simm.s32 @!p0 $0x1C05  }
0xc3: {  	[timem:s3], [sflag:s2] =	dma.local @!p0 [hbm:s0], s1  }
0xc4: {  	s0 =	simm.s32 @!p0 $0x5  }
0xc5: {  	_ =	swait.ge @!p0 [sflag:s0], s1  }
0xc6: {  	s1 =	ssub.s32 @!p0 $0x0, s1;
	[sflag:s0] =	ssyncset.done @!p0 $0x0  }
0xc7: {  	[sflag:s0] =	ssyncadd.s32 @!p0 s1  }
0xc8: {  	[bflag:$0x3] =	sbarrier.arrive $0xFFFF  }
0xc9: {  	_ =	shalt  }

</sc_bundles>
